<compile_context>
chip_gen: v7x
topology: tpu7x:2x2x1
jax: 0.10.2.dev20260603
libtpu: 0.0.44.dev20260713+nightly
codegen_flags: <defaults>
</compile_context>

<pallas_src>
import jax
import jax.numpy as jnp
from jax import lax
from jax.experimental import pallas as pl
from jax.experimental.pallas import tpu as pltpu
from jax.experimental.pallas import tpu_sc as plsc

N = 128 * 128
K0 = N // 2
NT = 16
CHUNK = N // NT
NV = CHUNK // 16
R, C = 128, 128
LEVELS = [(22, 8), (14, 8), (6, 8), (0, 6)]


def _tc_body(w_ref, x0, x1, x2, x3, x4, x5, x6, score_ref, p_ref):
    xs = (x0, x1, x2, x3, x4, x5, x6)
    xb = [xs[d][...].astype(jnp.bfloat16).astype(jnp.float32) for d in range(7)]
    wb = [w_ref[d].astype(jnp.bfloat16).astype(jnp.float32) for d in range(7)]
    t = [xb[d] * wb[d] for d in range(7)]
    y = (((t[0] + t[1]) + (t[2] + t[3])) + (t[4] + t[5])) + t[6]
    score = jax.nn.sigmoid(y)
    score_ref[...] = score
    p_ref[...] = x3[...] * (score + 1.0)


def _sc_body(score_hbm, p_hbm, newx_hbm, score_v, p_v, out_v, hist_v,
             hist_all_v, merged_v, tie_v, ties_all_v, hist_sh, ties_sh):
    sid = lax.axis_index("s")
    base = CHUNK * sid
    lanes = jnp.arange(16, dtype=jnp.int32)

    pltpu.sync_copy(score_hbm.at[pl.ds(base, CHUNK)], score_v)
    pltpu.sync_copy(p_hbm.at[pl.ds(base, CHUNK)], p_v)

    rem = jnp.int32(K0)
    prefix = jnp.int32(0)
    ones = jnp.ones((16,), jnp.int32)
    for lvl, (shift, width) in enumerate(LEVELS):
        nb = 1 << width
        ngroups = nb // 16

        def zero_hist(g, _):
            hist_v[pl.ds(16 * g, 16)] = jnp.zeros((16,), jnp.int32)
            return 0

        lax.fori_loop(0, ngroups, zero_hist, 0)

        def build(j, _, shift=shift, width=width, prefix=prefix, nb=nb):
            key = plsc.bitcast(score_v[pl.ds(16 * j, 16)], jnp.int32)
            mask = (key >> (shift + width)) == prefix
            b = (key >> shift) & (nb - 1)
            plsc.addupdate_scatter(hist_v, [b], ones, mask=mask)
            return 0

        lax.fori_loop(0, NV, build, 0)
        pltpu.sync_copy(
            hist_v.at[pl.ds(0, nb)], hist_sh.at[lvl].at[sid].at[pl.ds(0, nb)]
        )
        plsc.subcore_barrier()
        pltpu.sync_copy(hist_sh.at[lvl], hist_all_v)

        def merge(g, _):
            acc = jnp.zeros((16,), jnp.int32)
            for r in range(NT):
                acc = acc + hist_all_v[r, pl.ds(16 * g, 16)]
            merged_v[pl.ds(16 * g, 16)] = acc
            return 0

        lax.fori_loop(0, ngroups, merge, 0)

        def scan(g, carry):
            found, b_sel, cb_sel, before = carry
            hv = merged_v[pl.ds(16 * g, 16)]
            c = plsc.cumsum(hv)
            tot = jnp.max(c)
            ge = (before + c) >= rem
            s = jnp.sum(ge.astype(jnp.int32))
            lane = 16 - s
            hit = jnp.logical_and(jnp.logical_not(found), s > 0)
            e = jnp.sum(jnp.where(lanes == lane, c - hv, 0))
            b_sel = jnp.where(hit, 16 * g + lane, b_sel)
            cb_sel = jnp.where(hit, before + e, cb_sel)
            found = jnp.logical_or(found, s > 0)
            return found, b_sel, cb_sel, before + tot

        init = (jnp.bool_(False), jnp.int32(0), jnp.int32(0), jnp.int32(0))
        _, b_sel, cb_sel, _ = lax.fori_loop(0, ngroups, scan, init)
        rem = rem - cb_sel
        prefix = (prefix << width) | b_sel

    T = prefix
    m = rem

    def tie_count(j, acc):
        key = plsc.bitcast(score_v[pl.ds(16 * j, 16)], jnp.int32)
        return acc + jnp.sum((key == T).astype(jnp.int32))

    my_ties = lax.fori_loop(0, NV, tie_count, jnp.int32(0))
    tie_v[pl.ds(0, 16)] = jnp.where(lanes == sid, my_ties, 0)
    pltpu.sync_copy(tie_v, ties_sh.at[sid])
    plsc.subcore_barrier()
    pltpu.sync_copy(ties_sh, ties_all_v)

    tie_all = jnp.zeros((16,), jnp.int32)
    for t in range(NT):
        tie_all = tie_all + ties_all_v[t, pl.ds(0, 16)]
    before_me = jnp.sum(jnp.where(lanes < sid, tie_all, 0))

    def emit(j, r):
        key = plsc.bitcast(score_v[pl.ds(16 * j, 16)], jnp.int32)
        tie = key == T
        inc = plsc.cumsum(tie.astype(jnp.int32))
        sel = jnp.logical_or(key < T, jnp.logical_and(tie, (r + inc) <= m))
        out_v[pl.ds(16 * j, 16)] = jnp.where(sel, p_v[pl.ds(16 * j, 16)], 0.0)
        return r + jnp.max(inc)

    lax.fori_loop(0, NV, emit, before_me)
    pltpu.sync_copy(out_v, newx_hbm.at[pl.ds(base, CHUNK)])


def kernel(x, conv_w):
    xp = jnp.pad(x, (3, 3))
    xs = [xp[d : d + N].reshape(R, C) for d in range(7)]
    w = conv_w.reshape(7)
    score2d, p2d = pl.pallas_call(
        _tc_body,
        out_shape=(
            jax.ShapeDtypeStruct((R, C), jnp.float32),
            jax.ShapeDtypeStruct((R, C), jnp.float32),
        ),
        in_specs=[pl.BlockSpec(memory_space=pltpu.SMEM)]
        + [pl.BlockSpec(memory_space=pltpu.VMEM)] * 7,
        out_specs=(
            pl.BlockSpec(memory_space=pltpu.VMEM),
            pl.BlockSpec(memory_space=pltpu.VMEM),
        ),
    )(w, *xs)
    score = score2d.reshape(N)
    p = p2d.reshape(N)

    mesh = plsc.VectorSubcoreMesh(
        core_axis_name="c", subcore_axis_name="s", num_cores=1, num_subcores=16
    )
    newx = pl.kernel(
        _sc_body,
        out_type=jax.ShapeDtypeStruct((N,), jnp.float32),
        mesh=mesh,
        compiler_params=pltpu.CompilerParams(needs_layout_passes=False),
        scratch_types=[
            pltpu.VMEM((CHUNK,), jnp.float32),
            pltpu.VMEM((CHUNK,), jnp.float32),
            pltpu.VMEM((CHUNK,), jnp.float32),
            pltpu.VMEM((256,), jnp.int32),
            pltpu.VMEM((NT, 256), jnp.int32),
            pltpu.VMEM((256,), jnp.int32),
            pltpu.VMEM((16,), jnp.int32),
            pltpu.VMEM((NT, 16), jnp.int32),
            pltpu.VMEM_SHARED((4, NT, 256), jnp.int32),
            pltpu.VMEM_SHARED((NT, 16), jnp.int32),
        ],
    )(score, p)
    return newx, score

# --- scband reference (transcript-rebuilt; emitter-appended) ---
"""Pipeline reference for scband-connect-attention-59090160058553 (READ-ONLY COPY).

The authoritative reference and input builder live on the scoring server;
editing this copy changes nothing except your own understanding.
"""

import jax, jax.numpy as jnp
import numpy as np
from jax import lax

N = 128 * 128
K = 7  # kernel_size (already odd)
PAD = K // 2
SCORE_LIMIT = int(0.5 * N)


def setup_inputs(seed: int = 0) -> dict:
    key = jax.random.key(seed)
    k1, k2 = jax.random.split(key)
    x = jax.random.normal(k1, (N,), dtype=jnp.float32)
    # Conv1d(1, 1, kernel_size=K, bias=False) weight, shape (out_ch, in_ch, K)
    conv_w = jax.random.normal(k2, (1, 1, K), dtype=jnp.float32) * jnp.float32(
        1.0 / np.sqrt(K)
    )
    return {"x": x, "conv_w": conv_w}


def reference(x, conv_w):
    # y = x.view(1, 1, 128*128); y = conv(y).squeeze()
    y = lax.conv_general_dilated(
        x.reshape(1, 1, N),
        conv_w,
        window_strides=(1,),
        padding=[(PAD, PAD)],
        dimension_numbers=("NCH", "OIH", "NCH"),
    )
    y = y.reshape(N)
    attention_score = jax.nn.sigmoid(y)
    # torch.argsort default: ascending
    attention_index = jnp.argsort(attention_score)
    top = attention_index[:SCORE_LIMIT]
    simple_score = attention_score[top] + 1.0
    new_x = jnp.zeros_like(x).at[top].set(x[top] * simple_score)
    # remaining indices stay zero (new_x initialized to zeros)
    return (new_x, attention_score)

if __name__ == "__main__":
    import jax
    _d = setup_inputs()
    print(jax.jit(kernel)(*tuple(_d.values())))

</pallas_src>

<mosaic_0001>
#map = affine_map<(d0, d1) -> (0)>
module attributes {stable_mosaic.version = 14 : i64} {
  func.func @_sc_body(%arg0: i32, %arg1: i32, %arg2: memref<16384xf32, #tpu.memory_space<hbm>>, %arg3: memref<16384xf32, #tpu.memory_space<hbm>>, %arg4: memref<16384xf32, #tpu.memory_space<hbm>>, %arg5: memref<1024xf32, #tpu.memory_space<vmem>>, %arg6: memref<1024xf32, #tpu.memory_space<vmem>>, %arg7: memref<1024xf32, #tpu.memory_space<vmem>>, %arg8: memref<256xi32, #tpu.memory_space<vmem>>, %arg9: memref<16x256xi32, #tpu.memory_space<vmem>>, %arg10: memref<256xi32, #tpu.memory_space<vmem>>, %arg11: memref<16xi32, #tpu.memory_space<vmem>>, %arg12: memref<16x16xi32, #tpu.memory_space<vmem>>, %arg13: memref<4x16x256xi32, #tpu.memory_space<vmem_shared>>, %arg14: memref<16x16xi32, #tpu.memory_space<vmem_shared>>) attributes {dimension_semantics = [#tpu.dimension_semantics<core_parallel>, #tpu.dimension_semantics<subcore_parallel>], iteration_bounds = array<i64: 1, 16>, scalar_prefetch = 0 : i64, scratch_operands = 10 : i64, tpu.core_type = #tpu.core_type<sc_vector_subcore>, window_params = [{transform_indices = #map}, {transform_indices = #map}, {transform_indices = #map}]} {
    %mul3A = arith.constant 1024 : i32
    %mul3A_0 = arith.muli %mul3A, %arg1 : i32
    %iota3A = tpu.iota {dimensions = array<i32: 0>} : vector<16xi32>
    "tpu.region"() ({
      %run_scoped3A_257 = tpu.sem_alloc : memref<!tpu.dma_semaphore, #tpu.memory_space<semaphore_mem>>
      %dma_start3A = tpu.memref_slice %arg2[%mul3A_0] : memref<16384xf32, #tpu.memory_space<hbm>> -> memref<1024xf32, #tpu.memory_space<hbm>>
      %dma_start3A_258 = tpu.memref_slice %arg2[%mul3A_0] : memref<16384xf32, #tpu.memory_space<hbm>> -> memref<1024xf32, #tpu.memory_space<hbm>>
      tpu.enqueue_dma source(%dma_start3A_258 : memref<1024xf32, #tpu.memory_space<hbm>>) target(%arg5 : memref<1024xf32, #tpu.memory_space<vmem>>) target_semaphore(%run_scoped3A_257 : memref<!tpu.dma_semaphore, #tpu.memory_space<semaphore_mem>>)
      %dma_wait3A = tpu.memref_slice %arg2[%mul3A_0] : memref<16384xf32, #tpu.memory_space<hbm>> -> memref<1024xf32, #tpu.memory_space<hbm>>
      %dma_wait3A_259 = tpu.memref_slice %arg2[%mul3A_0] : memref<16384xf32, #tpu.memory_space<hbm>> -> memref<1024xf32, #tpu.memory_space<hbm>>
      tpu.wait_dma2 semaphore(%run_scoped3A_257 : memref<!tpu.dma_semaphore, #tpu.memory_space<semaphore_mem>>) src(%dma_wait3A_259 : memref<1024xf32, #tpu.memory_space<hbm>>) dst(%arg5 : memref<1024xf32, #tpu.memory_space<vmem>>)
      tpu.yield
    }) : () -> ()
    "tpu.region"() ({
      %run_scoped3A_257 = tpu.sem_alloc : memref<!tpu.dma_semaphore, #tpu.memory_space<semaphore_mem>>
      %dma_start3A = tpu.memref_slice %arg3[%mul3A_0] : memref<16384xf32, #tpu.memory_space<hbm>> -> memref<1024xf32, #tpu.memory_space<hbm>>
      %dma_start3A_258 = tpu.memref_slice %arg3[%mul3A_0] : memref<16384xf32, #tpu.memory_space<hbm>> -> memref<1024xf32, #tpu.memory_space<hbm>>
      tpu.enqueue_dma source(%dma_start3A_258 : memref<1024xf32, #tpu.memory_space<hbm>>) target(%arg6 : memref<1024xf32, #tpu.memory_space<vmem>>) target_semaphore(%run_scoped3A_257 : memref<!tpu.dma_semaphore, #tpu.memory_space<semaphore_mem>>)
      %dma_wait3A = tpu.memref_slice %arg3[%mul3A_0] : memref<16384xf32, #tpu.memory_space<hbm>> -> memref<1024xf32, #tpu.memory_space<hbm>>
      %dma_wait3A_259 = tpu.memref_slice %arg3[%mul3A_0] : memref<16384xf32, #tpu.memory_space<hbm>> -> memref<1024xf32, #tpu.memory_space<hbm>>
      tpu.wait_dma2 semaphore(%run_scoped3A_257 : memref<!tpu.dma_semaphore, #tpu.memory_space<semaphore_mem>>) src(%dma_wait3A_259 : memref<1024xf32, #tpu.memory_space<hbm>>) dst(%arg6 : memref<1024xf32, #tpu.memory_space<vmem>>)
      tpu.yield
    }) : () -> ()
    %broadcast_in_dim3A = arith.constant 1 : i32
    %broadcast_in_dim3A_1 = vector.broadcast %broadcast_in_dim3A : i32 to vector<16xi32>
    %scan3A = arith.constant 0 : i32
    %scan3A_2 = arith.constant 0 : i32
    %scan3A_3 = arith.constant 16 : i32
    %scan3A_4 = arith.addi %scan3A_2, %scan3A_3 : i32
    %scan3A_5 = arith.constant 1 : i32
    %scan3A_6 = scf.for %scan3A_257 = %scan3A_2 to %scan3A_4 step %scan3A_5 iter_args(%scan3A_258 = %scan3A) -> (i32)  : i32 {
      %broadcast_in_dim3A_259 = arith.constant 0 : i32
      %broadcast_in_dim3A_260 = vector.broadcast %broadcast_in_dim3A_259 : i32 to vector<16xi32>
      %mul3A_261 = arith.constant 16 : i32
      %mul3A_262 = arith.muli %mul3A_261, %scan3A_257 : i32
      %swap3A_263 = arith.index_cast %mul3A_262 : i32 to index
      %swap3A_264 = tpu.vector_load %arg8[%swap3A_263] {strides = array<i32>} : memref<256xi32, #tpu.memory_space<vmem>>, vector<16xi32>,
      tpu.vector_store %arg8[%swap3A_263], %broadcast_in_dim3A_260 {strides = array<i32>} : memref<256xi32, #tpu.memory_space<vmem>>, vector<16xi32>,
      %scan3A_265 = arith.constant 0 : i32
      scf.yield %scan3A_265 : i32
    }
    %scan3A_7 = arith.constant 16 : i32
    %scan3A_8 = arith.constant 0 : i32
    %scan3A_9 = arith.constant 0 : i32
    %scan3A_10 = arith.constant 0 : i32
    %scan3A_11 = arith.constant 64 : i32
    %scan3A_12 = arith.addi %scan3A_10, %scan3A_11 : i32
    %scan3A_13 = arith.constant 1 : i32
    %scan3A_14 = scf.for %scan3A_257 = %scan3A_10 to %scan3A_12 step %scan3A_13 iter_args(%scan3A_258 = %scan3A_9) -> (i32)  : i32 {
      %mul3A_259 = arith.constant 16 : i32
      %mul3A_260 = arith.muli %mul3A_259, %scan3A_257 : i32
      %get3A_261 = arith.index_cast %mul3A_260 : i32 to index
      %get3A_262 = tpu.vector_load %arg5[%get3A_261] {strides = array<i32>} : memref<1024xf32, #tpu.memory_space<vmem>>, vector<16xf32>,
      %bitcast3A = vector.bitcast %get3A_262 : vector<16xf32> to vector<16xi32>
      %shift_right_arithmetic3A = arith.constant 30 : i32
      %shift_right_arithmetic3A_263 = vector.broadcast %shift_right_arithmetic3A : i32 to vector<16xi32>
      %shift_right_arithmetic3A_264 = arith.shrsi %bitcast3A, %shift_right_arithmetic3A_263 : vector<16xi32>
      %eq3A_265 = vector.broadcast %scan3A_8 : i32 to vector<16xi32>
      %eq3A_266 = arith.cmpi eq, %shift_right_arithmetic3A_264, %eq3A_265 : vector<16xi32>
      %shift_right_arithmetic3A_267 = arith.constant 22 : i32
      %shift_right_arithmetic3A_268 = vector.broadcast %shift_right_arithmetic3A_267 : i32 to vector<16xi32>
      %shift_right_arithmetic3A_269 = arith.shrsi %bitcast3A, %shift_right_arithmetic3A_268 : vector<16xi32>
      %and3A = arith.constant 255 : i32
      %and3A_270 = vector.broadcast %and3A : i32 to vector<16xi32>
      %and3A_271 = arith.andi %shift_right_arithmetic3A_269, %and3A_270 : vector<16xi32>
      tpu.vector_store_idx %arg8[%and3A_271], %broadcast_in_dim3A_1 masked %eq3A_266 {add = true} : memref<256xi32, #tpu.memory_space<vmem>>[vector<16xi32>], vector<16xi32>, vector<16xi1>
      %scan3A_272 = arith.constant 0 : i32
      scf.yield %scan3A_272 : i32
    }
    %scan3A_15 = arith.constant 64 : i32
    %run_scoped3A = arith.constant 0 : i32
    "tpu.region"() ({
      %run_scoped3A_257 = tpu.sem_alloc : memref<!tpu.dma_semaphore, #tpu.memory_space<semaphore_mem>>
      %dma_start3A = arith.constant 0 : i32
      %dma_start3A_258 = tpu.memref_slice %arg8[%dma_start3A] : memref<256xi32, #tpu.memory_space<vmem>> -> memref<256xi32, #tpu.memory_space<vmem>>
      %dma_start3A_259 = arith.constant 0 : i32
      %dma_start3A_260 = arith.constant 0 : i32
      %dma_start3A_261 = tpu.memref_slice %arg13[%run_scoped3A, %dma_start3A_259, %dma_start3A_260] : memref<4x16x256xi32, #tpu.memory_space<vmem_shared>> -> memref<1x16x256xi32, #tpu.memory_space<vmem_shared>>
      %dma_start3A_262 = tpu.memref_squeeze %dma_start3A_261 : memref<1x16x256xi32, #tpu.memory_space<vmem_shared>> -> memref<16x256xi32, #tpu.memory_space<vmem_shared>>
      %dma_start3A_263 = arith.constant 0 : i32
      %dma_start3A_264 = tpu.memref_slice %dma_start3A_262[%arg1, %dma_start3A_263] : memref<16x256xi32, #tpu.memory_space<vmem_shared>> -> memref<1x256xi32, #tpu.memory_space<vmem_shared>>
      %dma_start3A_265 = tpu.memref_squeeze %dma_start3A_264 : memref<1x256xi32, #tpu.memory_space<vmem_shared>> -> memref<256xi32, #tpu.memory_space<vmem_shared>>
      %dma_start3A_266 = arith.constant 0 : i32
      %dma_start3A_267 = tpu.memref_slice %dma_start3A_265[%dma_start3A_266] : memref<256xi32, #tpu.memory_space<vmem_shared>> -> memref<256xi32, #tpu.memory_space<vmem_shared>>
      %dma_start3A_268 = arith.constant 0 : i32
      %dma_start3A_269 = arith.constant 0 : i32
      %dma_start3A_270 = tpu.memref_slice %arg13[%run_scoped3A, %dma_start3A_268, %dma_start3A_269] : memref<4x16x256xi32, #tpu.memory_space<vmem_shared>> -> memref<1x16x256xi32, #tpu.memory_space<vmem_shared>>
      %dma_start3A_271 = tpu.memref_squeeze %dma_start3A_270 : memref<1x16x256xi32, #tpu.memory_space<vmem_shared>> -> memref<16x256xi32, #tpu.memory_space<vmem_shared>>
      %dma_start3A_272 = arith.constant 0 : i32
      %dma_start3A_273 = tpu.memref_slice %dma_start3A_271[%arg1, %dma_start3A_272] : memref<16x256xi32, #tpu.memory_space<vmem_shared>> -> memref<1x256xi32, #tpu.memory_space<vmem_shared>>
      %dma_start3A_274 = tpu.memref_squeeze %dma_start3A_273 : memref<1x256xi32, #tpu.memory_space<vmem_shared>> -> memref<256xi32, #tpu.memory_space<vmem_shared>>
      %dma_start3A_275 = arith.constant 0 : i32
      %dma_start3A_276 = tpu.memref_slice %dma_start3A_274[%dma_start3A_275] : memref<256xi32, #tpu.memory_space<vmem_shared>> -> memref<256xi32, #tpu.memory_space<vmem_shared>>
      %dma_start3A_277 = arith.constant 0 : i32
      %dma_start3A_278 = tpu.memref_slice %arg8[%dma_start3A_277] : memref<256xi32, #tpu.memory_space<vmem>> -> memref<256xi32, #tpu.memory_space<vmem>>
      tpu.enqueue_dma source(%dma_start3A_278 : memref<256xi32, #tpu.memory_space<vmem>>) target(%dma_start3A_276 : memref<256xi32, #tpu.memory_space<vmem_shared>>) target_semaphore(%run_scoped3A_257 : memref<!tpu.dma_semaphore, #tpu.memory_space<semaphore_mem>>)
      %dma_wait3A = arith.constant 0 : i32
      %dma_wait3A_279 = tpu.memref_slice %arg8[%dma_wait3A] : memref<256xi32, #tpu.memory_space<vmem>> -> memref<256xi32, #tpu.memory_space<vmem>>
      %dma_wait3A_280 = arith.constant 0 : i32
      %dma_wait3A_281 = arith.constant 0 : i32
      %dma_wait3A_282 = tpu.memref_slice %arg13[%run_scoped3A, %dma_wait3A_280, %dma_wait3A_281] : memref<4x16x256xi32, #tpu.memory_space<vmem_shared>> -> memref<1x16x256xi32, #tpu.memory_space<vmem_shared>>
      %dma_wait3A_283 = tpu.memref_squeeze %dma_wait3A_282 : memref<1x16x256xi32, #tpu.memory_space<vmem_shared>> -> memref<16x256xi32, #tpu.memory_space<vmem_shared>>
      %dma_wait3A_284 = arith.constant 0 : i32
      %dma_wait3A_285 = tpu.memref_slice %dma_wait3A_283[%arg1, %dma_wait3A_284] : memref<16x256xi32, #tpu.memory_space<vmem_shared>> -> memref<1x256xi32, #tpu.memory_space<vmem_shared>>
      %dma_wait3A_286 = tpu.memref_squeeze %dma_wait3A_285 : memref<1x256xi32, #tpu.memory_space<vmem_shared>> -> memref<256xi32, #tpu.memory_space<vmem_shared>>
      %dma_wait3A_287 = arith.constant 0 : i32
      %dma_wait3A_288 = tpu.memref_slice %dma_wait3A_286[%dma_wait3A_287] : memref<256xi32, #tpu.memory_space<vmem_shared>> -> memref<256xi32, #tpu.memory_space<vmem_shared>>
      %dma_wait3A_289 = arith.constant 0 : i32
      %dma_wait3A_290 = arith.constant 0 : i32
      %dma_wait3A_291 = tpu.memref_slice %arg13[%run_scoped3A, %dma_wait3A_289, %dma_wait3A_290] : memref<4x16x256xi32, #tpu.memory_space<vmem_shared>> -> memref<1x16x256xi32, #tpu.memory_space<vmem_shared>>
      %dma_wait3A_292 = tpu.memref_squeeze %dma_wait3A_291 : memref<1x16x256xi32, #tpu.memory_space<vmem_shared>> -> memref<16x256xi32, #tpu.memory_space<vmem_shared>>
      %dma_wait3A_293 = arith.constant 0 : i32
      %dma_wait3A_294 = tpu.memref_slice %dma_wait3A_292[%arg1, %dma_wait3A_293] : memref<16x256xi32, #tpu.memory_space<vmem_shared>> -> memref<1x256xi32, #tpu.memory_space<vmem_shared>>
      %dma_wait3A_295 = tpu.memref_squeeze %dma_wait3A_294 : memref<1x256xi32, #tpu.memory_space<vmem_shared>> -> memref<256xi32, #tpu.memory_space<vmem_shared>>
      %dma_wait3A_296 = arith.constant 0 : i32
      %dma_wait3A_297 = tpu.memref_slice %dma_wait3A_295[%dma_wait3A_296] : memref<256xi32, #tpu.memory_space<vmem_shared>> -> memref<256xi32, #tpu.memory_space<vmem_shared>>
      %dma_wait3A_298 = arith.constant 0 : i32
      %dma_wait3A_299 = tpu.memref_slice %arg8[%dma_wait3A_298] : memref<256xi32, #tpu.memory_space<vmem>> -> memref<256xi32, #tpu.memory_space<vmem>>
      tpu.wait_dma2 semaphore(%run_scoped3A_257 : memref<!tpu.dma_semaphore, #tpu.memory_space<semaphore_mem>>) src(%dma_wait3A_299 : memref<256xi32, #tpu.memory_space<vmem>>) dst(%dma_wait3A_297 : memref<256xi32, #tpu.memory_space<vmem_shared>>)
      tpu.yield
    }) : () -> ()
    %barrier3A = arith.constant 0 : index
    tpu.barrier barrier_id(%barrier3A)
    %run_scoped3A_16 = arith.constant 0 : i32
    "tpu.region"() ({
      %run_scoped3A_257 = tpu.sem_alloc : memref<!tpu.dma_semaphore, #tpu.memory_space<semaphore_mem>>
      %dma_start3A = arith.constant 0 : i32
      %dma_start3A_258 = arith.constant 0 : i32
      %dma_start3A_259 = tpu.memref_slice %arg13[%run_scoped3A_16, %dma_start3A, %dma_start3A_258] : memref<4x16x256xi32, #tpu.memory_space<vmem_shared>> -> memref<1x16x256xi32, #tpu.memory_space<vmem_shared>>
      %dma_start3A_260 = tpu.memref_squeeze %dma_start3A_259 : memref<1x16x256xi32, #tpu.memory_space<vmem_shared>> -> memref<16x256xi32, #tpu.memory_space<vmem_shared>>
      %dma_start3A_261 = arith.constant 0 : i32
      %dma_start3A_262 = arith.constant 0 : i32
      %dma_start3A_263 = tpu.memref_slice %arg13[%run_scoped3A_16, %dma_start3A_261, %dma_start3A_262] : memref<4x16x256xi32, #tpu.memory_space<vmem_shared>> -> memref<1x16x256xi32, #tpu.memory_space<vmem_shared>>
      %dma_start3A_264 = tpu.memref_squeeze %dma_start3A_263 : memref<1x16x256xi32, #tpu.memory_space<vmem_shared>> -> memref<16x256xi32, #tpu.memory_space<vmem_shared>>
      tpu.enqueue_dma source(%dma_start3A_264 : memref<16x256xi32, #tpu.memory_space<vmem_shared>>) target(%arg9 : memref<16x256xi32, #tpu.memory_space<vmem>>) target_semaphore(%run_scoped3A_257 : memref<!tpu.dma_semaphore, #tpu.memory_space<semaphore_mem>>)
      %dma_wait3A = arith.constant 0 : i32
      %dma_wait3A_265 = arith.constant 0 : i32
      %dma_wait3A_266 = tpu.memref_slice %arg13[%run_scoped3A_16, %dma_wait3A, %dma_wait3A_265] : memref<4x16x256xi32, #tpu.memory_space<vmem_shared>> -> memref<1x16x256xi32, #tpu.memory_space<vmem_shared>>
      %dma_wait3A_267 = tpu.memref_squeeze %dma_wait3A_266 : memref<1x16x256xi32, #tpu.memory_space<vmem_shared>> -> memref<16x256xi32, #tpu.memory_space<vmem_shared>>
      %dma_wait3A_268 = arith.constant 0 : i32
      %dma_wait3A_269 = arith.constant 0 : i32
      %dma_wait3A_270 = tpu.memref_slice %arg13[%run_scoped3A_16, %dma_wait3A_268, %dma_wait3A_269] : memref<4x16x256xi32, #tpu.memory_space<vmem_shared>> -> memref<1x16x256xi32, #tpu.memory_space<vmem_shared>>
      %dma_wait3A_271 = tpu.memref_squeeze %dma_wait3A_270 : memref<1x16x256xi32, #tpu.memory_space<vmem_shared>> -> memref<16x256xi32, #tpu.memory_space<vmem_shared>>
      tpu.wait_dma2 semaphore(%run_scoped3A_257 : memref<!tpu.dma_semaphore, #tpu.memory_space<semaphore_mem>>) src(%dma_wait3A_271 : memref<16x256xi32, #tpu.memory_space<vmem_shared>>) dst(%arg9 : memref<16x256xi32, #tpu.memory_space<vmem>>)
      tpu.yield
    }) : () -> ()
    %scan3A_17 = arith.constant 0 : i32
    %scan3A_18 = arith.constant 0 : i32
    %scan3A_19 = arith.constant 16 : i32
    %scan3A_20 = arith.addi %scan3A_18, %scan3A_19 : i32
    %scan3A_21 = arith.constant 1 : i32
    %scan3A_22 = scf.for %scan3A_257 = %scan3A_18 to %scan3A_20 step %scan3A_21 iter_args(%scan3A_258 = %scan3A_17) -> (i32)  : i32 {
      %broadcast_in_dim3A_259 = arith.constant 0 : i32
      %broadcast_in_dim3A_260 = vector.broadcast %broadcast_in_dim3A_259 : i32 to vector<16xi32>
      %mul3A_261 = arith.constant 16 : i32
      %mul3A_262 = arith.muli %mul3A_261, %scan3A_257 : i32
      %get3A_263 = arith.constant 0 : i32
      %get3A_264 = arith.index_cast %get3A_263 : i32 to index
      %get3A_265 = arith.index_cast %mul3A_262 : i32 to index
      %get3A_266 = tpu.vector_load %arg9[%get3A_264, %get3A_265] {strides = array<i32>} : memref<16x256xi32, #tpu.memory_space<vmem>>, vector<16xi32>,
      %add3A_267 = arith.addi %broadcast_in_dim3A_260, %get3A_266 : vector<16xi32>
      %mul3A_268 = arith.constant 16 : i32
      %mul3A_269 = arith.muli %mul3A_268, %scan3A_257 : i32
      %get3A_270 = arith.constant 1 : i32
      %get3A_271 = arith.index_cast %get3A_270 : i32 to index
      %get3A_272 = arith.index_cast %mul3A_269 : i32 to index
      %get3A_273 = tpu.vector_load %arg9[%get3A_271, %get3A_272] {strides = array<i32>} : memref<16x256xi32, #tpu.memory_space<vmem>>, vector<16xi32>,
      %add3A_274 = arith.addi %add3A_267, %get3A_273 : vector<16xi32>
      %mul3A_275 = arith.constant 16 : i32
      %mul3A_276 = arith.muli %mul3A_275, %scan3A_257 : i32
      %get3A_277 = arith.constant 2 : i32
      %get3A_278 = arith.index_cast %get3A_277 : i32 to index
      %get3A_279 = arith.index_cast %mul3A_276 : i32 to index
      %get3A_280 = tpu.vector_load %arg9[%get3A_278, %get3A_279] {strides = array<i32>} : memref<16x256xi32, #tpu.memory_space<vmem>>, vector<16xi32>,
      %add3A_281 = arith.addi %add3A_274, %get3A_280 : vector<16xi32>
      %mul3A_282 = arith.constant 16 : i32
      %mul3A_283 = arith.muli %mul3A_282, %scan3A_257 : i32
      %get3A_284 = arith.constant 3 : i32
      %get3A_285 = arith.index_cast %get3A_284 : i32 to index
      %get3A_286 = arith.index_cast %mul3A_283 : i32 to index
      %get3A_287 = tpu.vector_load %arg9[%get3A_285, %get3A_286] {strides = array<i32>} : memref<16x256xi32, #tpu.memory_space<vmem>>, vector<16xi32>,
      %add3A_288 = arith.addi %add3A_281, %get3A_287 : vector<16xi32>
      %mul3A_289 = arith.constant 16 : i32
      %mul3A_290 = arith.muli %mul3A_289, %scan3A_257 : i32
      %get3A_291 = arith.constant 4 : i32
      %get3A_292 = arith.index_cast %get3A_291 : i32 to index
      %get3A_293 = arith.index_cast %mul3A_290 : i32 to index
      %get3A_294 = tpu.vector_load %arg9[%get3A_292, %get3A_293] {strides = array<i32>} : memref<16x256xi32, #tpu.memory_space<vmem>>, vector<16xi32>,
      %add3A_295 = arith.addi %add3A_288, %get3A_294 : vector<16xi32>
      %mul3A_296 = arith.constant 16 : i32
      %mul3A_297 = arith.muli %mul3A_296, %scan3A_257 : i32
      %get3A_298 = arith.constant 5 : i32
      %get3A_299 = arith.index_cast %get3A_298 : i32 to index
      %get3A_300 = arith.index_cast %mul3A_297 : i32 to index
      %get3A_301 = tpu.vector_load %arg9[%get3A_299, %get3A_300] {strides = array<i32>} : memref<16x256xi32, #tpu.memory_space<vmem>>, vector<16xi32>,
      %add3A_302 = arith.addi %add3A_295, %get3A_301 : vector<16xi32>
      %mul3A_303 = arith.constant 16 : i32
      %mul3A_304 = arith.muli %mul3A_303, %scan3A_257 : i32
      %get3A_305 = arith.constant 6 : i32
      %get3A_306 = arith.index_cast %get3A_305 : i32 to index
      %get3A_307 = arith.index_cast %mul3A_304 : i32 to index
      %get3A_308 = tpu.vector_load %arg9[%get3A_306, %get3A_307] {strides = array<i32>} : memref<16x256xi32, #tpu.memory_space<vmem>>, vector<16xi32>,
      %add3A_309 = arith.addi %add3A_302, %get3A_308 : vector<16xi32>
      %mul3A_310 = arith.constant 16 : i32
      %mul3A_311 = arith.muli %mul3A_310, %scan3A_257 : i32
      %get3A_312 = arith.constant 7 : i32
      %get3A_313 = arith.index_cast %get3A_312 : i32 to index
      %get3A_314 = arith.index_cast %mul3A_311 : i32 to index
      %get3A_315 = tpu.vector_load %arg9[%get3A_313, %get3A_314] {strides = array<i32>} : memref<16x256xi32, #tpu.memory_space<vmem>>, vector<16xi32>,
      %add3A_316 = arith.addi %add3A_309, %get3A_315 : vector<16xi32>
      %mul3A_317 = arith.constant 16 : i32
      %mul3A_318 = arith.muli %mul3A_317, %scan3A_257 : i32
      %get3A_319 = arith.constant 8 : i32
      %get3A_320 = arith.index_cast %get3A_319 : i32 to index
      %get3A_321 = arith.index_cast %mul3A_318 : i32 to index
      %get3A_322 = tpu.vector_load %arg9[%get3A_320, %get3A_321] {strides = array<i32>} : memref<16x256xi32, #tpu.memory_space<vmem>>, vector<16xi32>,
      %add3A_323 = arith.addi %add3A_316, %get3A_322 : vector<16xi32>
      %mul3A_324 = arith.constant 16 : i32
      %mul3A_325 = arith.muli %mul3A_324, %scan3A_257 : i32
      %get3A_326 = arith.constant 9 : i32
      %get3A_327 = arith.index_cast %get3A_326 : i32 to index
      %get3A_328 = arith.index_cast %mul3A_325 : i32 to index
      %get3A_329 = tpu.vector_load %arg9[%get3A_327, %get3A_328] {strides = array<i32>} : memref<16x256xi32, #tpu.memory_space<vmem>>, vector<16xi32>,
      %add3A_330 = arith.addi %add3A_323, %get3A_329 : vector<16xi32>
      %mul3A_331 = arith.constant 16 : i32
      %mul3A_332 = arith.muli %mul3A_331, %scan3A_257 : i32
      %get3A_333 = arith.constant 10 : i32
      %get3A_334 = arith.index_cast %get3A_333 : i32 to index
      %get3A_335 = arith.index_cast %mul3A_332 : i32 to index
      %get3A_336 = tpu.vector_load %arg9[%get3A_334, %get3A_335] {strides = array<i32>} : memref<16x256xi32, #tpu.memory_space<vmem>>, vector<16xi32>,
      %add3A_337 = arith.addi %add3A_330, %get3A_336 : vector<16xi32>
      %mul3A_338 = arith.constant 16 : i32
      %mul3A_339 = arith.muli %mul3A_338, %scan3A_257 : i32
      %get3A_340 = arith.constant 11 : i32
      %get3A_341 = arith.index_cast %get3A_340 : i32 to index
      %get3A_342 = arith.index_cast %mul3A_339 : i32 to index
      %get3A_343 = tpu.vector_load %arg9[%get3A_341, %get3A_342] {strides = array<i32>} : memref<16x256xi32, #tpu.memory_space<vmem>>, vector<16xi32>,
      %add3A_344 = arith.addi %add3A_337, %get3A_343 : vector<16xi32>
      %mul3A_345 = arith.constant 16 : i32
      %mul3A_346 = arith.muli %mul3A_345, %scan3A_257 : i32
      %get3A_347 = arith.constant 12 : i32
      %get3A_348 = arith.index_cast %get3A_347 : i32 to index
      %get3A_349 = arith.index_cast %mul3A_346 : i32 to index
      %get3A_350 = tpu.vector_load %arg9[%get3A_348, %get3A_349] {strides = array<i32>} : memref<16x256xi32, #tpu.memory_space<vmem>>, vector<16xi32>,
      %add3A_351 = arith.addi %add3A_344, %get3A_350 : vector<16xi32>
      %mul3A_352 = arith.constant 16 : i32
      %mul3A_353 = arith.muli %mul3A_352, %scan3A_257 : i32
      %get3A_354 = arith.constant 13 : i32
      %get3A_355 = arith.index_cast %get3A_354 : i32 to index
      %get3A_356 = arith.index_cast %mul3A_353 : i32 to index
      %get3A_357 = tpu.vector_load %arg9[%get3A_355, %get3A_356] {strides = array<i32>} : memref<16x256xi32, #tpu.memory_space<vmem>>, vector<16xi32>,
      %add3A_358 = arith.addi %add3A_351, %get3A_357 : vector<16xi32>
      %mul3A_359 = arith.constant 16 : i32
      %mul3A_360 = arith.muli %mul3A_359, %scan3A_257 : i32
      %get3A_361 = arith.constant 14 : i32
      %get3A_362 = arith.index_cast %get3A_361 : i32 to index
      %get3A_363 = arith.index_cast %mul3A_360 : i32 to index
      %get3A_364 = tpu.vector_load %arg9[%get3A_362, %get3A_363] {strides = array<i32>} : memref<16x256xi32, #tpu.memory_space<vmem>>, vector<16xi32>,
      %add3A_365 = arith.addi %add3A_358, %get3A_364 : vector<16xi32>
      %mul3A_366 = arith.constant 16 : i32
      %mul3A_367 = arith.muli %mul3A_366, %scan3A_257 : i32
      %get3A_368 = arith.constant 15 : i32
      %get3A_369 = arith.index_cast %get3A_368 : i32 to index
      %get3A_370 = arith.index_cast %mul3A_367 : i32 to index
      %get3A_371 = tpu.vector_load %arg9[%get3A_369, %get3A_370] {strides = array<i32>} : memref<16x256xi32, #tpu.memory_space<vmem>>, vector<16xi32>,
      %add3A_372 = arith.addi %add3A_365, %get3A_371 : vector<16xi32>
      %mul3A_373 = arith.constant 16 : i32
      %mul3A_374 = arith.muli %mul3A_373, %scan3A_257 : i32
      %swap3A_375 = arith.index_cast %mul3A_374 : i32 to index
      %swap3A_376 = tpu.vector_load %arg10[%swap3A_375] {strides = array<i32>} : memref<256xi32, #tpu.memory_space<vmem>>, vector<16xi32>,
      tpu.vector_store %arg10[%swap3A_375], %add3A_372 {strides = array<i32>} : memref<256xi32, #tpu.memory_space<vmem>>, vector<16xi32>,
      %scan3A_377 = arith.constant 0 : i32
      scf.yield %scan3A_377 : i32
    }
    %scan3A_23 = arith.constant 16 : i32
    %scan3A_24 = arith.constant 8192 : i32
    %scan3A_25 = arith.constant false
    %scan3A_26 = arith.constant 0 : i32
    %scan3A_27 = arith.constant 0 : i32
    %scan3A_28 = arith.constant 0 : i32
    %scan3A_29 = arith.constant 0 : i32
    %scan3A_30 = arith.constant 16 : i32
    %scan3A_31 = arith.addi %scan3A_29, %scan3A_30 : i32
    %scan3A_32 = arith.constant 1 : i32
    %scan3A_33:4 = scf.for %scan3A_257 = %scan3A_29 to %scan3A_31 step %scan3A_32 iter_args(%scan3A_258 = %scan3A_25, %scan3A_259 = %scan3A_26, %scan3A_260 = %scan3A_27, %scan3A_261 = %scan3A_28) -> (i1, i32, i32, i32)  : i32 {
      %mul3A_262 = arith.constant 16 : i32
      %mul3A_263 = arith.muli %mul3A_262, %scan3A_257 : i32
      %get3A_264 = arith.index_cast %mul3A_263 : i32 to index
      %get3A_265 = tpu.vector_load %arg10[%get3A_264] {strides = array<i32>} : memref<256xi32, #tpu.memory_space<vmem>>, vector<16xi32>,
      %broadcast_in_dim3A_266 = arith.constant true
      %broadcast_in_dim3A_267 = vector.broadcast %broadcast_in_dim3A_266 : i1 to vector<16xi1>
      %masked_cumsum3A = tpu.scan <sum>, %get3A_265 masked %broadcast_in_dim3A_267 : vector<16xi32>, vector<16xi1> -> vector<16xi32>
      %reduce_max3A = arith.constant true
      %reduce_max3A_268 = vector.broadcast %reduce_max3A : i1 to vector<16xi1>
      %reduce_max3A_269 = arith.constant -2147483648 : i32
      %reduce_max3A_270 = vector.broadcast %reduce_max3A_269 : i32 to vector<16xi32>
      %reduce_max3A_271 = arith.xori %masked_cumsum3A, %reduce_max3A_270 : vector<16xi32>
      %reduce_max3A_272 = tpu.scan <max>, %reduce_max3A_271 masked %reduce_max3A_268 : vector<16xi32>, vector<16xi1> -> vector<16xi32>
      %reduce_max3A_273 = arith.xori %reduce_max3A_272, %reduce_max3A_270 : vector<16xi32>
      %reduce_max3A_274 = vector.extract %reduce_max3A_273[15] : i32 from vector<16xi32>
      %add3A_275 = vector.broadcast %scan3A_261 : i32 to vector<16xi32>
      %add3A_276 = arith.addi %add3A_275, %masked_cumsum3A : vector<16xi32>
      %ge3A = vector.broadcast %scan3A_24 : i32 to vector<16xi32>
      %ge3A_277 = arith.cmpi sge, %add3A_276, %ge3A : vector<16xi32>
      %convert_element_type3A = arith.extui %ge3A_277 : vector<16xi1> to vector<16xi32>
      %reduce_sum3A_278 = arith.constant true
      %reduce_sum3A_279 = vector.broadcast %reduce_sum3A_278 : i1 to vector<16xi1>
      %reduce_sum3A_280 = tpu.scan <sum>, %convert_element_type3A masked %reduce_sum3A_279 : vector<16xi32>, vector<16xi1> -> vector<16xi32>
      %reduce_sum3A_281 = vector.extract %reduce_sum3A_280[15] : i32 from vector<16xi32>
      %sub3A_282 = arith.constant 16 : i32
      %sub3A_283 = arith.subi %sub3A_282, %reduce_sum3A_281 : i32
      %not3A = arith.constant true
      %not3A_284 = arith.xori %scan3A_258, %not3A : i1
      %gt3A = arith.constant 0 : i32
      %gt3A_285 = arith.cmpi sgt, %reduce_sum3A_281, %gt3A : i32
      %and3A = arith.andi %not3A_284, %gt3A_285 : i1
      %eq3A_286 = vector.broadcast %sub3A_283 : i32 to vector<16xi32>
      %eq3A_287 = arith.cmpi eq, %iota3A, %eq3A_286 : vector<16xi32>
      %sub3A_288 = arith.subi %masked_cumsum3A, %get3A_265 : vector<16xi32>
      %jit3A_289 = arith.constant 0 : i32
      %broadcast_in_dim3A_290 = vector.broadcast %jit3A_289 : i32 to vector<16xi32>
      %select_n3A_291 = arith.select %eq3A_287, %sub3A_288, %broadcast_in_dim3A_290 : vector<16xi1>, vector<16xi32>
      %reduce_sum3A_292 = arith.constant true
      %reduce_sum3A_293 = vector.broadcast %reduce_sum3A_292 : i1 to vector<16xi1>
      %reduce_sum3A_294 = tpu.scan <sum>, %select_n3A_291 masked %reduce_sum3A_293 : vector<16xi32>, vector<16xi1> -> vector<16xi32>
      %reduce_sum3A_295 = vector.extract %reduce_sum3A_294[15] : i32 from vector<16xi32>
      %mul3A_296 = arith.constant 16 : i32
      %mul3A_297 = arith.muli %mul3A_296, %scan3A_257 : i32
      %add3A_298 = arith.addi %mul3A_297, %sub3A_283 : i32
      %select_n3A_299 = arith.select %and3A, %add3A_298, %scan3A_259 : i32
      %add3A_300 = arith.addi %scan3A_261, %reduce_sum3A_295 : i32
      %select_n3A_301 = arith.select %and3A, %add3A_300, %scan3A_260 : i32
      %gt3A_302 = arith.constant 0 : i32
      %gt3A_303 = arith.cmpi sgt, %reduce_sum3A_281, %gt3A_302 : i32
      %or3A_304 = arith.ori %scan3A_258, %gt3A_303 : i1
      %add3A_305 = arith.addi %scan3A_261, %reduce_max3A_274 : i32
      scf.yield %or3A_304, %select_n3A_299, %select_n3A_301, %add3A_305 : i1, i32, i32, i32
    }
    %scan3A_34 = arith.constant 16 : i32
    %sub3A = arith.constant 8192 : i32
    %sub3A_35 = arith.subi %sub3A, %scan3A_33#2 : i32
    %shift_left3A = arith.constant 0 : i32
    %shift_left3A_36 = arith.constant 8 : i32
    %shift_left3A_37 = arith.shli %shift_left3A, %shift_left3A_36 : i32
    %or3A = arith.ori %shift_left3A_37, %scan3A_33#1 : i32
    %scan3A_38 = arith.constant 0 : i32
    %scan3A_39 = arith.constant 0 : i32
    %scan3A_40 = arith.constant 16 : i32
    %scan3A_41 = arith.addi %scan3A_39, %scan3A_40 : i32
    %scan3A_42 = arith.constant 1 : i32
    %scan3A_43 = scf.for %scan3A_257 = %scan3A_39 to %scan3A_41 step %scan3A_42 iter_args(%scan3A_258 = %scan3A_38) -> (i32)  : i32 {
      %broadcast_in_dim3A_259 = arith.constant 0 : i32
      %broadcast_in_dim3A_260 = vector.broadcast %broadcast_in_dim3A_259 : i32 to vector<16xi32>
      %mul3A_261 = arith.constant 16 : i32
      %mul3A_262 = arith.muli %mul3A_261, %scan3A_257 : i32
      %swap3A_263 = arith.index_cast %mul3A_262 : i32 to index
      %swap3A_264 = tpu.vector_load %arg8[%swap3A_263] {strides = array<i32>} : memref<256xi32, #tpu.memory_space<vmem>>, vector<16xi32>,
      tpu.vector_store %arg8[%swap3A_263], %broadcast_in_dim3A_260 {strides = array<i32>} : memref<256xi32, #tpu.memory_space<vmem>>, vector<16xi32>,
      %scan3A_265 = arith.constant 0 : i32
      scf.yield %scan3A_265 : i32
    }
    %scan3A_44 = arith.constant 16 : i32
    %scan3A_45 = arith.constant 0 : i32
    %scan3A_46 = arith.constant 0 : i32
    %scan3A_47 = arith.constant 64 : i32
    %scan3A_48 = arith.addi %scan3A_46, %scan3A_47 : i32
    %scan3A_49 = arith.constant 1 : i32
    %scan3A_50 = scf.for %scan3A_257 = %scan3A_46 to %scan3A_48 step %scan3A_49 iter_args(%scan3A_258 = %scan3A_45) -> (i32)  : i32 {
      %mul3A_259 = arith.constant 16 : i32
      %mul3A_260 = arith.muli %mul3A_259, %scan3A_257 : i32
      %get3A_261 = arith.index_cast %mul3A_260 : i32 to index
      %get3A_262 = tpu.vector_load %arg5[%get3A_261] {strides = array<i32>} : memref<1024xf32, #tpu.memory_space<vmem>>, vector<16xf32>,
      %bitcast3A = vector.bitcast %get3A_262 : vector<16xf32> to vector<16xi32>
      %shift_right_arithmetic3A = arith.constant 22 : i32
      %shift_right_arithmetic3A_263 = vector.broadcast %shift_right_arithmetic3A : i32 to vector<16xi32>
      %shift_right_arithmetic3A_264 = arith.shrsi %bitcast3A, %shift_right_arithmetic3A_263 : vector<16xi32>
      %eq3A_265 = vector.broadcast %or3A : i32 to vector<16xi32>
      %eq3A_266 = arith.cmpi eq, %shift_right_arithmetic3A_264, %eq3A_265 : vector<16xi32>
      %shift_right_arithmetic3A_267 = arith.constant 14 : i32
      %shift_right_arithmetic3A_268 = vector.broadcast %shift_right_arithmetic3A_267 : i32 to vector<16xi32>
      %shift_right_arithmetic3A_269 = arith.shrsi %bitcast3A, %shift_right_arithmetic3A_268 : vector<16xi32>
      %and3A = arith.constant 255 : i32
      %and3A_270 = vector.broadcast %and3A : i32 to vector<16xi32>
      %and3A_271 = arith.andi %shift_right_arithmetic3A_269, %and3A_270 : vector<16xi32>
      tpu.vector_store_idx %arg8[%and3A_271], %broadcast_in_dim3A_1 masked %eq3A_266 {add = true} : memref<256xi32, #tpu.memory_space<vmem>>[vector<16xi32>], vector<16xi32>, vector<16xi1>
      %scan3A_272 = arith.constant 0 : i32
      scf.yield %scan3A_272 : i32
    }
    %scan3A_51 = arith.constant 64 : i32
    %run_scoped3A_52 = arith.constant 1 : i32
    "tpu.region"() ({
      %run_scoped3A_257 = tpu.sem_alloc : memref<!tpu.dma_semaphore, #tpu.memory_space<semaphore_mem>>
      %dma_start3A = arith.constant 0 : i32
      %dma_start3A_258 = tpu.memref_slice %arg8[%dma_start3A] : memref<256xi32, #tpu.memory_space<vmem>> -> memref<256xi32, #tpu.memory_space<vmem>>
      %dma_start3A_259 = arith.constant 0 : i32
      %dma_start3A_260 = arith.constant 0 : i32
      %dma_start3A_261 = tpu.memref_slice %arg13[%run_scoped3A_52, %dma_start3A_259, %dma_start3A_260] : memref<4x16x256xi32, #tpu.memory_space<vmem_shared>> -> memref<1x16x256xi32, #tpu.memory_space<vmem_shared>>
      %dma_start3A_262 = tpu.memref_squeeze %dma_start3A_261 : memref<1x16x256xi32, #tpu.memory_space<vmem_shared>> -> memref<16x256xi32, #tpu.memory_space<vmem_shared>>
      %dma_start3A_263 = arith.constant 0 : i32
      %dma_start3A_264 = tpu.memref_slice %dma_start3A_262[%arg1, %dma_start3A_263] : memref<16x256xi32, #tpu.memory_space<vmem_shared>> -> memref<1x256xi32, #tpu.memory_space<vmem_shared>>
      %dma_start3A_265 = tpu.memref_squeeze %dma_start3A_264 : memref<1x256xi32, #tpu.memory_space<vmem_shared>> -> memref<256xi32, #tpu.memory_space<vmem_shared>>
      %dma_start3A_266 = arith.constant 0 : i32
      %dma_start3A_267 = tpu.memref_slice %dma_start3A_265[%dma_start3A_266] : memref<256xi32, #tpu.memory_space<vmem_shared>> -> memref<256xi32, #tpu.memory_space<vmem_shared>>
      %dma_start3A_268 = arith.constant 0 : i32
      %dma_start3A_269 = arith.constant 0 : i32
      %dma_start3A_270 = tpu.memref_slice %arg13[%run_scoped3A_52, %dma_start3A_268, %dma_start3A_269] : memref<4x16x256xi32, #tpu.memory_space<vmem_shared>> -> memref<1x16x256xi32, #tpu.memory_space<vmem_shared>>
      %dma_start3A_271 = tpu.memref_squeeze %dma_start3A_270 : memref<1x16x256xi32, #tpu.memory_space<vmem_shared>> -> memref<16x256xi32, #tpu.memory_space<vmem_shared>>
      %dma_start3A_272 = arith.constant 0 : i32
      %dma_start3A_273 = tpu.memref_slice %dma_start3A_271[%arg1, %dma_start3A_272] : memref<16x256xi32, #tpu.memory_space<vmem_shared>> -> memref<1x256xi32, #tpu.memory_space<vmem_shared>>
      %dma_start3A_274 = tpu.memref_squeeze %dma_start3A_273 : memref<1x256xi32, #tpu.memory_space<vmem_shared>> -> memref<256xi32, #tpu.memory_space<vmem_shared>>
      %dma_start3A_275 = arith.constant 0 : i32
      %dma_start3A_276 = tpu.memref_slice %dma_start3A_274[%dma_start3A_275] : memref<256xi32, #tpu.memory_space<vmem_shared>> -> memref<256xi32, #tpu.memory_space<vmem_shared>>
      %dma_start3A_277 = arith.constant 0 : i32
      %dma_start3A_278 = tpu.memref_slice %arg8[%dma_start3A_277] : memref<256xi32, #tpu.memory_space<vmem>> -> memref<256xi32, #tpu.memory_space<vmem>>
      tpu.enqueue_dma source(%dma_start3A_278 : memref<256xi32, #tpu.memory_space<vmem>>) target(%dma_start3A_276 : memref<256xi32, #tpu.memory_space<vmem_shared>>) target_semaphore(%run_scoped3A_257 : memref<!tpu.dma_semaphore, #tpu.memory_space<semaphore_mem>>)
      %dma_wait3A = arith.constant 0 : i32
      %dma_wait3A_279 = tpu.memref_slice %arg8[%dma_wait3A] : memref<256xi32, #tpu.memory_space<vmem>> -> memref<256xi32, #tpu.memory_space<vmem>>
      %dma_wait3A_280 = arith.constant 0 : i32
      %dma_wait3A_281 = arith.constant 0 : i32
      %dma_wait3A_282 = tpu.memref_slice %arg13[%run_scoped3A_52, %dma_wait3A_280, %dma_wait3A_281] : memref<4x16x256xi32, #tpu.memory_space<vmem_shared>> -> memref<1x16x256xi32, #tpu.memory_space<vmem_shared>>
      %dma_wait3A_283 = tpu.memref_squeeze %dma_wait3A_282 : memref<1x16x256xi32, #tpu.memory_space<vmem_shared>> -> memref<16x256xi32, #tpu.memory_space<vmem_shared>>
      %dma_wait3A_284 = arith.constant 0 : i32
      %dma_wait3A_285 = tpu.memref_slice %dma_wait3A_283[%arg1, %dma_wait3A_284] : memref<16x256xi32, #tpu.memory_space<vmem_shared>> -> memref<1x256xi32, #tpu.memory_space<vmem_shared>>
      %dma_wait3A_286 = tpu.memref_squeeze %dma_wait3A_285 : memref<1x256xi32, #tpu.memory_space<vmem_shared>> -> memref<256xi32, #tpu.memory_space<vmem_shared>>
      %dma_wait3A_287 = arith.constant 0 : i32
      %dma_wait3A_288 = tpu.memref_slice %dma_wait3A_286[%dma_wait3A_287] : memref<256xi32, #tpu.memory_space<vmem_shared>> -> memref<256xi32, #tpu.memory_space<vmem_shared>>
      %dma_wait3A_289 = arith.constant 0 : i32
      %dma_wait3A_290 = arith.constant 0 : i32
      %dma_wait3A_291 = tpu.memref_slice %arg13[%run_scoped3A_52, %dma_wait3A_289, %dma_wait3A_290] : memref<4x16x256xi32, #tpu.memory_space<vmem_shared>> -> memref<1x16x256xi32, #tpu.memory_space<vmem_shared>>
      %dma_wait3A_292 = tpu.memref_squeeze %dma_wait3A_291 : memref<1x16x256xi32, #tpu.memory_space<vmem_shared>> -> memref<16x256xi32, #tpu.memory_space<vmem_shared>>
      %dma_wait3A_293 = arith.constant 0 : i32
      %dma_wait3A_294 = tpu.memref_slice %dma_wait3A_292[%arg1, %dma_wait3A_293] : memref<16x256xi32, #tpu.memory_space<vmem_shared>> -> memref<1x256xi32, #tpu.memory_space<vmem_shared>>
      %dma_wait3A_295 = tpu.memref_squeeze %dma_wait3A_294 : memref<1x256xi32, #tpu.memory_space<vmem_shared>> -> memref<256xi32, #tpu.memory_space<vmem_shared>>
      %dma_wait3A_296 = arith.constant 0 : i32
      %dma_wait3A_297 = tpu.memref_slice %dma_wait3A_295[%dma_wait3A_296] : memref<256xi32, #tpu.memory_space<vmem_shared>> -> memref<256xi32, #tpu.memory_space<vmem_shared>>
      %dma_wait3A_298 = arith.constant 0 : i32
      %dma_wait3A_299 = tpu.memref_slice %arg8[%dma_wait3A_298] : memref<256xi32, #tpu.memory_space<vmem>> -> memref<256xi32, #tpu.memory_space<vmem>>
      tpu.wait_dma2 semaphore(%run_scoped3A_257 : memref<!tpu.dma_semaphore, #tpu.memory_space<semaphore_mem>>) src(%dma_wait3A_299 : memref<256xi32, #tpu.memory_space<vmem>>) dst(%dma_wait3A_297 : memref<256xi32, #tpu.memory_space<vmem_shared>>)
      tpu.yield
    }) : () -> ()
    %barrier3A_53 = arith.constant 0 : index
    tpu.barrier barrier_id(%barrier3A_53)
    %run_scoped3A_54 = arith.constant 1 : i32
    "tpu.region"() ({
      %run_scoped3A_257 = tpu.sem_alloc : memref<!tpu.dma_semaphore, #tpu.memory_space<semaphore_mem>>
      %dma_start3A = arith.constant 0 : i32
      %dma_start3A_258 = arith.constant 0 : i32
      %dma_start3A_259 = tpu.memref_slice %arg13[%run_scoped3A_54, %dma_start3A, %dma_start3A_258] : memref<4x16x256xi32, #tpu.memory_space<vmem_shared>> -> memref<1x16x256xi32, #tpu.memory_space<vmem_shared>>
      %dma_start3A_260 = tpu.memref_squeeze %dma_start3A_259 : memref<1x16x256xi32, #tpu.memory_space<vmem_shared>> -> memref<16x256xi32, #tpu.memory_space<vmem_shared>>
      %dma_start3A_261 = arith.constant 0 : i32
      %dma_start3A_262 = arith.constant 0 : i32
      %dma_start3A_263 = tpu.memref_slice %arg13[%run_scoped3A_54, %dma_start3A_261, %dma_start3A_262] : memref<4x16x256xi32, #tpu.memory_space<vmem_shared>> -> memref<1x16x256xi32, #tpu.memory_space<vmem_shared>>
      %dma_start3A_264 = tpu.memref_squeeze %dma_start3A_263 : memref<1x16x256xi32, #tpu.memory_space<vmem_shared>> -> memref<16x256xi32, #tpu.memory_space<vmem_shared>>
      tpu.enqueue_dma source(%dma_start3A_264 : memref<16x256xi32, #tpu.memory_space<vmem_shared>>) target(%arg9 : memref<16x256xi32, #tpu.memory_space<vmem>>) target_semaphore(%run_scoped3A_257 : memref<!tpu.dma_semaphore, #tpu.memory_space<semaphore_mem>>)
      %dma_wait3A = arith.constant 0 : i32
      %dma_wait3A_265 = arith.constant 0 : i32
      %dma_wait3A_266 = tpu.memref_slice %arg13[%run_scoped3A_54, %dma_wait3A, %dma_wait3A_265] : memref<4x16x256xi32, #tpu.memory_space<vmem_shared>> -> memref<1x16x256xi32, #tpu.memory_space<vmem_shared>>
      %dma_wait3A_267 = tpu.memref_squeeze %dma_wait3A_266 : memref<1x16x256xi32, #tpu.memory_space<vmem_shared>> -> memref<16x256xi32, #tpu.memory_space<vmem_shared>>
      %dma_wait3A_268 = arith.constant 0 : i32
      %dma_wait3A_269 = arith.constant 0 : i32
      %dma_wait3A_270 = tpu.memref_slice %arg13[%run_scoped3A_54, %dma_wait3A_268, %dma_wait3A_269] : memref<4x16x256xi32, #tpu.memory_space<vmem_shared>> -> memref<1x16x256xi32, #tpu.memory_space<vmem_shared>>
      %dma_wait3A_271 = tpu.memref_squeeze %dma_wait3A_270 : memref<1x16x256xi32, #tpu.memory_space<vmem_shared>> -> memref<16x256xi32, #tpu.memory_space<vmem_shared>>
      tpu.wait_dma2 semaphore(%run_scoped3A_257 : memref<!tpu.dma_semaphore, #tpu.memory_space<semaphore_mem>>) src(%dma_wait3A_271 : memref<16x256xi32, #tpu.memory_space<vmem_shared>>) dst(%arg9 : memref<16x256xi32, #tpu.memory_space<vmem>>)
      tpu.yield
    }) : () -> ()
    %scan3A_55 = arith.constant 0 : i32
    %scan3A_56 = arith.constant 0 : i32
    %scan3A_57 = arith.constant 16 : i32
    %scan3A_58 = arith.addi %scan3A_56, %scan3A_57 : i32
    %scan3A_59 = arith.constant 1 : i32
    %scan3A_60 = scf.for %scan3A_257 = %scan3A_56 to %scan3A_58 step %scan3A_59 iter_args(%scan3A_258 = %scan3A_55) -> (i32)  : i32 {
      %broadcast_in_dim3A_259 = arith.constant 0 : i32
      %broadcast_in_dim3A_260 = vector.broadcast %broadcast_in_dim3A_259 : i32 to vector<16xi32>
      %mul3A_261 = arith.constant 16 : i32
      %mul3A_262 = arith.muli %mul3A_261, %scan3A_257 : i32
      %get3A_263 = arith.constant 0 : i32
      %get3A_264 = arith.index_cast %get3A_263 : i32 to index
      %get3A_265 = arith.index_cast %mul3A_262 : i32 to index
      %get3A_266 = tpu.vector_load %arg9[%get3A_264, %get3A_265] {strides = array<i32>} : memref<16x256xi32, #tpu.memory_space<vmem>>, vector<16xi32>,
      %add3A_267 = arith.addi %broadcast_in_dim3A_260, %get3A_266 : vector<16xi32>
      %mul3A_268 = arith.constant 16 : i32
      %mul3A_269 = arith.muli %mul3A_268, %scan3A_257 : i32
      %get3A_270 = arith.constant 1 : i32
      %get3A_271 = arith.index_cast %get3A_270 : i32 to index
      %get3A_272 = arith.index_cast %mul3A_269 : i32 to index
      %get3A_273 = tpu.vector_load %arg9[%get3A_271, %get3A_272] {strides = array<i32>} : memref<16x256xi32, #tpu.memory_space<vmem>>, vector<16xi32>,
      %add3A_274 = arith.addi %add3A_267, %get3A_273 : vector<16xi32>
      %mul3A_275 = arith.constant 16 : i32
      %mul3A_276 = arith.muli %mul3A_275, %scan3A_257 : i32
      %get3A_277 = arith.constant 2 : i32
      %get3A_278 = arith.index_cast %get3A_277 : i32 to index
      %get3A_279 = arith.index_cast %mul3A_276 : i32 to index
      %get3A_280 = tpu.vector_load %arg9[%get3A_278, %get3A_279] {strides = array<i32>} : memref<16x256xi32, #tpu.memory_space<vmem>>, vector<16xi32>,
      %add3A_281 = arith.addi %add3A_274, %get3A_280 : vector<16xi32>
      %mul3A_282 = arith.constant 16 : i32
      %mul3A_283 = arith.muli %mul3A_282, %scan3A_257 : i32
      %get3A_284 = arith.constant 3 : i32
      %get3A_285 = arith.index_cast %get3A_284 : i32 to index
      %get3A_286 = arith.index_cast %mul3A_283 : i32 to index
      %get3A_287 = tpu.vector_load %arg9[%get3A_285, %get3A_286] {strides = array<i32>} : memref<16x256xi32, #tpu.memory_space<vmem>>, vector<16xi32>,
      %add3A_288 = arith.addi %add3A_281, %get3A_287 : vector<16xi32>
      %mul3A_289 = arith.constant 16 : i32
      %mul3A_290 = arith.muli %mul3A_289, %scan3A_257 : i32
      %get3A_291 = arith.constant 4 : i32
      %get3A_292 = arith.index_cast %get3A_291 : i32 to index
      %get3A_293 = arith.index_cast %mul3A_290 : i32 to index
      %get3A_294 = tpu.vector_load %arg9[%get3A_292, %get3A_293] {strides = array<i32>} : memref<16x256xi32, #tpu.memory_space<vmem>>, vector<16xi32>,
      %add3A_295 = arith.addi %add3A_288, %get3A_294 : vector<16xi32>
      %mul3A_296 = arith.constant 16 : i32
      %mul3A_297 = arith.muli %mul3A_296, %scan3A_257 : i32
      %get3A_298 = arith.constant 5 : i32
      %get3A_299 = arith.index_cast %get3A_298 : i32 to index
      %get3A_300 = arith.index_cast %mul3A_297 : i32 to index
      %get3A_301 = tpu.vector_load %arg9[%get3A_299, %get3A_300] {strides = array<i32>} : memref<16x256xi32, #tpu.memory_space<vmem>>, vector<16xi32>,
      %add3A_302 = arith.addi %add3A_295, %get3A_301 : vector<16xi32>
      %mul3A_303 = arith.constant 16 : i32
      %mul3A_304 = arith.muli %mul3A_303, %scan3A_257 : i32
      %get3A_305 = arith.constant 6 : i32
      %get3A_306 = arith.index_cast %get3A_305 : i32 to index
      %get3A_307 = arith.index_cast %mul3A_304 : i32 to index
      %get3A_308 = tpu.vector_load %arg9[%get3A_306, %get3A_307] {strides = array<i32>} : memref<16x256xi32, #tpu.memory_space<vmem>>, vector<16xi32>,
      %add3A_309 = arith.addi %add3A_302, %get3A_308 : vector<16xi32>
      %mul3A_310 = arith.constant 16 : i32
      %mul3A_311 = arith.muli %mul3A_310, %scan3A_257 : i32
      %get3A_312 = arith.constant 7 : i32
      %get3A_313 = arith.index_cast %get3A_312 : i32 to index
      %get3A_314 = arith.index_cast %mul3A_311 : i32 to index
      %get3A_315 = tpu.vector_load %arg9[%get3A_313, %get3A_314] {strides = array<i32>} : memref<16x256xi32, #tpu.memory_space<vmem>>, vector<16xi32>,
      %add3A_316 = arith.addi %add3A_309, %get3A_315 : vector<16xi32>
      %mul3A_317 = arith.constant 16 : i32
      %mul3A_318 = arith.muli %mul3A_317, %scan3A_257 : i32
      %get3A_319 = arith.constant 8 : i32
      %get3A_320 = arith.index_cast %get3A_319 : i32 to index
      %get3A_321 = arith.index_cast %mul3A_318 : i32 to index
      %get3A_322 = tpu.vector_load %arg9[%get3A_320, %get3A_321] {strides = array<i32>} : memref<16x256xi32, #tpu.memory_space<vmem>>, vector<16xi32>,
      %add3A_323 = arith.addi %add3A_316, %get3A_322 : vector<16xi32>
      %mul3A_324 = arith.constant 16 : i32
      %mul3A_325 = arith.muli %mul3A_324, %scan3A_257 : i32
      %get3A_326 = arith.constant 9 : i32
      %get3A_327 = arith.index_cast %get3A_326 : i32 to index
      %get3A_328 = arith.index_cast %mul3A_325 : i32 to index
      %get3A_329 = tpu.vector_load %arg9[%get3A_327, %get3A_328] {strides = array<i32>} : memref<16x256xi32, #tpu.memory_space<vmem>>, vector<16xi32>,
      %add3A_330 = arith.addi %add3A_323, %get3A_329 : vector<16xi32>
      %mul3A_331 = arith.constant 16 : i32
      %mul3A_332 = arith.muli %mul3A_331, %scan3A_257 : i32
      %get3A_333 = arith.constant 10 : i32
      %get3A_334 = arith.index_cast %get3A_333 : i32 to index
      %get3A_335 = arith.index_cast %mul3A_332 : i32 to index
      %get3A_336 = tpu.vector_load %arg9[%get3A_334, %get3A_335] {strides = array<i32>} : memref<16x256xi32, #tpu.memory_space<vmem>>, vector<16xi32>,
      %add3A_337 = arith.addi %add3A_330, %get3A_336 : vector<16xi32>
      %mul3A_338 = arith.constant 16 : i32
      %mul3A_339 = arith.muli %mul3A_338, %scan3A_257 : i32
      %get3A_340 = arith.constant 11 : i32
      %get3A_341 = arith.index_cast %get3A_340 : i32 to index
      %get3A_342 = arith.index_cast %mul3A_339 : i32 to index
      %get3A_343 = tpu.vector_load %arg9[%get3A_341, %get3A_342] {strides = array<i32>} : memref<16x256xi32, #tpu.memory_space<vmem>>, vector<16xi32>,
      %add3A_344 = arith.addi %add3A_337, %get3A_343 : vector<16xi32>
      %mul3A_345 = arith.constant 16 : i32
      %mul3A_346 = arith.muli %mul3A_345, %scan3A_257 : i32
      %get3A_347 = arith.constant 12 : i32
      %get3A_348 = arith.index_cast %get3A_347 : i32 to index
      %get3A_349 = arith.index_cast %mul3A_346 : i32 to index
      %get3A_350 = tpu.vector_load %arg9[%get3A_348, %get3A_349] {strides = array<i32>} : memref<16x256xi32, #tpu.memory_space<vmem>>, vector<16xi32>,
      %add3A_351 = arith.addi %add3A_344, %get3A_350 : vector<16xi32>
      %mul3A_352 = arith.constant 16 : i32
      %mul3A_353 = arith.muli %mul3A_352, %scan3A_257 : i32
      %get3A_354 = arith.constant 13 : i32
      %get3A_355 = arith.index_cast %get3A_354 : i32 to index
      %get3A_356 = arith.index_cast %mul3A_353 : i32 to index
      %get3A_357 = tpu.vector_load %arg9[%get3A_355, %get3A_356] {strides = array<i32>} : memref<16x256xi32, #tpu.memory_space<vmem>>, vector<16xi32>,
      %add3A_358 = arith.addi %add3A_351, %get3A_357 : vector<16xi32>
      %mul3A_359 = arith.constant 16 : i32
      %mul3A_360 = arith.muli %mul3A_359, %scan3A_257 : i32
      %get3A_361 = arith.constant 14 : i32
      %get3A_362 = arith.index_cast %get3A_361 : i32 to index
      %get3A_363 = arith.index_cast %mul3A_360 : i32 to index
      %get3A_364 = tpu.vector_load %arg9[%get3A_362, %get3A_363] {strides = array<i32>} : memref<16x256xi32, #tpu.memory_space<vmem>>, vector<16xi32>,
      %add3A_365 = arith.addi %add3A_358, %get3A_364 : vector<16xi32>
      %mul3A_366 = arith.constant 16 : i32
      %mul3A_367 = arith.muli %mul3A_366, %scan3A_257 : i32
      %get3A_368 = arith.constant 15 : i32
      %get3A_369 = arith.index_cast %get3A_368 : i32 to index
      %get3A_370 = arith.index_cast %mul3A_367 : i32 to index
      %get3A_371 = tpu.vector_load %arg9[%get3A_369, %get3A_370] {strides = array<i32>} : memref<16x256xi32, #tpu.memory_space<vmem>>, vector<16xi32>,
      %add3A_372 = arith.addi %add3A_365, %get3A_371 : vector<16xi32>
      %mul3A_373 = arith.constant 16 : i32
      %mul3A_374 = arith.muli %mul3A_373, %scan3A_257 : i32
      %swap3A_375 = arith.index_cast %mul3A_374 : i32 to index
      %swap3A_376 = tpu.vector_load %arg10[%swap3A_375] {strides = array<i32>} : memref<256xi32, #tpu.memory_space<vmem>>, vector<16xi32>,
      tpu.vector_store %arg10[%swap3A_375], %add3A_372 {strides = array<i32>} : memref<256xi32, #tpu.memory_space<vmem>>, vector<16xi32>,
      %scan3A_377 = arith.constant 0 : i32
      scf.yield %scan3A_377 : i32
    }
    %scan3A_61 = arith.constant 16 : i32
    %scan3A_62 = arith.constant false
    %scan3A_63 = arith.constant 0 : i32
    %scan3A_64 = arith.constant 0 : i32
    %scan3A_65 = arith.constant 0 : i32
    %scan3A_66 = arith.constant 0 : i32
    %scan3A_67 = arith.constant 16 : i32
    %scan3A_68 = arith.addi %scan3A_66, %scan3A_67 : i32
    %scan3A_69 = arith.constant 1 : i32
    %scan3A_70:4 = scf.for %scan3A_257 = %scan3A_66 to %scan3A_68 step %scan3A_69 iter_args(%scan3A_258 = %scan3A_62, %scan3A_259 = %scan3A_63, %scan3A_260 = %scan3A_64, %scan3A_261 = %scan3A_65) -> (i1, i32, i32, i32)  : i32 {
      %mul3A_262 = arith.constant 16 : i32
      %mul3A_263 = arith.muli %mul3A_262, %scan3A_257 : i32
      %get3A_264 = arith.index_cast %mul3A_263 : i32 to index
      %get3A_265 = tpu.vector_load %arg10[%get3A_264] {strides = array<i32>} : memref<256xi32, #tpu.memory_space<vmem>>, vector<16xi32>,
      %broadcast_in_dim3A_266 = arith.constant true
      %broadcast_in_dim3A_267 = vector.broadcast %broadcast_in_dim3A_266 : i1 to vector<16xi1>
      %masked_cumsum3A = tpu.scan <sum>, %get3A_265 masked %broadcast_in_dim3A_267 : vector<16xi32>, vector<16xi1> -> vector<16xi32>
      %reduce_max3A = arith.constant true
      %reduce_max3A_268 = vector.broadcast %reduce_max3A : i1 to vector<16xi1>
      %reduce_max3A_269 = arith.constant -2147483648 : i32
      %reduce_max3A_270 = vector.broadcast %reduce_max3A_269 : i32 to vector<16xi32>
      %reduce_max3A_271 = arith.xori %masked_cumsum3A, %reduce_max3A_270 : vector<16xi32>
      %reduce_max3A_272 = tpu.scan <max>, %reduce_max3A_271 masked %reduce_max3A_268 : vector<16xi32>, vector<16xi1> -> vector<16xi32>
      %reduce_max3A_273 = arith.xori %reduce_max3A_272, %reduce_max3A_270 : vector<16xi32>
      %reduce_max3A_274 = vector.extract %reduce_max3A_273[15] : i32 from vector<16xi32>
      %add3A_275 = vector.broadcast %scan3A_261 : i32 to vector<16xi32>
      %add3A_276 = arith.addi %add3A_275, %masked_cumsum3A : vector<16xi32>
      %ge3A = vector.broadcast %sub3A_35 : i32 to vector<16xi32>
      %ge3A_277 = arith.cmpi sge, %add3A_276, %ge3A : vector<16xi32>
      %convert_element_type3A = arith.extui %ge3A_277 : vector<16xi1> to vector<16xi32>
      %reduce_sum3A_278 = arith.constant true
      %reduce_sum3A_279 = vector.broadcast %reduce_sum3A_278 : i1 to vector<16xi1>
      %reduce_sum3A_280 = tpu.scan <sum>, %convert_element_type3A masked %reduce_sum3A_279 : vector<16xi32>, vector<16xi1> -> vector<16xi32>
      %reduce_sum3A_281 = vector.extract %reduce_sum3A_280[15] : i32 from vector<16xi32>
      %sub3A_282 = arith.constant 16 : i32
      %sub3A_283 = arith.subi %sub3A_282, %reduce_sum3A_281 : i32
      %not3A = arith.constant true
      %not3A_284 = arith.xori %scan3A_258, %not3A : i1
      %gt3A = arith.constant 0 : i32
      %gt3A_285 = arith.cmpi sgt, %reduce_sum3A_281, %gt3A : i32
      %and3A = arith.andi %not3A_284, %gt3A_285 : i1
      %eq3A_286 = vector.broadcast %sub3A_283 : i32 to vector<16xi32>
      %eq3A_287 = arith.cmpi eq, %iota3A, %eq3A_286 : vector<16xi32>
      %sub3A_288 = arith.subi %masked_cumsum3A, %get3A_265 : vector<16xi32>
      %jit3A_289 = arith.constant 0 : i32
      %broadcast_in_dim3A_290 = vector.broadcast %jit3A_289 : i32 to vector<16xi32>
      %select_n3A_291 = arith.select %eq3A_287, %sub3A_288, %broadcast_in_dim3A_290 : vector<16xi1>, vector<16xi32>
      %reduce_sum3A_292 = arith.constant true
      %reduce_sum3A_293 = vector.broadcast %reduce_sum3A_292 : i1 to vector<16xi1>
      %reduce_sum3A_294 = tpu.scan <sum>, %select_n3A_291 masked %reduce_sum3A_293 : vector<16xi32>, vector<16xi1> -> vector<16xi32>
      %reduce_sum3A_295 = vector.extract %reduce_sum3A_294[15] : i32 from vector<16xi32>
      %mul3A_296 = arith.constant 16 : i32
      %mul3A_297 = arith.muli %mul3A_296, %scan3A_257 : i32
      %add3A_298 = arith.addi %mul3A_297, %sub3A_283 : i32
      %select_n3A_299 = arith.select %and3A, %add3A_298, %scan3A_259 : i32
      %add3A_300 = arith.addi %scan3A_261, %reduce_sum3A_295 : i32
      %select_n3A_301 = arith.select %and3A, %add3A_300, %scan3A_260 : i32
      %gt3A_302 = arith.constant 0 : i32
      %gt3A_303 = arith.cmpi sgt, %reduce_sum3A_281, %gt3A_302 : i32
      %or3A_304 = arith.ori %scan3A_258, %gt3A_303 : i1
      %add3A_305 = arith.addi %scan3A_261, %reduce_max3A_274 : i32
      scf.yield %or3A_304, %select_n3A_299, %select_n3A_301, %add3A_305 : i1, i32, i32, i32
    }
    %scan3A_71 = arith.constant 16 : i32
    %sub3A_72 = arith.subi %sub3A_35, %scan3A_70#2 : i32
    %shift_left3A_73 = arith.constant 8 : i32
    %shift_left3A_74 = arith.shli %or3A, %shift_left3A_73 : i32
    %or3A_75 = arith.ori %shift_left3A_74, %scan3A_70#1 : i32
    %scan3A_76 = arith.constant 0 : i32
    %scan3A_77 = arith.constant 0 : i32
    %scan3A_78 = arith.constant 16 : i32
    %scan3A_79 = arith.addi %scan3A_77, %scan3A_78 : i32
    %scan3A_80 = arith.constant 1 : i32
    %scan3A_81 = scf.for %scan3A_257 = %scan3A_77 to %scan3A_79 step %scan3A_80 iter_args(%scan3A_258 = %scan3A_76) -> (i32)  : i32 {
      %broadcast_in_dim3A_259 = arith.constant 0 : i32
      %broadcast_in_dim3A_260 = vector.broadcast %broadcast_in_dim3A_259 : i32 to vector<16xi32>
      %mul3A_261 = arith.constant 16 : i32
      %mul3A_262 = arith.muli %mul3A_261, %scan3A_257 : i32
      %swap3A_263 = arith.index_cast %mul3A_262 : i32 to index
      %swap3A_264 = tpu.vector_load %arg8[%swap3A_263] {strides = array<i32>} : memref<256xi32, #tpu.memory_space<vmem>>, vector<16xi32>,
      tpu.vector_store %arg8[%swap3A_263], %broadcast_in_dim3A_260 {strides = array<i32>} : memref<256xi32, #tpu.memory_space<vmem>>, vector<16xi32>,
      %scan3A_265 = arith.constant 0 : i32
      scf.yield %scan3A_265 : i32
    }
    %scan3A_82 = arith.constant 16 : i32
    %scan3A_83 = arith.constant 0 : i32
    %scan3A_84 = arith.constant 0 : i32
    %scan3A_85 = arith.constant 64 : i32
    %scan3A_86 = arith.addi %scan3A_84, %scan3A_85 : i32
    %scan3A_87 = arith.constant 1 : i32
    %scan3A_88 = scf.for %scan3A_257 = %scan3A_84 to %scan3A_86 step %scan3A_87 iter_args(%scan3A_258 = %scan3A_83) -> (i32)  : i32 {
      %mul3A_259 = arith.constant 16 : i32
      %mul3A_260 = arith.muli %mul3A_259, %scan3A_257 : i32
      %get3A_261 = arith.index_cast %mul3A_260 : i32 to index
      %get3A_262 = tpu.vector_load %arg5[%get3A_261] {strides = array<i32>} : memref<1024xf32, #tpu.memory_space<vmem>>, vector<16xf32>,
      %bitcast3A = vector.bitcast %get3A_262 : vector<16xf32> to vector<16xi32>
      %shift_right_arithmetic3A = arith.constant 14 : i32
      %shift_right_arithmetic3A_263 = vector.broadcast %shift_right_arithmetic3A : i32 to vector<16xi32>
      %shift_right_arithmetic3A_264 = arith.shrsi %bitcast3A, %shift_right_arithmetic3A_263 : vector<16xi32>
      %eq3A_265 = vector.broadcast %or3A_75 : i32 to vector<16xi32>
      %eq3A_266 = arith.cmpi eq, %shift_right_arithmetic3A_264, %eq3A_265 : vector<16xi32>
      %shift_right_arithmetic3A_267 = arith.constant 6 : i32
      %shift_right_arithmetic3A_268 = vector.broadcast %shift_right_arithmetic3A_267 : i32 to vector<16xi32>
      %shift_right_arithmetic3A_269 = arith.shrsi %bitcast3A, %shift_right_arithmetic3A_268 : vector<16xi32>
      %and3A = arith.constant 255 : i32
      %and3A_270 = vector.broadcast %and3A : i32 to vector<16xi32>
      %and3A_271 = arith.andi %shift_right_arithmetic3A_269, %and3A_270 : vector<16xi32>
      tpu.vector_store_idx %arg8[%and3A_271], %broadcast_in_dim3A_1 masked %eq3A_266 {add = true} : memref<256xi32, #tpu.memory_space<vmem>>[vector<16xi32>], vector<16xi32>, vector<16xi1>
      %scan3A_272 = arith.constant 0 : i32
      scf.yield %scan3A_272 : i32
    }
    %scan3A_89 = arith.constant 64 : i32
    %run_scoped3A_90 = arith.constant 2 : i32
    "tpu.region"() ({
      %run_scoped3A_257 = tpu.sem_alloc : memref<!tpu.dma_semaphore, #tpu.memory_space<semaphore_mem>>
      %dma_start3A = arith.constant 0 : i32
      %dma_start3A_258 = tpu.memref_slice %arg8[%dma_start3A] : memref<256xi32, #tpu.memory_space<vmem>> -> memref<256xi32, #tpu.memory_space<vmem>>
      %dma_start3A_259 = arith.constant 0 : i32
      %dma_start3A_260 = arith.constant 0 : i32
      %dma_start3A_261 = tpu.memref_slice %arg13[%run_scoped3A_90, %dma_start3A_259, %dma_start3A_260] : memref<4x16x256xi32, #tpu.memory_space<vmem_shared>> -> memref<1x16x256xi32, #tpu.memory_space<vmem_shared>>
      %dma_start3A_262 = tpu.memref_squeeze %dma_start3A_261 : memref<1x16x256xi32, #tpu.memory_space<vmem_shared>> -> memref<16x256xi32, #tpu.memory_space<vmem_shared>>
      %dma_start3A_263 = arith.constant 0 : i32
      %dma_start3A_264 = tpu.memref_slice %dma_start3A_262[%arg1, %dma_start3A_263] : memref<16x256xi32, #tpu.memory_space<vmem_shared>> -> memref<1x256xi32, #tpu.memory_space<vmem_shared>>
      %dma_start3A_265 = tpu.memref_squeeze %dma_start3A_264 : memref<1x256xi32, #tpu.memory_space<vmem_shared>> -> memref<256xi32, #tpu.memory_space<vmem_shared>>
      %dma_start3A_266 = arith.constant 0 : i32
      %dma_start3A_267 = tpu.memref_slice %dma_start3A_265[%dma_start3A_266] : memref<256xi32, #tpu.memory_space<vmem_shared>> -> memref<256xi32, #tpu.memory_space<vmem_shared>>
      %dma_start3A_268 = arith.constant 0 : i32
      %dma_start3A_269 = arith.constant 0 : i32
      %dma_start3A_270 = tpu.memref_slice %arg13[%run_scoped3A_90, %dma_start3A_268, %dma_start3A_269] : memref<4x16x256xi32, #tpu.memory_space<vmem_shared>> -> memref<1x16x256xi32, #tpu.memory_space<vmem_shared>>
      %dma_start3A_271 = tpu.memref_squeeze %dma_start3A_270 : memref<1x16x256xi32, #tpu.memory_space<vmem_shared>> -> memref<16x256xi32, #tpu.memory_space<vmem_shared>>
      %dma_start3A_272 = arith.constant 0 : i32
      %dma_start3A_273 = tpu.memref_slice %dma_start3A_271[%arg1, %dma_start3A_272] : memref<16x256xi32, #tpu.memory_space<vmem_shared>> -> memref<1x256xi32, #tpu.memory_space<vmem_shared>>
      %dma_start3A_274 = tpu.memref_squeeze %dma_start3A_273 : memref<1x256xi32, #tpu.memory_space<vmem_shared>> -> memref<256xi32, #tpu.memory_space<vmem_shared>>
      %dma_start3A_275 = arith.constant 0 : i32
      %dma_start3A_276 = tpu.memref_slice %dma_start3A_274[%dma_start3A_275] : memref<256xi32, #tpu.memory_space<vmem_shared>> -> memref<256xi32, #tpu.memory_space<vmem_shared>>
      %dma_start3A_277 = arith.constant 0 : i32
      %dma_start3A_278 = tpu.memref_slice %arg8[%dma_start3A_277] : memref<256xi32, #tpu.memory_space<vmem>> -> memref<256xi32, #tpu.memory_space<vmem>>
      tpu.enqueue_dma source(%dma_start3A_278 : memref<256xi32, #tpu.memory_space<vmem>>) target(%dma_start3A_276 : memref<256xi32, #tpu.memory_space<vmem_shared>>) target_semaphore(%run_scoped3A_257 : memref<!tpu.dma_semaphore, #tpu.memory_space<semaphore_mem>>)
      %dma_wait3A = arith.constant 0 : i32
      %dma_wait3A_279 = tpu.memref_slice %arg8[%dma_wait3A] : memref<256xi32, #tpu.memory_space<vmem>> -> memref<256xi32, #tpu.memory_space<vmem>>
      %dma_wait3A_280 = arith.constant 0 : i32
      %dma_wait3A_281 = arith.constant 0 : i32
      %dma_wait3A_282 = tpu.memref_slice %arg13[%run_scoped3A_90, %dma_wait3A_280, %dma_wait3A_281] : memref<4x16x256xi32, #tpu.memory_space<vmem_shared>> -> memref<1x16x256xi32, #tpu.memory_space<vmem_shared>>
      %dma_wait3A_283 = tpu.memref_squeeze %dma_wait3A_282 : memref<1x16x256xi32, #tpu.memory_space<vmem_shared>> -> memref<16x256xi32, #tpu.memory_space<vmem_shared>>
      %dma_wait3A_284 = arith.constant 0 : i32
      %dma_wait3A_285 = tpu.memref_slice %dma_wait3A_283[%arg1, %dma_wait3A_284] : memref<16x256xi32, #tpu.memory_space<vmem_shared>> -> memref<1x256xi32, #tpu.memory_space<vmem_shared>>
      %dma_wait3A_286 = tpu.memref_squeeze %dma_wait3A_285 : memref<1x256xi32, #tpu.memory_space<vmem_shared>> -> memref<256xi32, #tpu.memory_space<vmem_shared>>
      %dma_wait3A_287 = arith.constant 0 : i32
      %dma_wait3A_288 = tpu.memref_slice %dma_wait3A_286[%dma_wait3A_287] : memref<256xi32, #tpu.memory_space<vmem_shared>> -> memref<256xi32, #tpu.memory_space<vmem_shared>>
      %dma_wait3A_289 = arith.constant 0 : i32
      %dma_wait3A_290 = arith.constant 0 : i32
      %dma_wait3A_291 = tpu.memref_slice %arg13[%run_scoped3A_90, %dma_wait3A_289, %dma_wait3A_290] : memref<4x16x256xi32, #tpu.memory_space<vmem_shared>> -> memref<1x16x256xi32, #tpu.memory_space<vmem_shared>>
      %dma_wait3A_292 = tpu.memref_squeeze %dma_wait3A_291 : memref<1x16x256xi32, #tpu.memory_space<vmem_shared>> -> memref<16x256xi32, #tpu.memory_space<vmem_shared>>
      %dma_wait3A_293 = arith.constant 0 : i32
      %dma_wait3A_294 = tpu.memref_slice %dma_wait3A_292[%arg1, %dma_wait3A_293] : memref<16x256xi32, #tpu.memory_space<vmem_shared>> -> memref<1x256xi32, #tpu.memory_space<vmem_shared>>
      %dma_wait3A_295 = tpu.memref_squeeze %dma_wait3A_294 : memref<1x256xi32, #tpu.memory_space<vmem_shared>> -> memref<256xi32, #tpu.memory_space<vmem_shared>>
      %dma_wait3A_296 = arith.constant 0 : i32
      %dma_wait3A_297 = tpu.memref_slice %dma_wait3A_295[%dma_wait3A_296] : memref<256xi32, #tpu.memory_space<vmem_shared>> -> memref<256xi32, #tpu.memory_space<vmem_shared>>
      %dma_wait3A_298 = arith.constant 0 : i32
      %dma_wait3A_299 = tpu.memref_slice %arg8[%dma_wait3A_298] : memref<256xi32, #tpu.memory_space<vmem>> -> memref<256xi32, #tpu.memory_space<vmem>>
      tpu.wait_dma2 semaphore(%run_scoped3A_257 : memref<!tpu.dma_semaphore, #tpu.memory_space<semaphore_mem>>) src(%dma_wait3A_299 : memref<256xi32, #tpu.memory_space<vmem>>) dst(%dma_wait3A_297 : memref<256xi32, #tpu.memory_space<vmem_shared>>)
      tpu.yield
    }) : () -> ()
    %barrier3A_91 = arith.constant 0 : index
    tpu.barrier barrier_id(%barrier3A_91)
    %run_scoped3A_92 = arith.constant 2 : i32
    "tpu.region"() ({
      %run_scoped3A_257 = tpu.sem_alloc : memref<!tpu.dma_semaphore, #tpu.memory_space<semaphore_mem>>
      %dma_start3A = arith.constant 0 : i32
      %dma_start3A_258 = arith.constant 0 : i32
      %dma_start3A_259 = tpu.memref_slice %arg13[%run_scoped3A_92, %dma_start3A, %dma_start3A_258] : memref<4x16x256xi32, #tpu.memory_space<vmem_shared>> -> memref<1x16x256xi32, #tpu.memory_space<vmem_shared>>
      %dma_start3A_260 = tpu.memref_squeeze %dma_start3A_259 : memref<1x16x256xi32, #tpu.memory_space<vmem_shared>> -> memref<16x256xi32, #tpu.memory_space<vmem_shared>>
      %dma_start3A_261 = arith.constant 0 : i32
      %dma_start3A_262 = arith.constant 0 : i32
      %dma_start3A_263 = tpu.memref_slice %arg13[%run_scoped3A_92, %dma_start3A_261, %dma_start3A_262] : memref<4x16x256xi32, #tpu.memory_space<vmem_shared>> -> memref<1x16x256xi32, #tpu.memory_space<vmem_shared>>
      %dma_start3A_264 = tpu.memref_squeeze %dma_start3A_263 : memref<1x16x256xi32, #tpu.memory_space<vmem_shared>> -> memref<16x256xi32, #tpu.memory_space<vmem_shared>>
      tpu.enqueue_dma source(%dma_start3A_264 : memref<16x256xi32, #tpu.memory_space<vmem_shared>>) target(%arg9 : memref<16x256xi32, #tpu.memory_space<vmem>>) target_semaphore(%run_scoped3A_257 : memref<!tpu.dma_semaphore, #tpu.memory_space<semaphore_mem>>)
      %dma_wait3A = arith.constant 0 : i32
      %dma_wait3A_265 = arith.constant 0 : i32
      %dma_wait3A_266 = tpu.memref_slice %arg13[%run_scoped3A_92, %dma_wait3A, %dma_wait3A_265] : memref<4x16x256xi32, #tpu.memory_space<vmem_shared>> -> memref<1x16x256xi32, #tpu.memory_space<vmem_shared>>
      %dma_wait3A_267 = tpu.memref_squeeze %dma_wait3A_266 : memref<1x16x256xi32, #tpu.memory_space<vmem_shared>> -> memref<16x256xi32, #tpu.memory_space<vmem_shared>>
      %dma_wait3A_268 = arith.constant 0 : i32
      %dma_wait3A_269 = arith.constant 0 : i32
      %dma_wait3A_270 = tpu.memref_slice %arg13[%run_scoped3A_92, %dma_wait3A_268, %dma_wait3A_269] : memref<4x16x256xi32, #tpu.memory_space<vmem_shared>> -> memref<1x16x256xi32, #tpu.memory_space<vmem_shared>>
      %dma_wait3A_271 = tpu.memref_squeeze %dma_wait3A_270 : memref<1x16x256xi32, #tpu.memory_space<vmem_shared>> -> memref<16x256xi32, #tpu.memory_space<vmem_shared>>
      tpu.wait_dma2 semaphore(%run_scoped3A_257 : memref<!tpu.dma_semaphore, #tpu.memory_space<semaphore_mem>>) src(%dma_wait3A_271 : memref<16x256xi32, #tpu.memory_space<vmem_shared>>) dst(%arg9 : memref<16x256xi32, #tpu.memory_space<vmem>>)
      tpu.yield
    }) : () -> ()
    %scan3A_93 = arith.constant 0 : i32
    %scan3A_94 = arith.constant 0 : i32
    %scan3A_95 = arith.constant 16 : i32
    %scan3A_96 = arith.addi %scan3A_94, %scan3A_95 : i32
    %scan3A_97 = arith.constant 1 : i32
    %scan3A_98 = scf.for %scan3A_257 = %scan3A_94 to %scan3A_96 step %scan3A_97 iter_args(%scan3A_258 = %scan3A_93) -> (i32)  : i32 {
      %broadcast_in_dim3A_259 = arith.constant 0 : i32
      %broadcast_in_dim3A_260 = vector.broadcast %broadcast_in_dim3A_259 : i32 to vector<16xi32>
      %mul3A_261 = arith.constant 16 : i32
      %mul3A_262 = arith.muli %mul3A_261, %scan3A_257 : i32
      %get3A_263 = arith.constant 0 : i32
      %get3A_264 = arith.index_cast %get3A_263 : i32 to index
      %get3A_265 = arith.index_cast %mul3A_262 : i32 to index
      %get3A_266 = tpu.vector_load %arg9[%get3A_264, %get3A_265] {strides = array<i32>} : memref<16x256xi32, #tpu.memory_space<vmem>>, vector<16xi32>,
      %add3A_267 = arith.addi %broadcast_in_dim3A_260, %get3A_266 : vector<16xi32>
      %mul3A_268 = arith.constant 16 : i32
      %mul3A_269 = arith.muli %mul3A_268, %scan3A_257 : i32
      %get3A_270 = arith.constant 1 : i32
      %get3A_271 = arith.index_cast %get3A_270 : i32 to index
      %get3A_272 = arith.index_cast %mul3A_269 : i32 to index
      %get3A_273 = tpu.vector_load %arg9[%get3A_271, %get3A_272] {strides = array<i32>} : memref<16x256xi32, #tpu.memory_space<vmem>>, vector<16xi32>,
      %add3A_274 = arith.addi %add3A_267, %get3A_273 : vector<16xi32>
      %mul3A_275 = arith.constant 16 : i32
      %mul3A_276 = arith.muli %mul3A_275, %scan3A_257 : i32
      %get3A_277 = arith.constant 2 : i32
      %get3A_278 = arith.index_cast %get3A_277 : i32 to index
      %get3A_279 = arith.index_cast %mul3A_276 : i32 to index
      %get3A_280 = tpu.vector_load %arg9[%get3A_278, %get3A_279] {strides = array<i32>} : memref<16x256xi32, #tpu.memory_space<vmem>>, vector<16xi32>,
      %add3A_281 = arith.addi %add3A_274, %get3A_280 : vector<16xi32>
      %mul3A_282 = arith.constant 16 : i32
      %mul3A_283 = arith.muli %mul3A_282, %scan3A_257 : i32
      %get3A_284 = arith.constant 3 : i32
      %get3A_285 = arith.index_cast %get3A_284 : i32 to index
      %get3A_286 = arith.index_cast %mul3A_283 : i32 to index
      %get3A_287 = tpu.vector_load %arg9[%get3A_285, %get3A_286] {strides = array<i32>} : memref<16x256xi32, #tpu.memory_space<vmem>>, vector<16xi32>,
      %add3A_288 = arith.addi %add3A_281, %get3A_287 : vector<16xi32>
      %mul3A_289 = arith.constant 16 : i32
      %mul3A_290 = arith.muli %mul3A_289, %scan3A_257 : i32
      %get3A_291 = arith.constant 4 : i32
      %get3A_292 = arith.index_cast %get3A_291 : i32 to index
      %get3A_293 = arith.index_cast %mul3A_290 : i32 to index
      %get3A_294 = tpu.vector_load %arg9[%get3A_292, %get3A_293] {strides = array<i32>} : memref<16x256xi32, #tpu.memory_space<vmem>>, vector<16xi32>,
      %add3A_295 = arith.addi %add3A_288, %get3A_294 : vector<16xi32>
      %mul3A_296 = arith.constant 16 : i32
      %mul3A_297 = arith.muli %mul3A_296, %scan3A_257 : i32
      %get3A_298 = arith.constant 5 : i32
      %get3A_299 = arith.index_cast %get3A_298 : i32 to index
      %get3A_300 = arith.index_cast %mul3A_297 : i32 to index
      %get3A_301 = tpu.vector_load %arg9[%get3A_299, %get3A_300] {strides = array<i32>} : memref<16x256xi32, #tpu.memory_space<vmem>>, vector<16xi32>,
      %add3A_302 = arith.addi %add3A_295, %get3A_301 : vector<16xi32>
      %mul3A_303 = arith.constant 16 : i32
      %mul3A_304 = arith.muli %mul3A_303, %scan3A_257 : i32
      %get3A_305 = arith.constant 6 : i32
      %get3A_306 = arith.index_cast %get3A_305 : i32 to index
      %get3A_307 = arith.index_cast %mul3A_304 : i32 to index
      %get3A_308 = tpu.vector_load %arg9[%get3A_306, %get3A_307] {strides = array<i32>} : memref<16x256xi32, #tpu.memory_space<vmem>>, vector<16xi32>,
      %add3A_309 = arith.addi %add3A_302, %get3A_308 : vector<16xi32>
      %mul3A_310 = arith.constant 16 : i32
      %mul3A_311 = arith.muli %mul3A_310, %scan3A_257 : i32
      %get3A_312 = arith.constant 7 : i32
      %get3A_313 = arith.index_cast %get3A_312 : i32 to index
      %get3A_314 = arith.index_cast %mul3A_311 : i32 to index
      %get3A_315 = tpu.vector_load %arg9[%get3A_313, %get3A_314] {strides = array<i32>} : memref<16x256xi32, #tpu.memory_space<vmem>>, vector<16xi32>,
      %add3A_316 = arith.addi %add3A_309, %get3A_315 : vector<16xi32>
      %mul3A_317 = arith.constant 16 : i32
      %mul3A_318 = arith.muli %mul3A_317, %scan3A_257 : i32
      %get3A_319 = arith.constant 8 : i32
      %get3A_320 = arith.index_cast %get3A_319 : i32 to index
      %get3A_321 = arith.index_cast %mul3A_318 : i32 to index
      %get3A_322 = tpu.vector_load %arg9[%get3A_320, %get3A_321] {strides = array<i32>} : memref<16x256xi32, #tpu.memory_space<vmem>>, vector<16xi32>,
      %add3A_323 = arith.addi %add3A_316, %get3A_322 : vector<16xi32>
      %mul3A_324 = arith.constant 16 : i32
      %mul3A_325 = arith.muli %mul3A_324, %scan3A_257 : i32
      %get3A_326 = arith.constant 9 : i32
      %get3A_327 = arith.index_cast %get3A_326 : i32 to index
      %get3A_328 = arith.index_cast %mul3A_325 : i32 to index
      %get3A_329 = tpu.vector_load %arg9[%get3A_327, %get3A_328] {strides = array<i32>} : memref<16x256xi32, #tpu.memory_space<vmem>>, vector<16xi32>,
      %add3A_330 = arith.addi %add3A_323, %get3A_329 : vector<16xi32>
      %mul3A_331 = arith.constant 16 : i32
      %mul3A_332 = arith.muli %mul3A_331, %scan3A_257 : i32
      %get3A_333 = arith.constant 10 : i32
      %get3A_334 = arith.index_cast %get3A_333 : i32 to index
      %get3A_335 = arith.index_cast %mul3A_332 : i32 to index
      %get3A_336 = tpu.vector_load %arg9[%get3A_334, %get3A_335] {strides = array<i32>} : memref<16x256xi32, #tpu.memory_space<vmem>>, vector<16xi32>,
      %add3A_337 = arith.addi %add3A_330, %get3A_336 : vector<16xi32>
      %mul3A_338 = arith.constant 16 : i32
      %mul3A_339 = arith.muli %mul3A_338, %scan3A_257 : i32
      %get3A_340 = arith.constant 11 : i32
      %get3A_341 = arith.index_cast %get3A_340 : i32 to index
      %get3A_342 = arith.index_cast %mul3A_339 : i32 to index
      %get3A_343 = tpu.vector_load %arg9[%get3A_341, %get3A_342] {strides = array<i32>} : memref<16x256xi32, #tpu.memory_space<vmem>>, vector<16xi32>,
      %add3A_344 = arith.addi %add3A_337, %get3A_343 : vector<16xi32>
      %mul3A_345 = arith.constant 16 : i32
      %mul3A_346 = arith.muli %mul3A_345, %scan3A_257 : i32
      %get3A_347 = arith.constant 12 : i32
      %get3A_348 = arith.index_cast %get3A_347 : i32 to index
      %get3A_349 = arith.index_cast %mul3A_346 : i32 to index
      %get3A_350 = tpu.vector_load %arg9[%get3A_348, %get3A_349] {strides = array<i32>} : memref<16x256xi32, #tpu.memory_space<vmem>>, vector<16xi32>,
      %add3A_351 = arith.addi %add3A_344, %get3A_350 : vector<16xi32>
      %mul3A_352 = arith.constant 16 : i32
      %mul3A_353 = arith.muli %mul3A_352, %scan3A_257 : i32
      %get3A_354 = arith.constant 13 : i32
      %get3A_355 = arith.index_cast %get3A_354 : i32 to index
      %get3A_356 = arith.index_cast %mul3A_353 : i32 to index
      %get3A_357 = tpu.vector_load %arg9[%get3A_355, %get3A_356] {strides = array<i32>} : memref<16x256xi32, #tpu.memory_space<vmem>>, vector<16xi32>,
      %add3A_358 = arith.addi %add3A_351, %get3A_357 : vector<16xi32>
      %mul3A_359 = arith.constant 16 : i32
      %mul3A_360 = arith.muli %mul3A_359, %scan3A_257 : i32
      %get3A_361 = arith.constant 14 : i32
      %get3A_362 = arith.index_cast %get3A_361 : i32 to index
      %get3A_363 = arith.index_cast %mul3A_360 : i32 to index
      %get3A_364 = tpu.vector_load %arg9[%get3A_362, %get3A_363] {strides = array<i32>} : memref<16x256xi32, #tpu.memory_space<vmem>>, vector<16xi32>,
      %add3A_365 = arith.addi %add3A_358, %get3A_364 : vector<16xi32>
      %mul3A_366 = arith.constant 16 : i32
      %mul3A_367 = arith.muli %mul3A_366, %scan3A_257 : i32
      %get3A_368 = arith.constant 15 : i32
      %get3A_369 = arith.index_cast %get3A_368 : i32 to index
      %get3A_370 = arith.index_cast %mul3A_367 : i32 to index
      %get3A_371 = tpu.vector_load %arg9[%get3A_369, %get3A_370] {strides = array<i32>} : memref<16x256xi32, #tpu.memory_space<vmem>>, vector<16xi32>,
      %add3A_372 = arith.addi %add3A_365, %get3A_371 : vector<16xi32>
      %mul3A_373 = arith.constant 16 : i32
      %mul3A_374 = arith.muli %mul3A_373, %scan3A_257 : i32
      %swap3A_375 = arith.index_cast %mul3A_374 : i32 to index
      %swap3A_376 = tpu.vector_load %arg10[%swap3A_375] {strides = array<i32>} : memref<256xi32, #tpu.memory_space<vmem>>, vector<16xi32>,
      tpu.vector_store %arg10[%swap3A_375], %add3A_372 {strides = array<i32>} : memref<256xi32, #tpu.memory_space<vmem>>, vector<16xi32>,
      %scan3A_377 = arith.constant 0 : i32
      scf.yield %scan3A_377 : i32
    }
    %scan3A_99 = arith.constant 16 : i32
    %scan3A_100 = arith.constant false
    %scan3A_101 = arith.constant 0 : i32
    %scan3A_102 = arith.constant 0 : i32
    %scan3A_103 = arith.constant 0 : i32
    %scan3A_104 = arith.constant 0 : i32
    %scan3A_105 = arith.constant 16 : i32
    %scan3A_106 = arith.addi %scan3A_104, %scan3A_105 : i32
    %scan3A_107 = arith.constant 1 : i32
    %scan3A_108:4 = scf.for %scan3A_257 = %scan3A_104 to %scan3A_106 step %scan3A_107 iter_args(%scan3A_258 = %scan3A_100, %scan3A_259 = %scan3A_101, %scan3A_260 = %scan3A_102, %scan3A_261 = %scan3A_103) -> (i1, i32, i32, i32)  : i32 {
      %mul3A_262 = arith.constant 16 : i32
      %mul3A_263 = arith.muli %mul3A_262, %scan3A_257 : i32
      %get3A_264 = arith.index_cast %mul3A_263 : i32 to index
      %get3A_265 = tpu.vector_load %arg10[%get3A_264] {strides = array<i32>} : memref<256xi32, #tpu.memory_space<vmem>>, vector<16xi32>,
      %broadcast_in_dim3A_266 = arith.constant true
      %broadcast_in_dim3A_267 = vector.broadcast %broadcast_in_dim3A_266 : i1 to vector<16xi1>
      %masked_cumsum3A = tpu.scan <sum>, %get3A_265 masked %broadcast_in_dim3A_267 : vector<16xi32>, vector<16xi1> -> vector<16xi32>
      %reduce_max3A = arith.constant true
      %reduce_max3A_268 = vector.broadcast %reduce_max3A : i1 to vector<16xi1>
      %reduce_max3A_269 = arith.constant -2147483648 : i32
      %reduce_max3A_270 = vector.broadcast %reduce_max3A_269 : i32 to vector<16xi32>
      %reduce_max3A_271 = arith.xori %masked_cumsum3A, %reduce_max3A_270 : vector<16xi32>
      %reduce_max3A_272 = tpu.scan <max>, %reduce_max3A_271 masked %reduce_max3A_268 : vector<16xi32>, vector<16xi1> -> vector<16xi32>
      %reduce_max3A_273 = arith.xori %reduce_max3A_272, %reduce_max3A_270 : vector<16xi32>
      %reduce_max3A_274 = vector.extract %reduce_max3A_273[15] : i32 from vector<16xi32>
      %add3A_275 = vector.broadcast %scan3A_261 : i32 to vector<16xi32>
      %add3A_276 = arith.addi %add3A_275, %masked_cumsum3A : vector<16xi32>
      %ge3A = vector.broadcast %sub3A_72 : i32 to vector<16xi32>
      %ge3A_277 = arith.cmpi sge, %add3A_276, %ge3A : vector<16xi32>
      %convert_element_type3A = arith.extui %ge3A_277 : vector<16xi1> to vector<16xi32>
      %reduce_sum3A_278 = arith.constant true
      %reduce_sum3A_279 = vector.broadcast %reduce_sum3A_278 : i1 to vector<16xi1>
      %reduce_sum3A_280 = tpu.scan <sum>, %convert_element_type3A masked %reduce_sum3A_279 : vector<16xi32>, vector<16xi1> -> vector<16xi32>
      %reduce_sum3A_281 = vector.extract %reduce_sum3A_280[15] : i32 from vector<16xi32>
      %sub3A_282 = arith.constant 16 : i32
      %sub3A_283 = arith.subi %sub3A_282, %reduce_sum3A_281 : i32
      %not3A = arith.constant true
      %not3A_284 = arith.xori %scan3A_258, %not3A : i1
      %gt3A = arith.constant 0 : i32
      %gt3A_285 = arith.cmpi sgt, %reduce_sum3A_281, %gt3A : i32
      %and3A = arith.andi %not3A_284, %gt3A_285 : i1
      %eq3A_286 = vector.broadcast %sub3A_283 : i32 to vector<16xi32>
      %eq3A_287 = arith.cmpi eq, %iota3A, %eq3A_286 : vector<16xi32>
      %sub3A_288 = arith.subi %masked_cumsum3A, %get3A_265 : vector<16xi32>
      %jit3A_289 = arith.constant 0 : i32
      %broadcast_in_dim3A_290 = vector.broadcast %jit3A_289 : i32 to vector<16xi32>
      %select_n3A_291 = arith.select %eq3A_287, %sub3A_288, %broadcast_in_dim3A_290 : vector<16xi1>, vector<16xi32>
      %reduce_sum3A_292 = arith.constant true
      %reduce_sum3A_293 = vector.broadcast %reduce_sum3A_292 : i1 to vector<16xi1>
      %reduce_sum3A_294 = tpu.scan <sum>, %select_n3A_291 masked %reduce_sum3A_293 : vector<16xi32>, vector<16xi1> -> vector<16xi32>
      %reduce_sum3A_295 = vector.extract %reduce_sum3A_294[15] : i32 from vector<16xi32>
      %mul3A_296 = arith.constant 16 : i32
      %mul3A_297 = arith.muli %mul3A_296, %scan3A_257 : i32
      %add3A_298 = arith.addi %mul3A_297, %sub3A_283 : i32
      %select_n3A_299 = arith.select %and3A, %add3A_298, %scan3A_259 : i32
      %add3A_300 = arith.addi %scan3A_261, %reduce_sum3A_295 : i32
      %select_n3A_301 = arith.select %and3A, %add3A_300, %scan3A_260 : i32
      %gt3A_302 = arith.constant 0 : i32
      %gt3A_303 = arith.cmpi sgt, %reduce_sum3A_281, %gt3A_302 : i32
      %or3A_304 = arith.ori %scan3A_258, %gt3A_303 : i1
      %add3A_305 = arith.addi %scan3A_261, %reduce_max3A_274 : i32
      scf.yield %or3A_304, %select_n3A_299, %select_n3A_301, %add3A_305 : i1, i32, i32, i32
    }
    %scan3A_109 = arith.constant 16 : i32
    %sub3A_110 = arith.subi %sub3A_72, %scan3A_108#2 : i32
    %shift_left3A_111 = arith.constant 8 : i32
    %shift_left3A_112 = arith.shli %or3A_75, %shift_left3A_111 : i32
    %or3A_113 = arith.ori %shift_left3A_112, %scan3A_108#1 : i32
    %scan3A_114 = arith.constant 0 : i32
    %scan3A_115 = arith.constant 0 : i32
    %scan3A_116 = arith.constant 4 : i32
    %scan3A_117 = arith.addi %scan3A_115, %scan3A_116 : i32
    %scan3A_118 = arith.constant 1 : i32
    %scan3A_119 = scf.for %scan3A_257 = %scan3A_115 to %scan3A_117 step %scan3A_118 iter_args(%scan3A_258 = %scan3A_114) -> (i32)  : i32 {
      %broadcast_in_dim3A_259 = arith.constant 0 : i32
      %broadcast_in_dim3A_260 = vector.broadcast %broadcast_in_dim3A_259 : i32 to vector<16xi32>
      %mul3A_261 = arith.constant 16 : i32
      %mul3A_262 = arith.muli %mul3A_261, %scan3A_257 : i32
      %swap3A_263 = arith.index_cast %mul3A_262 : i32 to index
      %swap3A_264 = tpu.vector_load %arg8[%swap3A_263] {strides = array<i32>} : memref<256xi32, #tpu.memory_space<vmem>>, vector<16xi32>,
      tpu.vector_store %arg8[%swap3A_263], %broadcast_in_dim3A_260 {strides = array<i32>} : memref<256xi32, #tpu.memory_space<vmem>>, vector<16xi32>,
      %scan3A_265 = arith.constant 0 : i32
      scf.yield %scan3A_265 : i32
    }
    %scan3A_120 = arith.constant 4 : i32
    %scan3A_121 = arith.constant 0 : i32
    %scan3A_122 = arith.constant 0 : i32
    %scan3A_123 = arith.constant 64 : i32
    %scan3A_124 = arith.addi %scan3A_122, %scan3A_123 : i32
    %scan3A_125 = arith.constant 1 : i32
    %scan3A_126 = scf.for %scan3A_257 = %scan3A_122 to %scan3A_124 step %scan3A_125 iter_args(%scan3A_258 = %scan3A_121) -> (i32)  : i32 {
      %mul3A_259 = arith.constant 16 : i32
      %mul3A_260 = arith.muli %mul3A_259, %scan3A_257 : i32
      %get3A_261 = arith.index_cast %mul3A_260 : i32 to index
      %get3A_262 = tpu.vector_load %arg5[%get3A_261] {strides = array<i32>} : memref<1024xf32, #tpu.memory_space<vmem>>, vector<16xf32>,
      %bitcast3A = vector.bitcast %get3A_262 : vector<16xf32> to vector<16xi32>
      %shift_right_arithmetic3A = arith.constant 6 : i32
      %shift_right_arithmetic3A_263 = vector.broadcast %shift_right_arithmetic3A : i32 to vector<16xi32>
      %shift_right_arithmetic3A_264 = arith.shrsi %bitcast3A, %shift_right_arithmetic3A_263 : vector<16xi32>
      %eq3A_265 = vector.broadcast %or3A_113 : i32 to vector<16xi32>
      %eq3A_266 = arith.cmpi eq, %shift_right_arithmetic3A_264, %eq3A_265 : vector<16xi32>
      %shift_right_arithmetic3A_267 = arith.constant 0 : i32
      %shift_right_arithmetic3A_268 = vector.broadcast %shift_right_arithmetic3A_267 : i32 to vector<16xi32>
      %shift_right_arithmetic3A_269 = arith.shrsi %bitcast3A, %shift_right_arithmetic3A_268 : vector<16xi32>
      %and3A = arith.constant 63 : i32
      %and3A_270 = vector.broadcast %and3A : i32 to vector<16xi32>
      %and3A_271 = arith.andi %shift_right_arithmetic3A_269, %and3A_270 : vector<16xi32>
      tpu.vector_store_idx %arg8[%and3A_271], %broadcast_in_dim3A_1 masked %eq3A_266 {add = true} : memref<256xi32, #tpu.memory_space<vmem>>[vector<16xi32>], vector<16xi32>, vector<16xi1>
      %scan3A_272 = arith.constant 0 : i32
      scf.yield %scan3A_272 : i32
    }
    %scan3A_127 = arith.constant 64 : i32
    %run_scoped3A_128 = arith.constant 3 : i32
    "tpu.region"() ({
      %run_scoped3A_257 = tpu.sem_alloc : memref<!tpu.dma_semaphore, #tpu.memory_space<semaphore_mem>>
      %dma_start3A = arith.constant 0 : i32
      %dma_start3A_258 = tpu.memref_slice %arg8[%dma_start3A] : memref<256xi32, #tpu.memory_space<vmem>> -> memref<64xi32, #tpu.memory_space<vmem>>
      %dma_start3A_259 = arith.constant 0 : i32
      %dma_start3A_260 = arith.constant 0 : i32
      %dma_start3A_261 = tpu.memref_slice %arg13[%run_scoped3A_128, %dma_start3A_259, %dma_start3A_260] : memref<4x16x256xi32, #tpu.memory_space<vmem_shared>> -> memref<1x16x256xi32, #tpu.memory_space<vmem_shared>>
      %dma_start3A_262 = tpu.memref_squeeze %dma_start3A_261 : memref<1x16x256xi32, #tpu.memory_space<vmem_shared>> -> memref<16x256xi32, #tpu.memory_space<vmem_shared>>
      %dma_start3A_263 = arith.constant 0 : i32
      %dma_start3A_264 = tpu.memref_slice %dma_start3A_262[%arg1, %dma_start3A_263] : memref<16x256xi32, #tpu.memory_space<vmem_shared>> -> memref<1x256xi32, #tpu.memory_space<vmem_shared>>
      %dma_start3A_265 = tpu.memref_squeeze %dma_start3A_264 : memref<1x256xi32, #tpu.memory_space<vmem_shared>> -> memref<256xi32, #tpu.memory_space<vmem_shared>>
      %dma_start3A_266 = arith.constant 0 : i32
      %dma_start3A_267 = tpu.memref_slice %dma_start3A_265[%dma_start3A_266] : memref<256xi32, #tpu.memory_space<vmem_shared>> -> memref<64xi32, #tpu.memory_space<vmem_shared>>
      %dma_start3A_268 = arith.constant 0 : i32
      %dma_start3A_269 = arith.constant 0 : i32
      %dma_start3A_270 = tpu.memref_slice %arg13[%run_scoped3A_128, %dma_start3A_268, %dma_start3A_269] : memref<4x16x256xi32, #tpu.memory_space<vmem_shared>> -> memref<1x16x256xi32, #tpu.memory_space<vmem_shared>>
      %dma_start3A_271 = tpu.memref_squeeze %dma_start3A_270 : memref<1x16x256xi32, #tpu.memory_space<vmem_shared>> -> memref<16x256xi32, #tpu.memory_space<vmem_shared>>
      %dma_start3A_272 = arith.constant 0 : i32
      %dma_start3A_273 = tpu.memref_slice %dma_start3A_271[%arg1, %dma_start3A_272] : memref<16x256xi32, #tpu.memory_space<vmem_shared>> -> memref<1x256xi32, #tpu.memory_space<vmem_shared>>
      %dma_start3A_274 = tpu.memref_squeeze %dma_start3A_273 : memref<1x256xi32, #tpu.memory_space<vmem_shared>> -> memref<256xi32, #tpu.memory_space<vmem_shared>>
      %dma_start3A_275 = arith.constant 0 : i32
      %dma_start3A_276 = tpu.memref_slice %dma_start3A_274[%dma_start3A_275] : memref<256xi32, #tpu.memory_space<vmem_shared>> -> memref<64xi32, #tpu.memory_space<vmem_shared>>
      %dma_start3A_277 = arith.constant 0 : i32
      %dma_start3A_278 = tpu.memref_slice %arg8[%dma_start3A_277] : memref<256xi32, #tpu.memory_space<vmem>> -> memref<64xi32, #tpu.memory_space<vmem>>
      tpu.enqueue_dma source(%dma_start3A_278 : memref<64xi32, #tpu.memory_space<vmem>>) target(%dma_start3A_276 : memref<64xi32, #tpu.memory_space<vmem_shared>>) target_semaphore(%run_scoped3A_257 : memref<!tpu.dma_semaphore, #tpu.memory_space<semaphore_mem>>)
      %dma_wait3A = arith.constant 0 : i32
      %dma_wait3A_279 = tpu.memref_slice %arg8[%dma_wait3A] : memref<256xi32, #tpu.memory_space<vmem>> -> memref<64xi32, #tpu.memory_space<vmem>>
      %dma_wait3A_280 = arith.constant 0 : i32
      %dma_wait3A_281 = arith.constant 0 : i32
      %dma_wait3A_282 = tpu.memref_slice %arg13[%run_scoped3A_128, %dma_wait3A_280, %dma_wait3A_281] : memref<4x16x256xi32, #tpu.memory_space<vmem_shared>> -> memref<1x16x256xi32, #tpu.memory_space<vmem_shared>>
      %dma_wait3A_283 = tpu.memref_squeeze %dma_wait3A_282 : memref<1x16x256xi32, #tpu.memory_space<vmem_shared>> -> memref<16x256xi32, #tpu.memory_space<vmem_shared>>
      %dma_wait3A_284 = arith.constant 0 : i32
      %dma_wait3A_285 = tpu.memref_slice %dma_wait3A_283[%arg1, %dma_wait3A_284] : memref<16x256xi32, #tpu.memory_space<vmem_shared>> -> memref<1x256xi32, #tpu.memory_space<vmem_shared>>
      %dma_wait3A_286 = tpu.memref_squeeze %dma_wait3A_285 : memref<1x256xi32, #tpu.memory_space<vmem_shared>> -> memref<256xi32, #tpu.memory_space<vmem_shared>>
      %dma_wait3A_287 = arith.constant 0 : i32
      %dma_wait3A_288 = tpu.memref_slice %dma_wait3A_286[%dma_wait3A_287] : memref<256xi32, #tpu.memory_space<vmem_shared>> -> memref<64xi32, #tpu.memory_space<vmem_shared>>
      %dma_wait3A_289 = arith.constant 0 : i32
      %dma_wait3A_290 = arith.constant 0 : i32
      %dma_wait3A_291 = tpu.memref_slice %arg13[%run_scoped3A_128, %dma_wait3A_289, %dma_wait3A_290] : memref<4x16x256xi32, #tpu.memory_space<vmem_shared>> -> memref<1x16x256xi32, #tpu.memory_space<vmem_shared>>
      %dma_wait3A_292 = tpu.memref_squeeze %dma_wait3A_291 : memref<1x16x256xi32, #tpu.memory_space<vmem_shared>> -> memref<16x256xi32, #tpu.memory_space<vmem_shared>>
      %dma_wait3A_293 = arith.constant 0 : i32
      %dma_wait3A_294 = tpu.memref_slice %dma_wait3A_292[%arg1, %dma_wait3A_293] : memref<16x256xi32, #tpu.memory_space<vmem_shared>> -> memref<1x256xi32, #tpu.memory_space<vmem_shared>>
      %dma_wait3A_295 = tpu.memref_squeeze %dma_wait3A_294 : memref<1x256xi32, #tpu.memory_space<vmem_shared>> -> memref<256xi32, #tpu.memory_space<vmem_shared>>
      %dma_wait3A_296 = arith.constant 0 : i32
      %dma_wait3A_297 = tpu.memref_slice %dma_wait3A_295[%dma_wait3A_296] : memref<256xi32, #tpu.memory_space<vmem_shared>> -> memref<64xi32, #tpu.memory_space<vmem_shared>>
      %dma_wait3A_298 = arith.constant 0 : i32
      %dma_wait3A_299 = tpu.memref_slice %arg8[%dma_wait3A_298] : memref<256xi32, #tpu.memory_space<vmem>> -> memref<64xi32, #tpu.memory_space<vmem>>
      tpu.wait_dma2 semaphore(%run_scoped3A_257 : memref<!tpu.dma_semaphore, #tpu.memory_space<semaphore_mem>>) src(%dma_wait3A_299 : memref<64xi32, #tpu.memory_space<vmem>>) dst(%dma_wait3A_297 : memref<64xi32, #tpu.memory_space<vmem_shared>>)
      tpu.yield
    }) : () -> ()
    %barrier3A_129 = arith.constant 0 : index
    tpu.barrier barrier_id(%barrier3A_129)
    %run_scoped3A_130 = arith.constant 3 : i32
    "tpu.region"() ({
      %run_scoped3A_257 = tpu.sem_alloc : memref<!tpu.dma_semaphore, #tpu.memory_space<semaphore_mem>>
      %dma_start3A = arith.constant 0 : i32
      %dma_start3A_258 = arith.constant 0 : i32
      %dma_start3A_259 = tpu.memref_slice %arg13[%run_scoped3A_130, %dma_start3A, %dma_start3A_258] : memref<4x16x256xi32, #tpu.memory_space<vmem_shared>> -> memref<1x16x256xi32, #tpu.memory_space<vmem_shared>>
      %dma_start3A_260 = tpu.memref_squeeze %dma_start3A_259 : memref<1x16x256xi32, #tpu.memory_space<vmem_shared>> -> memref<16x256xi32, #tpu.memory_space<vmem_shared>>
      %dma_start3A_261 = arith.constant 0 : i32
      %dma_start3A_262 = arith.constant 0 : i32
      %dma_start3A_263 = tpu.memref_slice %arg13[%run_scoped3A_130, %dma_start3A_261, %dma_start3A_262] : memref<4x16x256xi32, #tpu.memory_space<vmem_shared>> -> memref<1x16x256xi32, #tpu.memory_space<vmem_shared>>
      %dma_start3A_264 = tpu.memref_squeeze %dma_start3A_263 : memref<1x16x256xi32, #tpu.memory_space<vmem_shared>> -> memref<16x256xi32, #tpu.memory_space<vmem_shared>>
      tpu.enqueue_dma source(%dma_start3A_264 : memref<16x256xi32, #tpu.memory_space<vmem_shared>>) target(%arg9 : memref<16x256xi32, #tpu.memory_space<vmem>>) target_semaphore(%run_scoped3A_257 : memref<!tpu.dma_semaphore, #tpu.memory_space<semaphore_mem>>)
      %dma_wait3A = arith.constant 0 : i32
      %dma_wait3A_265 = arith.constant 0 : i32
      %dma_wait3A_266 = tpu.memref_slice %arg13[%run_scoped3A_130, %dma_wait3A, %dma_wait3A_265] : memref<4x16x256xi32, #tpu.memory_space<vmem_shared>> -> memref<1x16x256xi32, #tpu.memory_space<vmem_shared>>
      %dma_wait3A_267 = tpu.memref_squeeze %dma_wait3A_266 : memref<1x16x256xi32, #tpu.memory_space<vmem_shared>> -> memref<16x256xi32, #tpu.memory_space<vmem_shared>>
      %dma_wait3A_268 = arith.constant 0 : i32
      %dma_wait3A_269 = arith.constant 0 : i32
      %dma_wait3A_270 = tpu.memref_slice %arg13[%run_scoped3A_130, %dma_wait3A_268, %dma_wait3A_269] : memref<4x16x256xi32, #tpu.memory_space<vmem_shared>> -> memref<1x16x256xi32, #tpu.memory_space<vmem_shared>>
      %dma_wait3A_271 = tpu.memref_squeeze %dma_wait3A_270 : memref<1x16x256xi32, #tpu.memory_space<vmem_shared>> -> memref<16x256xi32, #tpu.memory_space<vmem_shared>>
      tpu.wait_dma2 semaphore(%run_scoped3A_257 : memref<!tpu.dma_semaphore, #tpu.memory_space<semaphore_mem>>) src(%dma_wait3A_271 : memref<16x256xi32, #tpu.memory_space<vmem_shared>>) dst(%arg9 : memref<16x256xi32, #tpu.memory_space<vmem>>)
      tpu.yield
    }) : () -> ()
    %scan3A_131 = arith.constant 0 : i32
    %scan3A_132 = arith.constant 0 : i32
    %scan3A_133 = arith.constant 4 : i32
    %scan3A_134 = arith.addi %scan3A_132, %scan3A_133 : i32
    %scan3A_135 = arith.constant 1 : i32
    %scan3A_136 = scf.for %scan3A_257 = %scan3A_132 to %scan3A_134 step %scan3A_135 iter_args(%scan3A_258 = %scan3A_131) -> (i32)  : i32 {
      %broadcast_in_dim3A_259 = arith.constant 0 : i32
      %broadcast_in_dim3A_260 = vector.broadcast %broadcast_in_dim3A_259 : i32 to vector<16xi32>
      %mul3A_261 = arith.constant 16 : i32
      %mul3A_262 = arith.muli %mul3A_261, %scan3A_257 : i32
      %get3A_263 = arith.constant 0 : i32
      %get3A_264 = arith.index_cast %get3A_263 : i32 to index
      %get3A_265 = arith.index_cast %mul3A_262 : i32 to index
      %get3A_266 = tpu.vector_load %arg9[%get3A_264, %get3A_265] {strides = array<i32>} : memref<16x256xi32, #tpu.memory_space<vmem>>, vector<16xi32>,
      %add3A_267 = arith.addi %broadcast_in_dim3A_260, %get3A_266 : vector<16xi32>
      %mul3A_268 = arith.constant 16 : i32
      %mul3A_269 = arith.muli %mul3A_268, %scan3A_257 : i32
      %get3A_270 = arith.constant 1 : i32
      %get3A_271 = arith.index_cast %get3A_270 : i32 to index
      %get3A_272 = arith.index_cast %mul3A_269 : i32 to index
      %get3A_273 = tpu.vector_load %arg9[%get3A_271, %get3A_272] {strides = array<i32>} : memref<16x256xi32, #tpu.memory_space<vmem>>, vector<16xi32>,
      %add3A_274 = arith.addi %add3A_267, %get3A_273 : vector<16xi32>
      %mul3A_275 = arith.constant 16 : i32
      %mul3A_276 = arith.muli %mul3A_275, %scan3A_257 : i32
      %get3A_277 = arith.constant 2 : i32
      %get3A_278 = arith.index_cast %get3A_277 : i32 to index
      %get3A_279 = arith.index_cast %mul3A_276 : i32 to index
      %get3A_280 = tpu.vector_load %arg9[%get3A_278, %get3A_279] {strides = array<i32>} : memref<16x256xi32, #tpu.memory_space<vmem>>, vector<16xi32>,
      %add3A_281 = arith.addi %add3A_274, %get3A_280 : vector<16xi32>
      %mul3A_282 = arith.constant 16 : i32
      %mul3A_283 = arith.muli %mul3A_282, %scan3A_257 : i32
      %get3A_284 = arith.constant 3 : i32
      %get3A_285 = arith.index_cast %get3A_284 : i32 to index
      %get3A_286 = arith.index_cast %mul3A_283 : i32 to index
      %get3A_287 = tpu.vector_load %arg9[%get3A_285, %get3A_286] {strides = array<i32>} : memref<16x256xi32, #tpu.memory_space<vmem>>, vector<16xi32>,
      %add3A_288 = arith.addi %add3A_281, %get3A_287 : vector<16xi32>
      %mul3A_289 = arith.constant 16 : i32
      %mul3A_290 = arith.muli %mul3A_289, %scan3A_257 : i32
      %get3A_291 = arith.constant 4 : i32
      %get3A_292 = arith.index_cast %get3A_291 : i32 to index
      %get3A_293 = arith.index_cast %mul3A_290 : i32 to index
      %get3A_294 = tpu.vector_load %arg9[%get3A_292, %get3A_293] {strides = array<i32>} : memref<16x256xi32, #tpu.memory_space<vmem>>, vector<16xi32>,
      %add3A_295 = arith.addi %add3A_288, %get3A_294 : vector<16xi32>
      %mul3A_296 = arith.constant 16 : i32
      %mul3A_297 = arith.muli %mul3A_296, %scan3A_257 : i32
      %get3A_298 = arith.constant 5 : i32
      %get3A_299 = arith.index_cast %get3A_298 : i32 to index
      %get3A_300 = arith.index_cast %mul3A_297 : i32 to index
      %get3A_301 = tpu.vector_load %arg9[%get3A_299, %get3A_300] {strides = array<i32>} : memref<16x256xi32, #tpu.memory_space<vmem>>, vector<16xi32>,
      %add3A_302 = arith.addi %add3A_295, %get3A_301 : vector<16xi32>
      %mul3A_303 = arith.constant 16 : i32
      %mul3A_304 = arith.muli %mul3A_303, %scan3A_257 : i32
      %get3A_305 = arith.constant 6 : i32
      %get3A_306 = arith.index_cast %get3A_305 : i32 to index
      %get3A_307 = arith.index_cast %mul3A_304 : i32 to index
      %get3A_308 = tpu.vector_load %arg9[%get3A_306, %get3A_307] {strides = array<i32>} : memref<16x256xi32, #tpu.memory_space<vmem>>, vector<16xi32>,
      %add3A_309 = arith.addi %add3A_302, %get3A_308 : vector<16xi32>
      %mul3A_310 = arith.constant 16 : i32
      %mul3A_311 = arith.muli %mul3A_310, %scan3A_257 : i32
      %get3A_312 = arith.constant 7 : i32
      %get3A_313 = arith.index_cast %get3A_312 : i32 to index
      %get3A_314 = arith.index_cast %mul3A_311 : i32 to index
      %get3A_315 = tpu.vector_load %arg9[%get3A_313, %get3A_314] {strides = array<i32>} : memref<16x256xi32, #tpu.memory_space<vmem>>, vector<16xi32>,
      %add3A_316 = arith.addi %add3A_309, %get3A_315 : vector<16xi32>
      %mul3A_317 = arith.constant 16 : i32
      %mul3A_318 = arith.muli %mul3A_317, %scan3A_257 : i32
      %get3A_319 = arith.constant 8 : i32
      %get3A_320 = arith.index_cast %get3A_319 : i32 to index
      %get3A_321 = arith.index_cast %mul3A_318 : i32 to index
      %get3A_322 = tpu.vector_load %arg9[%get3A_320, %get3A_321] {strides = array<i32>} : memref<16x256xi32, #tpu.memory_space<vmem>>, vector<16xi32>,
      %add3A_323 = arith.addi %add3A_316, %get3A_322 : vector<16xi32>
      %mul3A_324 = arith.constant 16 : i32
      %mul3A_325 = arith.muli %mul3A_324, %scan3A_257 : i32
      %get3A_326 = arith.constant 9 : i32
      %get3A_327 = arith.index_cast %get3A_326 : i32 to index
      %get3A_328 = arith.index_cast %mul3A_325 : i32 to index
      %get3A_329 = tpu.vector_load %arg9[%get3A_327, %get3A_328] {strides = array<i32>} : memref<16x256xi32, #tpu.memory_space<vmem>>, vector<16xi32>,
      %add3A_330 = arith.addi %add3A_323, %get3A_329 : vector<16xi32>
      %mul3A_331 = arith.constant 16 : i32
      %mul3A_332 = arith.muli %mul3A_331, %scan3A_257 : i32
      %get3A_333 = arith.constant 10 : i32
      %get3A_334 = arith.index_cast %get3A_333 : i32 to index
      %get3A_335 = arith.index_cast %mul3A_332 : i32 to index
      %get3A_336 = tpu.vector_load %arg9[%get3A_334, %get3A_335] {strides = array<i32>} : memref<16x256xi32, #tpu.memory_space<vmem>>, vector<16xi32>,
      %add3A_337 = arith.addi %add3A_330, %get3A_336 : vector<16xi32>
      %mul3A_338 = arith.constant 16 : i32
      %mul3A_339 = arith.muli %mul3A_338, %scan3A_257 : i32
      %get3A_340 = arith.constant 11 : i32
      %get3A_341 = arith.index_cast %get3A_340 : i32 to index
      %get3A_342 = arith.index_cast %mul3A_339 : i32 to index
      %get3A_343 = tpu.vector_load %arg9[%get3A_341, %get3A_342] {strides = array<i32>} : memref<16x256xi32, #tpu.memory_space<vmem>>, vector<16xi32>,
      %add3A_344 = arith.addi %add3A_337, %get3A_343 : vector<16xi32>
      %mul3A_345 = arith.constant 16 : i32
      %mul3A_346 = arith.muli %mul3A_345, %scan3A_257 : i32
      %get3A_347 = arith.constant 12 : i32
      %get3A_348 = arith.index_cast %get3A_347 : i32 to index
      %get3A_349 = arith.index_cast %mul3A_346 : i32 to index
      %get3A_350 = tpu.vector_load %arg9[%get3A_348, %get3A_349] {strides = array<i32>} : memref<16x256xi32, #tpu.memory_space<vmem>>, vector<16xi32>,
      %add3A_351 = arith.addi %add3A_344, %get3A_350 : vector<16xi32>
      %mul3A_352 = arith.constant 16 : i32
      %mul3A_353 = arith.muli %mul3A_352, %scan3A_257 : i32
      %get3A_354 = arith.constant 13 : i32
      %get3A_355 = arith.index_cast %get3A_354 : i32 to index
      %get3A_356 = arith.index_cast %mul3A_353 : i32 to index
      %get3A_357 = tpu.vector_load %arg9[%get3A_355, %get3A_356] {strides = array<i32>} : memref<16x256xi32, #tpu.memory_space<vmem>>, vector<16xi32>,
      %add3A_358 = arith.addi %add3A_351, %get3A_357 : vector<16xi32>
      %mul3A_359 = arith.constant 16 : i32
      %mul3A_360 = arith.muli %mul3A_359, %scan3A_257 : i32
      %get3A_361 = arith.constant 14 : i32
      %get3A_362 = arith.index_cast %get3A_361 : i32 to index
      %get3A_363 = arith.index_cast %mul3A_360 : i32 to index
      %get3A_364 = tpu.vector_load %arg9[%get3A_362, %get3A_363] {strides = array<i32>} : memref<16x256xi32, #tpu.memory_space<vmem>>, vector<16xi32>,
      %add3A_365 = arith.addi %add3A_358, %get3A_364 : vector<16xi32>
      %mul3A_366 = arith.constant 16 : i32
      %mul3A_367 = arith.muli %mul3A_366, %scan3A_257 : i32
      %get3A_368 = arith.constant 15 : i32
      %get3A_369 = arith.index_cast %get3A_368 : i32 to index
      %get3A_370 = arith.index_cast %mul3A_367 : i32 to index
      %get3A_371 = tpu.vector_load %arg9[%get3A_369, %get3A_370] {strides = array<i32>} : memref<16x256xi32, #tpu.memory_space<vmem>>, vector<16xi32>,
      %add3A_372 = arith.addi %add3A_365, %get3A_371 : vector<16xi32>
      %mul3A_373 = arith.constant 16 : i32
      %mul3A_374 = arith.muli %mul3A_373, %scan3A_257 : i32
      %swap3A_375 = arith.index_cast %mul3A_374 : i32 to index
      %swap3A_376 = tpu.vector_load %arg10[%swap3A_375] {strides = array<i32>} : memref<256xi32, #tpu.memory_space<vmem>>, vector<16xi32>,
      tpu.vector_store %arg10[%swap3A_375], %add3A_372 {strides = array<i32>} : memref<256xi32, #tpu.memory_space<vmem>>, vector<16xi32>,
      %scan3A_377 = arith.constant 0 : i32
      scf.yield %scan3A_377 : i32
    }
    %scan3A_137 = arith.constant 4 : i32
    %scan3A_138 = arith.constant false
    %scan3A_139 = arith.constant 0 : i32
    %scan3A_140 = arith.constant 0 : i32
    %scan3A_141 = arith.constant 0 : i32
    %scan3A_142 = arith.constant 0 : i32
    %scan3A_143 = arith.constant 4 : i32
    %scan3A_144 = arith.addi %scan3A_142, %scan3A_143 : i32
    %scan3A_145 = arith.constant 1 : i32
    %scan3A_146:4 = scf.for %scan3A_257 = %scan3A_142 to %scan3A_144 step %scan3A_145 iter_args(%scan3A_258 = %scan3A_138, %scan3A_259 = %scan3A_139, %scan3A_260 = %scan3A_140, %scan3A_261 = %scan3A_141) -> (i1, i32, i32, i32)  : i32 {
      %mul3A_262 = arith.constant 16 : i32
      %mul3A_263 = arith.muli %mul3A_262, %scan3A_257 : i32
      %get3A_264 = arith.index_cast %mul3A_263 : i32 to index
      %get3A_265 = tpu.vector_load %arg10[%get3A_264] {strides = array<i32>} : memref<256xi32, #tpu.memory_space<vmem>>, vector<16xi32>,
      %broadcast_in_dim3A_266 = arith.constant true
      %broadcast_in_dim3A_267 = vector.broadcast %broadcast_in_dim3A_266 : i1 to vector<16xi1>
      %masked_cumsum3A = tpu.scan <sum>, %get3A_265 masked %broadcast_in_dim3A_267 : vector<16xi32>, vector<16xi1> -> vector<16xi32>
      %reduce_max3A = arith.constant true
      %reduce_max3A_268 = vector.broadcast %reduce_max3A : i1 to vector<16xi1>
      %reduce_max3A_269 = arith.constant -2147483648 : i32
      %reduce_max3A_270 = vector.broadcast %reduce_max3A_269 : i32 to vector<16xi32>
      %reduce_max3A_271 = arith.xori %masked_cumsum3A, %reduce_max3A_270 : vector<16xi32>
      %reduce_max3A_272 = tpu.scan <max>, %reduce_max3A_271 masked %reduce_max3A_268 : vector<16xi32>, vector<16xi1> -> vector<16xi32>
      %reduce_max3A_273 = arith.xori %reduce_max3A_272, %reduce_max3A_270 : vector<16xi32>
      %reduce_max3A_274 = vector.extract %reduce_max3A_273[15] : i32 from vector<16xi32>
      %add3A_275 = vector.broadcast %scan3A_261 : i32 to vector<16xi32>
      %add3A_276 = arith.addi %add3A_275, %masked_cumsum3A : vector<16xi32>
      %ge3A = vector.broadcast %sub3A_110 : i32 to vector<16xi32>
      %ge3A_277 = arith.cmpi sge, %add3A_276, %ge3A : vector<16xi32>
      %convert_element_type3A = arith.extui %ge3A_277 : vector<16xi1> to vector<16xi32>
      %reduce_sum3A_278 = arith.constant true
      %reduce_sum3A_279 = vector.broadcast %reduce_sum3A_278 : i1 to vector<16xi1>
      %reduce_sum3A_280 = tpu.scan <sum>, %convert_element_type3A masked %reduce_sum3A_279 : vector<16xi32>, vector<16xi1> -> vector<16xi32>
      %reduce_sum3A_281 = vector.extract %reduce_sum3A_280[15] : i32 from vector<16xi32>
      %sub3A_282 = arith.constant 16 : i32
      %sub3A_283 = arith.subi %sub3A_282, %reduce_sum3A_281 : i32
      %not3A = arith.constant true
      %not3A_284 = arith.xori %scan3A_258, %not3A : i1
      %gt3A = arith.constant 0 : i32
      %gt3A_285 = arith.cmpi sgt, %reduce_sum3A_281, %gt3A : i32
      %and3A = arith.andi %not3A_284, %gt3A_285 : i1
      %eq3A_286 = vector.broadcast %sub3A_283 : i32 to vector<16xi32>
      %eq3A_287 = arith.cmpi eq, %iota3A, %eq3A_286 : vector<16xi32>
      %sub3A_288 = arith.subi %masked_cumsum3A, %get3A_265 : vector<16xi32>
      %jit3A_289 = arith.constant 0 : i32
      %broadcast_in_dim3A_290 = vector.broadcast %jit3A_289 : i32 to vector<16xi32>
      %select_n3A_291 = arith.select %eq3A_287, %sub3A_288, %broadcast_in_dim3A_290 : vector<16xi1>, vector<16xi32>
      %reduce_sum3A_292 = arith.constant true
      %reduce_sum3A_293 = vector.broadcast %reduce_sum3A_292 : i1 to vector<16xi1>
      %reduce_sum3A_294 = tpu.scan <sum>, %select_n3A_291 masked %reduce_sum3A_293 : vector<16xi32>, vector<16xi1> -> vector<16xi32>
      %reduce_sum3A_295 = vector.extract %reduce_sum3A_294[15] : i32 from vector<16xi32>
      %mul3A_296 = arith.constant 16 : i32
      %mul3A_297 = arith.muli %mul3A_296, %scan3A_257 : i32
      %add3A_298 = arith.addi %mul3A_297, %sub3A_283 : i32
      %select_n3A_299 = arith.select %and3A, %add3A_298, %scan3A_259 : i32
      %add3A_300 = arith.addi %scan3A_261, %reduce_sum3A_295 : i32
      %select_n3A_301 = arith.select %and3A, %add3A_300, %scan3A_260 : i32
      %gt3A_302 = arith.constant 0 : i32
      %gt3A_303 = arith.cmpi sgt, %reduce_sum3A_281, %gt3A_302 : i32
      %or3A_304 = arith.ori %scan3A_258, %gt3A_303 : i1
      %add3A_305 = arith.addi %scan3A_261, %reduce_max3A_274 : i32
      scf.yield %or3A_304, %select_n3A_299, %select_n3A_301, %add3A_305 : i1, i32, i32, i32
    }
    %scan3A_147 = arith.constant 4 : i32
    %sub3A_148 = arith.subi %sub3A_110, %scan3A_146#2 : i32
    %shift_left3A_149 = arith.constant 6 : i32
    %shift_left3A_150 = arith.shli %or3A_113, %shift_left3A_149 : i32
    %or3A_151 = arith.ori %shift_left3A_150, %scan3A_146#1 : i32
    %scan3A_152 = arith.constant 0 : i32
    %scan3A_153 = arith.constant 0 : i32
    %scan3A_154 = arith.constant 64 : i32
    %scan3A_155 = arith.addi %scan3A_153, %scan3A_154 : i32
    %scan3A_156 = arith.constant 1 : i32
    %scan3A_157 = scf.for %scan3A_257 = %scan3A_153 to %scan3A_155 step %scan3A_156 iter_args(%scan3A_258 = %scan3A_152) -> (i32)  : i32 {
      %mul3A_259 = arith.constant 16 : i32
      %mul3A_260 = arith.muli %mul3A_259, %scan3A_257 : i32
      %get3A_261 = arith.index_cast %mul3A_260 : i32 to index
      %get3A_262 = tpu.vector_load %arg5[%get3A_261] {strides = array<i32>} : memref<1024xf32, #tpu.memory_space<vmem>>, vector<16xf32>,
      %bitcast3A = vector.bitcast %get3A_262 : vector<16xf32> to vector<16xi32>
      %eq3A_263 = vector.broadcast %or3A_151 : i32 to vector<16xi32>
      %eq3A_264 = arith.cmpi eq, %bitcast3A, %eq3A_263 : vector<16xi32>
      %convert_element_type3A = arith.extui %eq3A_264 : vector<16xi1> to vector<16xi32>
      %reduce_sum3A_265 = arith.constant true
      %reduce_sum3A_266 = vector.broadcast %reduce_sum3A_265 : i1 to vector<16xi1>
      %reduce_sum3A_267 = tpu.scan <sum>, %convert_element_type3A masked %reduce_sum3A_266 : vector<16xi32>, vector<16xi1> -> vector<16xi32>
      %reduce_sum3A_268 = vector.extract %reduce_sum3A_267[15] : i32 from vector<16xi32>
      %add3A_269 = arith.addi %scan3A_258, %reduce_sum3A_268 : i32
      scf.yield %add3A_269 : i32
    }
    %scan3A_158 = arith.constant 64 : i32
    %eq3A = vector.broadcast %arg1 : i32 to vector<16xi32>
    %eq3A_159 = arith.cmpi eq, %iota3A, %eq3A : vector<16xi32>
    %jit3A = arith.constant 0 : i32
    %broadcast_in_dim3A_160 = vector.broadcast %scan3A_157 : i32 to vector<16xi32>
    %broadcast_in_dim3A_161 = vector.broadcast %jit3A : i32 to vector<16xi32>
    %select_n3A = arith.select %eq3A_159, %broadcast_in_dim3A_160, %broadcast_in_dim3A_161 : vector<16xi1>, vector<16xi32>
    %swap3A = arith.constant 0 : index
    %swap3A_162 = tpu.vector_load %arg11[%swap3A] {strides = array<i32>} : memref<16xi32, #tpu.memory_space<vmem>>, vector<16xi32>,
    tpu.vector_store %arg11[%swap3A], %select_n3A {strides = array<i32>} : memref<16xi32, #tpu.memory_space<vmem>>, vector<16xi32>,
    "tpu.region"() ({
      %run_scoped3A_257 = tpu.sem_alloc : memref<!tpu.dma_semaphore, #tpu.memory_space<semaphore_mem>>
      %dma_start3A = arith.constant 0 : i32
      %dma_start3A_258 = tpu.memref_slice %arg14[%arg1, %dma_start3A] : memref<16x16xi32, #tpu.memory_space<vmem_shared>> -> memref<1x16xi32, #tpu.memory_space<vmem_shared>>
      %dma_start3A_259 = tpu.memref_squeeze %dma_start3A_258 : memref<1x16xi32, #tpu.memory_space<vmem_shared>> -> memref<16xi32, #tpu.memory_space<vmem_shared>>
      %dma_start3A_260 = arith.constant 0 : i32
      %dma_start3A_261 = tpu.memref_slice %arg14[%arg1, %dma_start3A_260] : memref<16x16xi32, #tpu.memory_space<vmem_shared>> -> memref<1x16xi32, #tpu.memory_space<vmem_shared>>
      %dma_start3A_262 = tpu.memref_squeeze %dma_start3A_261 : memref<1x16xi32, #tpu.memory_space<vmem_shared>> -> memref<16xi32, #tpu.memory_space<vmem_shared>>
      tpu.enqueue_dma source(%arg11 : memref<16xi32, #tpu.memory_space<vmem>>) target(%dma_start3A_262 : memref<16xi32, #tpu.memory_space<vmem_shared>>) target_semaphore(%run_scoped3A_257 : memref<!tpu.dma_semaphore, #tpu.memory_space<semaphore_mem>>)
      %dma_wait3A = arith.constant 0 : i32
      %dma_wait3A_263 = tpu.memref_slice %arg14[%arg1, %dma_wait3A] : memref<16x16xi32, #tpu.memory_space<vmem_shared>> -> memref<1x16xi32, #tpu.memory_space<vmem_shared>>
      %dma_wait3A_264 = tpu.memref_squeeze %dma_wait3A_263 : memref<1x16xi32, #tpu.memory_space<vmem_shared>> -> memref<16xi32, #tpu.memory_space<vmem_shared>>
      %dma_wait3A_265 = arith.constant 0 : i32
      %dma_wait3A_266 = tpu.memref_slice %arg14[%arg1, %dma_wait3A_265] : memref<16x16xi32, #tpu.memory_space<vmem_shared>> -> memref<1x16xi32, #tpu.memory_space<vmem_shared>>
      %dma_wait3A_267 = tpu.memref_squeeze %dma_wait3A_266 : memref<1x16xi32, #tpu.memory_space<vmem_shared>> -> memref<16xi32, #tpu.memory_space<vmem_shared>>
      tpu.wait_dma2 semaphore(%run_scoped3A_257 : memref<!tpu.dma_semaphore, #tpu.memory_space<semaphore_mem>>) src(%arg11 : memref<16xi32, #tpu.memory_space<vmem>>) dst(%dma_wait3A_267 : memref<16xi32, #tpu.memory_space<vmem_shared>>)
      tpu.yield
    }) : () -> ()
    %barrier3A_163 = arith.constant 0 : index
    tpu.barrier barrier_id(%barrier3A_163)
    "tpu.region"() ({
      %run_scoped3A_257 = tpu.sem_alloc : memref<!tpu.dma_semaphore, #tpu.memory_space<semaphore_mem>>
      tpu.enqueue_dma source(%arg14 : memref<16x16xi32, #tpu.memory_space<vmem_shared>>) target(%arg12 : memref<16x16xi32, #tpu.memory_space<vmem>>) target_semaphore(%run_scoped3A_257 : memref<!tpu.dma_semaphore, #tpu.memory_space<semaphore_mem>>)
      tpu.wait_dma2 semaphore(%run_scoped3A_257 : memref<!tpu.dma_semaphore, #tpu.memory_space<semaphore_mem>>) src(%arg14 : memref<16x16xi32, #tpu.memory_space<vmem_shared>>) dst(%arg12 : memref<16x16xi32, #tpu.memory_space<vmem>>)
      tpu.yield
    }) : () -> ()
    %broadcast_in_dim3A_164 = arith.constant 0 : i32
    %broadcast_in_dim3A_165 = vector.broadcast %broadcast_in_dim3A_164 : i32 to vector<16xi32>
    %get3A = arith.constant 0 : i32
    %get3A_166 = arith.index_cast %get3A : i32 to index
    %get3A_167 = arith.constant 0 : index
    %get3A_168 = tpu.vector_load %arg12[%get3A_166, %get3A_167] {strides = array<i32>} : memref<16x16xi32, #tpu.memory_space<vmem>>, vector<16xi32>,
    %add3A = arith.addi %broadcast_in_dim3A_165, %get3A_168 : vector<16xi32>
    %get3A_169 = arith.constant 1 : i32
    %get3A_170 = arith.index_cast %get3A_169 : i32 to index
    %get3A_171 = arith.constant 0 : index
    %get3A_172 = tpu.vector_load %arg12[%get3A_170, %get3A_171] {strides = array<i32>} : memref<16x16xi32, #tpu.memory_space<vmem>>, vector<16xi32>,
    %add3A_173 = arith.addi %add3A, %get3A_172 : vector<16xi32>
    %get3A_174 = arith.constant 2 : i32
    %get3A_175 = arith.index_cast %get3A_174 : i32 to index
    %get3A_176 = arith.constant 0 : index
    %get3A_177 = tpu.vector_load %arg12[%get3A_175, %get3A_176] {strides = array<i32>} : memref<16x16xi32, #tpu.memory_space<vmem>>, vector<16xi32>,
    %add3A_178 = arith.addi %add3A_173, %get3A_177 : vector<16xi32>
    %get3A_179 = arith.constant 3 : i32
    %get3A_180 = arith.index_cast %get3A_179 : i32 to index
    %get3A_181 = arith.constant 0 : index
    %get3A_182 = tpu.vector_load %arg12[%get3A_180, %get3A_181] {strides = array<i32>} : memref<16x16xi32, #tpu.memory_space<vmem>>, vector<16xi32>,
    %add3A_183 = arith.addi %add3A_178, %get3A_182 : vector<16xi32>
    %get3A_184 = arith.constant 4 : i32
    %get3A_185 = arith.index_cast %get3A_184 : i32 to index
    %get3A_186 = arith.constant 0 : index
    %get3A_187 = tpu.vector_load %arg12[%get3A_185, %get3A_186] {strides = array<i32>} : memref<16x16xi32, #tpu.memory_space<vmem>>, vector<16xi32>,
    %add3A_188 = arith.addi %add3A_183, %get3A_187 : vector<16xi32>
    %get3A_189 = arith.constant 5 : i32
    %get3A_190 = arith.index_cast %get3A_189 : i32 to index
    %get3A_191 = arith.constant 0 : index
    %get3A_192 = tpu.vector_load %arg12[%get3A_190, %get3A_191] {strides = array<i32>} : memref<16x16xi32, #tpu.memory_space<vmem>>, vector<16xi32>,
    %add3A_193 = arith.addi %add3A_188, %get3A_192 : vector<16xi32>
    %get3A_194 = arith.constant 6 : i32
    %get3A_195 = arith.index_cast %get3A_194 : i32 to index
    %get3A_196 = arith.constant 0 : index
    %get3A_197 = tpu.vector_load %arg12[%get3A_195, %get3A_196] {strides = array<i32>} : memref<16x16xi32, #tpu.memory_space<vmem>>, vector<16xi32>,
    %add3A_198 = arith.addi %add3A_193, %get3A_197 : vector<16xi32>
    %get3A_199 = arith.constant 7 : i32
    %get3A_200 = arith.index_cast %get3A_199 : i32 to index
    %get3A_201 = arith.constant 0 : index
    %get3A_202 = tpu.vector_load %arg12[%get3A_200, %get3A_201] {strides = array<i32>} : memref<16x16xi32, #tpu.memory_space<vmem>>, vector<16xi32>,
    %add3A_203 = arith.addi %add3A_198, %get3A_202 : vector<16xi32>
    %get3A_204 = arith.constant 8 : i32
    %get3A_205 = arith.index_cast %get3A_204 : i32 to index
    %get3A_206 = arith.constant 0 : index
    %get3A_207 = tpu.vector_load %arg12[%get3A_205, %get3A_206] {strides = array<i32>} : memref<16x16xi32, #tpu.memory_space<vmem>>, vector<16xi32>,
    %add3A_208 = arith.addi %add3A_203, %get3A_207 : vector<16xi32>
    %get3A_209 = arith.constant 9 : i32
    %get3A_210 = arith.index_cast %get3A_209 : i32 to index
    %get3A_211 = arith.constant 0 : index
    %get3A_212 = tpu.vector_load %arg12[%get3A_210, %get3A_211] {strides = array<i32>} : memref<16x16xi32, #tpu.memory_space<vmem>>, vector<16xi32>,
    %add3A_213 = arith.addi %add3A_208, %get3A_212 : vector<16xi32>
    %get3A_214 = arith.constant 10 : i32
    %get3A_215 = arith.index_cast %get3A_214 : i32 to index
    %get3A_216 = arith.constant 0 : index
    %get3A_217 = tpu.vector_load %arg12[%get3A_215, %get3A_216] {strides = array<i32>} : memref<16x16xi32, #tpu.memory_space<vmem>>, vector<16xi32>,
    %add3A_218 = arith.addi %add3A_213, %get3A_217 : vector<16xi32>
    %get3A_219 = arith.constant 11 : i32
    %get3A_220 = arith.index_cast %get3A_219 : i32 to index
    %get3A_221 = arith.constant 0 : index
    %get3A_222 = tpu.vector_load %arg12[%get3A_220, %get3A_221] {strides = array<i32>} : memref<16x16xi32, #tpu.memory_space<vmem>>, vector<16xi32>,
    %add3A_223 = arith.addi %add3A_218, %get3A_222 : vector<16xi32>
    %get3A_224 = arith.constant 12 : i32
    %get3A_225 = arith.index_cast %get3A_224 : i32 to index
    %get3A_226 = arith.constant 0 : index
    %get3A_227 = tpu.vector_load %arg12[%get3A_225, %get3A_226] {strides = array<i32>} : memref<16x16xi32, #tpu.memory_space<vmem>>, vector<16xi32>,
    %add3A_228 = arith.addi %add3A_223, %get3A_227 : vector<16xi32>
    %get3A_229 = arith.constant 13 : i32
    %get3A_230 = arith.index_cast %get3A_229 : i32 to index
    %get3A_231 = arith.constant 0 : index
    %get3A_232 = tpu.vector_load %arg12[%get3A_230, %get3A_231] {strides = array<i32>} : memref<16x16xi32, #tpu.memory_space<vmem>>, vector<16xi32>,
    %add3A_233 = arith.addi %add3A_228, %get3A_232 : vector<16xi32>
    %get3A_234 = arith.constant 14 : i32
    %get3A_235 = arith.index_cast %get3A_234 : i32 to index
    %get3A_236 = arith.constant 0 : index
    %get3A_237 = tpu.vector_load %arg12[%get3A_235, %get3A_236] {strides = array<i32>} : memref<16x16xi32, #tpu.memory_space<vmem>>, vector<16xi32>,
    %add3A_238 = arith.addi %add3A_233, %get3A_237 : vector<16xi32>
    %get3A_239 = arith.constant 15 : i32
    %get3A_240 = arith.index_cast %get3A_239 : i32 to index
    %get3A_241 = arith.constant 0 : index
    %get3A_242 = tpu.vector_load %arg12[%get3A_240, %get3A_241] {strides = array<i32>} : memref<16x16xi32, #tpu.memory_space<vmem>>, vector<16xi32>,
    %add3A_243 = arith.addi %add3A_238, %get3A_242 : vector<16xi32>
    %lt3A = vector.broadcast %arg1 : i32 to vector<16xi32>
    %lt3A_244 = arith.cmpi slt, %iota3A, %lt3A : vector<16xi32>
    %jit3A_245 = arith.constant 0 : i32
    %broadcast_in_dim3A_246 = vector.broadcast %jit3A_245 : i32 to vector<16xi32>
    %select_n3A_247 = arith.select %lt3A_244, %add3A_243, %broadcast_in_dim3A_246 : vector<16xi1>, vector<16xi32>
    %reduce_sum3A = arith.constant true
    %reduce_sum3A_248 = vector.broadcast %reduce_sum3A : i1 to vector<16xi1>
    %reduce_sum3A_249 = tpu.scan <sum>, %select_n3A_247 masked %reduce_sum3A_248 : vector<16xi32>, vector<16xi1> -> vector<16xi32>
    %reduce_sum3A_250 = vector.extract %reduce_sum3A_249[15] : i32 from vector<16xi32>
    %scan3A_251 = arith.constant 0 : i32
    %scan3A_252 = arith.constant 64 : i32
    %scan3A_253 = arith.addi %scan3A_251, %scan3A_252 : i32
    %scan3A_254 = arith.constant 1 : i32
    %scan3A_255 = scf.for %scan3A_257 = %scan3A_251 to %scan3A_253 step %scan3A_254 iter_args(%scan3A_258 = %reduce_sum3A_250) -> (i32)  : i32 {
      %mul3A_259 = arith.constant 16 : i32
      %mul3A_260 = arith.muli %mul3A_259, %scan3A_257 : i32
      %get3A_261 = arith.index_cast %mul3A_260 : i32 to index
      %get3A_262 = tpu.vector_load %arg5[%get3A_261] {strides = array<i32>} : memref<1024xf32, #tpu.memory_space<vmem>>, vector<16xf32>,
      %bitcast3A = vector.bitcast %get3A_262 : vector<16xf32> to vector<16xi32>
      %eq3A_263 = vector.broadcast %or3A_151 : i32 to vector<16xi32>
      %eq3A_264 = arith.cmpi eq, %bitcast3A, %eq3A_263 : vector<16xi32>
      %convert_element_type3A = arith.extui %eq3A_264 : vector<16xi1> to vector<16xi32>
      %broadcast_in_dim3A_265 = arith.constant true
      %broadcast_in_dim3A_266 = vector.broadcast %broadcast_in_dim3A_265 : i1 to vector<16xi1>
      %masked_cumsum3A = tpu.scan <sum>, %convert_element_type3A masked %broadcast_in_dim3A_266 : vector<16xi32>, vector<16xi1> -> vector<16xi32>
      %lt3A_267 = vector.broadcast %or3A_151 : i32 to vector<16xi32>
      %lt3A_268 = arith.cmpi slt, %bitcast3A, %lt3A_267 : vector<16xi32>
      %add3A_269 = vector.broadcast %scan3A_258 : i32 to vector<16xi32>
      %add3A_270 = arith.addi %add3A_269, %masked_cumsum3A : vector<16xi32>
      %le3A = vector.broadcast %sub3A_148 : i32 to vector<16xi32>
      %le3A_271 = arith.cmpi sle, %add3A_270, %le3A : vector<16xi32>
      %and3A = arith.andi %eq3A_264, %le3A_271 : vector<16xi1>
      %or3A_272 = arith.ori %lt3A_268, %and3A : vector<16xi1>
      %mul3A_273 = arith.constant 16 : i32
      %mul3A_274 = arith.muli %mul3A_273, %scan3A_257 : i32
      %get3A_275 = arith.index_cast %mul3A_274 : i32 to index
      %get3A_276 = tpu.vector_load %arg6[%get3A_275] {strides = array<i32>} : memref<1024xf32, #tpu.memory_space<vmem>>, vector<16xf32>,
      %jit3A_277 = arith.constant 0.000000e+00 : f32
      %broadcast_in_dim3A_278 = vector.broadcast %jit3A_277 : f32 to vector<16xf32>
      %select_n3A_279 = arith.select %or3A_272, %get3A_276, %broadcast_in_dim3A_278 : vector<16xi1>, vector<16xf32>
      %mul3A_280 = arith.constant 16 : i32
      %mul3A_281 = arith.muli %mul3A_280, %scan3A_257 : i32
      %swap3A_282 = arith.index_cast %mul3A_281 : i32 to index
      %swap3A_283 = tpu.vector_load %arg7[%swap3A_282] {strides = array<i32>} : memref<1024xf32, #tpu.memory_space<vmem>>, vector<16xf32>,
      tpu.vector_store %arg7[%swap3A_282], %select_n3A_279 {strides = array<i32>} : memref<1024xf32, #tpu.memory_space<vmem>>, vector<16xf32>,
      %reduce_max3A = arith.constant true
      %reduce_max3A_284 = vector.broadcast %reduce_max3A : i1 to vector<16xi1>
      %reduce_max3A_285 = arith.constant -2147483648 : i32
      %reduce_max3A_286 = vector.broadcast %reduce_max3A_285 : i32 to vector<16xi32>
      %reduce_max3A_287 = arith.xori %masked_cumsum3A, %reduce_max3A_286 : vector<16xi32>
      %reduce_max3A_288 = tpu.scan <max>, %reduce_max3A_287 masked %reduce_max3A_284 : vector<16xi32>, vector<16xi1> -> vector<16xi32>
      %reduce_max3A_289 = arith.xori %reduce_max3A_288, %reduce_max3A_286 : vector<16xi32>
      %reduce_max3A_290 = vector.extract %reduce_max3A_289[15] : i32 from vector<16xi32>
      %add3A_291 = arith.addi %scan3A_258, %reduce_max3A_290 : i32
      scf.yield %add3A_291 : i32
    }
    %scan3A_256 = arith.constant 64 : i32
    "tpu.region"() ({
      %run_scoped3A_257 = tpu.sem_alloc : memref<!tpu.dma_semaphore, #tpu.memory_space<semaphore_mem>>
      %dma_start3A = tpu.memref_slice %arg4[%mul3A_0] : memref<16384xf32, #tpu.memory_space<hbm>> -> memref<1024xf32, #tpu.memory_space<hbm>>
      %dma_start3A_258 = tpu.memref_slice %arg4[%mul3A_0] : memref<16384xf32, #tpu.memory_space<hbm>> -> memref<1024xf32, #tpu.memory_space<hbm>>
      tpu.enqueue_dma source(%arg7 : memref<1024xf32, #tpu.memory_space<vmem>>) target(%dma_start3A_258 : memref<1024xf32, #tpu.memory_space<hbm>>) target_semaphore(%run_scoped3A_257 : memref<!tpu.dma_semaphore, #tpu.memory_space<semaphore_mem>>)
      %dma_wait3A = tpu.memref_slice %arg4[%mul3A_0] : memref<16384xf32, #tpu.memory_space<hbm>> -> memref<1024xf32, #tpu.memory_space<hbm>>
      %dma_wait3A_259 = tpu.memref_slice %arg4[%mul3A_0] : memref<16384xf32, #tpu.memory_space<hbm>> -> memref<1024xf32, #tpu.memory_space<hbm>>
      tpu.wait_dma2 semaphore(%run_scoped3A_257 : memref<!tpu.dma_semaphore, #tpu.memory_space<semaphore_mem>>) src(%arg7 : memref<1024xf32, #tpu.memory_space<vmem>>) dst(%dma_wait3A_259 : memref<1024xf32, #tpu.memory_space<hbm>>)
      tpu.yield
    }) : () -> ()
    return
  }
}

module attributes {stable_mosaic.version = 14 : i64} {
  func.func @_tc_body(%arg0: memref<7xf32, #tpu.memory_space<smem>>, %arg1: memref<128x128xf32, #tpu.memory_space<vmem>>, %arg2: memref<128x128xf32, #tpu.memory_space<vmem>>, %arg3: memref<128x128xf32, #tpu.memory_space<vmem>>, %arg4: memref<128x128xf32, #tpu.memory_space<vmem>>, %arg5: memref<128x128xf32, #tpu.memory_space<vmem>>, %arg6: memref<128x128xf32, #tpu.memory_space<vmem>>, %arg7: memref<128x128xf32, #tpu.memory_space<vmem>>, %arg8: memref<128x128xf32, #tpu.memory_space<vmem>>, %arg9: memref<128x128xf32, #tpu.memory_space<vmem>>) attributes {dimension_semantics = [], scalar_prefetch = 0 : i64, scratch_operands = 0 : i64, tpu.core_type = #tpu.core_type<tc>} {
    %get3A = arith.constant 0 : index
    %get3A_0 = arith.constant 0 : index
    %get3A_1 = vector.load %arg1[%get3A, %get3A_0] : memref<128x128xf32, #tpu.memory_space<vmem>>, vector<128x128xf32>
    %convert_element_type3A = arith.truncf %get3A_1 : vector<128x128xf32> to vector<128x128xbf16>
    %convert_element_type3A_2 = arith.extf %convert_element_type3A : vector<128x128xbf16> to vector<128x128xf32>
    %get3A_3 = arith.constant 0 : index
    %get3A_4 = arith.constant 0 : index
    %get3A_5 = vector.load %arg2[%get3A_3, %get3A_4] : memref<128x128xf32, #tpu.memory_space<vmem>>, vector<128x128xf32>
    %convert_element_type3A_6 = arith.truncf %get3A_5 : vector<128x128xf32> to vector<128x128xbf16>
    %convert_element_type3A_7 = arith.extf %convert_element_type3A_6 : vector<128x128xbf16> to vector<128x128xf32>
    %get3A_8 = arith.constant 0 : index
    %get3A_9 = arith.constant 0 : index
    %get3A_10 = vector.load %arg3[%get3A_8, %get3A_9] : memref<128x128xf32, #tpu.memory_space<vmem>>, vector<128x128xf32>
    %convert_element_type3A_11 = arith.truncf %get3A_10 : vector<128x128xf32> to vector<128x128xbf16>
    %convert_element_type3A_12 = arith.extf %convert_element_type3A_11 : vector<128x128xbf16> to vector<128x128xf32>
    %get3A_13 = arith.constant 0 : index
    %get3A_14 = arith.constant 0 : index
    %get3A_15 = vector.load %arg4[%get3A_13, %get3A_14] : memref<128x128xf32, #tpu.memory_space<vmem>>, vector<128x128xf32>
    %convert_element_type3A_16 = arith.truncf %get3A_15 : vector<128x128xf32> to vector<128x128xbf16>
    %convert_element_type3A_17 = arith.extf %convert_element_type3A_16 : vector<128x128xbf16> to vector<128x128xf32>
    %get3A_18 = arith.constant 0 : index
    %get3A_19 = arith.constant 0 : index
    %get3A_20 = vector.load %arg5[%get3A_18, %get3A_19] : memref<128x128xf32, #tpu.memory_space<vmem>>, vector<128x128xf32>
    %convert_element_type3A_21 = arith.truncf %get3A_20 : vector<128x128xf32> to vector<128x128xbf16>
    %convert_element_type3A_22 = arith.extf %convert_element_type3A_21 : vector<128x128xbf16> to vector<128x128xf32>
    %get3A_23 = arith.constant 0 : index
    %get3A_24 = arith.constant 0 : index
    %get3A_25 = vector.load %arg6[%get3A_23, %get3A_24] : memref<128x128xf32, #tpu.memory_space<vmem>>, vector<128x128xf32>
    %convert_element_type3A_26 = arith.truncf %get3A_25 : vector<128x128xf32> to vector<128x128xbf16>
    %convert_element_type3A_27 = arith.extf %convert_element_type3A_26 : vector<128x128xbf16> to vector<128x128xf32>
    %get3A_28 = arith.constant 0 : index
    %get3A_29 = arith.constant 0 : index
    %get3A_30 = vector.load %arg7[%get3A_28, %get3A_29] : memref<128x128xf32, #tpu.memory_space<vmem>>, vector<128x128xf32>
    %convert_element_type3A_31 = arith.truncf %get3A_30 : vector<128x128xf32> to vector<128x128xbf16>
    %convert_element_type3A_32 = arith.extf %convert_element_type3A_31 : vector<128x128xbf16> to vector<128x128xf32>
    %get3A_33 = arith.constant 0 : index
    %get3A_34 = memref.load %arg0[%get3A_33] : memref<7xf32, #tpu.memory_space<smem>>
    %convert_element_type3A_35 = arith.truncf %get3A_34 : f32 to bf16
    %convert_element_type3A_36 = arith.extf %convert_element_type3A_35 : bf16 to f32
    %get3A_37 = arith.constant 1 : index
    %get3A_38 = memref.load %arg0[%get3A_37] : memref<7xf32, #tpu.memory_space<smem>>
    %convert_element_type3A_39 = arith.truncf %get3A_38 : f32 to bf16
    %convert_element_type3A_40 = arith.extf %convert_element_type3A_39 : bf16 to f32
    %get3A_41 = arith.constant 2 : index
    %get3A_42 = memref.load %arg0[%get3A_41] : memref<7xf32, #tpu.memory_space<smem>>
    %convert_element_type3A_43 = arith.truncf %get3A_42 : f32 to bf16
    %convert_element_type3A_44 = arith.extf %convert_element_type3A_43 : bf16 to f32
    %get3A_45 = arith.constant 3 : index
    %get3A_46 = memref.load %arg0[%get3A_45] : memref<7xf32, #tpu.memory_space<smem>>
    %convert_element_type3A_47 = arith.truncf %get3A_46 : f32 to bf16
    %convert_element_type3A_48 = arith.extf %convert_element_type3A_47 : bf16 to f32
    %get3A_49 = arith.constant 4 : index
    %get3A_50 = memref.load %arg0[%get3A_49] : memref<7xf32, #tpu.memory_space<smem>>
    %convert_element_type3A_51 = arith.truncf %get3A_50 : f32 to bf16
    %convert_element_type3A_52 = arith.extf %convert_element_type3A_51 : bf16 to f32
    %get3A_53 = arith.constant 5 : index
    %get3A_54 = memref.load %arg0[%get3A_53] : memref<7xf32, #tpu.memory_space<smem>>
    %convert_element_type3A_55 = arith.truncf %get3A_54 : f32 to bf16
    %convert_element_type3A_56 = arith.extf %convert_element_type3A_55 : bf16 to f32
    %get3A_57 = arith.constant 6 : index
    %get3A_58 = memref.load %arg0[%get3A_57] : memref<7xf32, #tpu.memory_space<smem>>
    %convert_element_type3A_59 = arith.truncf %get3A_58 : f32 to bf16
    %convert_element_type3A_60 = arith.extf %convert_element_type3A_59 : bf16 to f32
    %mul3A = vector.broadcast %convert_element_type3A_36 : f32 to vector<128x128xf32>
    %mul3A_61 = arith.mulf %convert_element_type3A_2, %mul3A : vector<128x128xf32>
    %mul3A_62 = vector.broadcast %convert_element_type3A_40 : f32 to vector<128x128xf32>
    %mul3A_63 = arith.mulf %convert_element_type3A_7, %mul3A_62 : vector<128x128xf32>
    %mul3A_64 = vector.broadcast %convert_element_type3A_44 : f32 to vector<128x128xf32>
    %mul3A_65 = arith.mulf %convert_element_type3A_12, %mul3A_64 : vector<128x128xf32>
    %mul3A_66 = vector.broadcast %convert_element_type3A_48 : f32 to vector<128x128xf32>
    %mul3A_67 = arith.mulf %convert_element_type3A_17, %mul3A_66 : vector<128x128xf32>
    %mul3A_68 = vector.broadcast %convert_element_type3A_52 : f32 to vector<128x128xf32>
    %mul3A_69 = arith.mulf %convert_element_type3A_22, %mul3A_68 : vector<128x128xf32>
    %mul3A_70 = vector.broadcast %convert_element_type3A_56 : f32 to vector<128x128xf32>
    %mul3A_71 = arith.mulf %convert_element_type3A_27, %mul3A_70 : vector<128x128xf32>
    %mul3A_72 = vector.broadcast %convert_element_type3A_60 : f32 to vector<128x128xf32>
    %mul3A_73 = arith.mulf %convert_element_type3A_32, %mul3A_72 : vector<128x128xf32>
    %add3A = arith.addf %mul3A_61, %mul3A_63 : vector<128x128xf32>
    %add3A_74 = arith.addf %mul3A_65, %mul3A_67 : vector<128x128xf32>
    %add3A_75 = arith.addf %add3A, %add3A_74 : vector<128x128xf32>
    %add3A_76 = arith.addf %mul3A_69, %mul3A_71 : vector<128x128xf32>
    %add3A_77 = arith.addf %add3A_75, %add3A_76 : vector<128x128xf32>
    %add3A_78 = arith.addf %add3A_77, %mul3A_73 : vector<128x128xf32>
    %logistic3A = arith.negf %add3A_78 : vector<128x128xf32>
    %logistic3A_79 = math.exp %logistic3A : vector<128x128xf32>
    %logistic3A_80 = arith.constant 1.000000e+00 : f32
    %logistic3A_81 = vector.broadcast %logistic3A_80 : f32 to vector<128x128xf32>
    %logistic3A_82 = arith.addf %logistic3A_81, %logistic3A_79 : vector<128x128xf32>
    %logistic3A_83 = arith.divf %logistic3A_81, %logistic3A_82 : vector<128x128xf32>
    %swap3A = arith.constant 0 : index
    %swap3A_84 = arith.constant 0 : index
    %swap3A_85 = vector.load %arg8[%swap3A, %swap3A_84] : memref<128x128xf32, #tpu.memory_space<vmem>>, vector<128x128xf32>
    tpu.vector_store %arg8[%swap3A, %swap3A_84], %logistic3A_83 {strides = array<i32>} : memref<128x128xf32, #tpu.memory_space<vmem>>, vector<128x128xf32>,
    %get3A_86 = arith.constant 0 : index
    %get3A_87 = arith.constant 0 : index
    %get3A_88 = vector.load %arg4[%get3A_86, %get3A_87] : memref<128x128xf32, #tpu.memory_space<vmem>>, vector<128x128xf32>
    %add3A_89 = arith.constant 1.000000e+00 : f32
    %add3A_90 = vector.broadcast %add3A_89 : f32 to vector<128x128xf32>
    %add3A_91 = arith.addf %logistic3A_83, %add3A_90 : vector<128x128xf32>
    %mul3A_92 = arith.mulf %get3A_88, %add3A_91 : vector<128x128xf32>
    %swap3A_93 = arith.constant 0 : index
    %swap3A_94 = arith.constant 0 : index
    %swap3A_95 = vector.load %arg9[%swap3A_93, %swap3A_94] : memref<128x128xf32, #tpu.memory_space<vmem>>, vector<128x128xf32>
    tpu.vector_store %arg9[%swap3A_93, %swap3A_94], %mul3A_92 {strides = array<i32>} : memref<128x128xf32, #tpu.memory_space<vmem>>, vector<128x128xf32>,
    return
  }
}

</mosaic_0001>

<sc_bundles>
// kernel: kernel.4.cloned.1.call-start
scs
__scs_entry_jumppad:
0x0: {  	(pc) =	sbr.rel $0x88, $3  }
0x1: {  	(tag) =	ssettag $0x0;
	lr =	simm.s32 $0x1  }
0x2: {  	[smem:$0x3F9F] =	sst lr;
	_ =	strace $0xD0000000  }
0x3: {  	_ = 	snop  }
0x4: {  	_ = 	snop  }
0x5: {  	_ = 	snop  }
0x6: {  	_ = 	snop  }
0x7: {  	_ = 	snop  }
__scs_overlays_trampoline_lowered:
0x8: {  	[smem:$0x3FAE] =	sst s0  }
0x9: {  	[smem:$0x3FAF] =	sst s1  }
0xa: {  	[smem:$0x3FB0] =	sst s2  }
0xb: {  	[smem:$0x3FB1] =	sst s3  }
0xc: {  	[smem:$0x3FB2] =	sst s4  }
0xd: {  	[smem:$0x3FB3] =	sst s5  }
0xe: {  	[smem:$0x3FB4] =	sst s6  }
0xf: {  	[smem:$0x3FB5] =	sst s7  }
0x10: {  	[smem:$0x3FB6] =	sst s8  }
0x11: {  	[smem:$0x3FB7] =	sst s9;
	s0 =	simm.s32 @!p0 $0x0  }
0x12: {  	s1 =	sld [smem:$0x3F9D];
	s0 =	simm.s32 @p0 $0x1  }
0x13: {  	[smem:$0x3FB8] =	sst s0;
	s0 =	simm.s32 @!p1 $0x0  }
0x14: {  	s2 =	sld [smem:$0x3F9C];
	s0 =	simm.s32 @p1 $0x1  }
0x15: {  	[smem:$0x3FB9] =	sst s0;
	s0 =	simm.s32 @!p2 $0x0  }
0x16: {  	s3 =	sld [smem:$0x3FDB];
	s0 =	simm.s32 @p2 $0x1  }
0x17: {  	s4 =	simm.s32 $0x1BF5;
	[smem:$0x3FBB] =	sst s0  }
0x18: {  	s0 =	sld [smem:$0x3F9E];
	_ =	swait.ge [sflag:s4], $0x0  }
0x19: {  	s7 =	sld [smem:$0x3F9F]  }
0x1a: {  	s8 =	sadd.s32 $0xFFFFE003, lr  }
0x1b: {  	s9 =	sadd.s32 $0xFFFFFEF7, lr;
	s5 =	simm.s32 $0xFFFFFFFF;
	p2 =	slt.u32 s8, $0xFFFFF086  }
0x1c: {  	p1 =	slt.u32 s9, $0xF7A;
	s5 =	simm.s32 @!p2 $0x0  }
0x1d: {  	s5 =	simm.s32 @p1 $0x1;
	p0 =	seq.s32 s7, s2  }
0x1e: {  	s7 =	smul.u32 @!p0 $0xF7A, s2;
	p2 =	seq.s32 @!p0 s5, $0x0  }
0x1f: {  	s9 =	smul.u32 $0xF7A, s1;
	s8 =	simm.s32 @!p0 $0x1BF5;
	p2 =	por !p2, p0  }
0x20: {  	[sflag:s8] =	ssyncset.s32 @!p0 $0xFFFFF086;
	s6 =	sadd.s32 @!p0 s3, s7;
	s7 =	simm.s32 @!p0 $0x108  }
0x21: {  	s3 =	sadd.s32 s3, s9;
	s6 =	sadd.s32 @!p0 $0x88, s6;
	s7 =	simm.s32 @p2 $0x1082  }
0x22: {  	[simem:s7], [sflag:s8] =	dma.local @!p0 [hbm:s6], $0xF7A  }
0x23: {  	s9 =	sor.u32 $0xD0000000, s2;
	s6 =	simm.s32 $0x108;
	_ =	swait.ge @!p0 [sflag:s8], $0x0  }
0x24: {  	s3 =	sadd.s32 $0x88, s3;
	s6 =	simm.s32 @!p1 $0x1082;
	[sflag:s4] =	ssyncset.s32 $0xFFFFF086  }
0x25: {  	[simem:s6], [sflag:s4] =	dma.local [hbm:s3], $0xF7A  }
0x26: {  	[smem:$0x3F9F] =	sst s1;
	(tag) =	ssettag s2;
	_ =	strace s9  }
0x27: {  	s1 =	sld [smem:$0x3FAF]  }
0x28: {  	s2 =	sld [smem:$0x3FB0]  }
0x29: {  	s4 =	sld [smem:$0x3FB2]  }
0x2a: {  	p0 =	seq.s32 s5, $0x0;
	s5 =	sld [smem:$0x3FB3]  }
0x2b: {  	s6 =	sld [smem:$0x3FB4]  }
0x2c: {  	s7 =	sld [smem:$0x3FB5]  }
0x2d: {  	s3 =	simm.s32 $0x108;
	s8 =	sld [smem:$0x3FB6]  }
0x2e: {  	s3 =	simm.s32 @!p0 $0x1082;
	s9 =	sld [smem:$0x3FB7]  }
0x2f: {  	lr =	sadd.s32 s0, s3;
	s0 =	sld [smem:$0x3FAE]  }
0x30: {  	s3 =	sld [smem:$0x3FB1]  }
0x31: {  	[smem:$0x3FBA] =	sst s10  }
0x32: {  	s10 =	sld [smem:$0x3FB8];
	_ =	sdelay $0x3  }
0x33: {  	p0 =	seq.s32 s10, $0x1;
	s10 =	sld [smem:$0x3FBA];
	_ =	sdelay $0x3  }
0x34: {  	[smem:$0x3FBA] =	sst s10  }
0x35: {  	s10 =	sld [smem:$0x3FB9];
	_ =	sdelay $0x3  }
0x36: {  	p1 =	seq.s32 s10, $0x1;
	s10 =	sld [smem:$0x3FBA];
	_ =	sdelay $0x3  }
0x37: {  	[smem:$0x3FBA] =	sst s10  }
0x38: {  	s10 =	sld [smem:$0x3FBB]  }
0x39: {  	_ = 	snop;
	(pc) =	sbr.ind lr, $3  }
0x3a: {  	_ = 	snop  }
0x3b: {  	_ = 	snop  }
0x3c: {  	p2 =	seq.s32 s10, $0x1;
	s10 =	sld [smem:$0x3FBA]  }
0x3d: {  	_ =	shalt  }
0x3e: {  	_ =	shalt  }
0x3f: {  	_ =	shalt  }
0x40: {  	_ =	shalt  }
0x41: {  	_ =	shalt  }
0x42: {  	_ =	shalt  }
0x43: {  	_ =	shalt  }
0x44: {  	_ =	shalt  }
0x45: {  	_ =	shalt  }
0x46: {  	_ =	shalt  }
0x47: {  	_ =	shalt  }
0x48: {  	_ =	shalt  }
0x49: {  	_ =	shalt  }
0x4a: {  	_ =	shalt  }
0x4b: {  	_ =	shalt  }
0x4c: {  	_ =	shalt  }
0x4d: {  	_ =	shalt  }
0x4e: {  	_ =	shalt  }
0x4f: {  	_ =	shalt  }
0x50: {  	_ =	shalt  }
0x51: {  	_ =	shalt  }
0x52: {  	_ =	shalt  }
0x53: {  	_ =	shalt  }
0x54: {  	_ =	shalt  }
0x55: {  	_ =	shalt  }
0x56: {  	_ =	shalt  }
0x57: {  	_ =	shalt  }
0x58: {  	_ =	shalt  }
0x59: {  	_ =	shalt  }
0x5a: {  	_ =	shalt  }
0x5b: {  	_ =	shalt  }
0x5c: {  	_ =	shalt  }
0x5d: {  	_ =	shalt  }
0x5e: {  	_ =	shalt  }
0x5f: {  	_ =	shalt  }
0x60: {  	_ =	shalt  }
0x61: {  	_ =	shalt  }
0x62: {  	_ =	shalt  }
0x63: {  	_ =	shalt  }
0x64: {  	_ =	shalt  }
0x65: {  	_ =	shalt  }
0x66: {  	_ =	shalt  }
0x67: {  	_ =	shalt  }
0x68: {  	_ =	shalt  }
0x69: {  	_ =	shalt  }
0x6a: {  	_ =	shalt  }
0x6b: {  	_ =	shalt  }
0x6c: {  	_ =	shalt  }
0x6d: {  	_ =	shalt  }
0x6e: {  	_ =	shalt  }
0x6f: {  	_ =	shalt  }
0x70: {  	_ =	shalt  }
0x71: {  	_ =	shalt  }
0x72: {  	_ =	shalt  }
0x73: {  	_ =	shalt  }
0x74: {  	_ =	shalt  }
0x75: {  	_ =	shalt  }
0x76: {  	_ =	shalt  }
0x77: {  	_ =	shalt  }
0x78: {  	_ =	shalt  }
0x79: {  	_ =	shalt  }
0x7a: {  	_ =	shalt  }
0x7b: {  	_ =	shalt  }
0x7c: {  	_ =	shalt  }
0x7d: {  	_ =	shalt  }
0x7e: {  	_ =	shalt  }
0x7f: {  	_ =	shalt  }
0x80: {  	_ =	shalt  }
0x81: {  	_ =	shalt  }
0x82: {  	_ =	shalt  }
0x83: {  	_ =	shalt  }
0x84: {  	_ =	shalt  }
0x85: {  	_ =	shalt  }
0x86: {  	_ =	shalt  }
0x87: {  	_ =	shalt  }
.Lfunc_end0:
.L_simem_size_0:
called_computation_lowered:
.L_overlay_start_0:
0x88: {  	s0 =	sld [smem:$0x3FD9]  }
0x89: {  	s1 =	sld [smem:$0x3FFE];
	_ =	sdelay $0x3  }
0x8a: {  	s0 =	sadd.s32 s1, s0  }
0x8b: {  	[smem:$0x3FC6] =	sst s0  }
0x8c: {  	_ = 	snop  }
0x8d: {  	s0 =	sld [smem:$0x3FD0];
	_ =	sdelay $0x2  }
0x8e: {  	s13 =	simm.s32 $0xA;
	s2 =	simm.s32 $0x10  }
0x8f: {  	[smem:s2], [sflag:s13] =	dma.local [hbm:s0], $0x1  }
0x90: {  	_ =	swait.eq [sflag:s13], $0x1  }
0x91: {  	[sflag:s13] =	ssyncset.done $0x0  }
0x92: {  	s14 =	sld [smem:$0x10];
	[sflag:s13] =	ssyncadd.s32 $0xFFFFFFFF  }
0x93: {  	s15 =	sld [smem:$0x11];
	(tm) =	ssettm $0x1  }
0x94: {  	s16 =	sld [smem:$0x3FFB];
	_ =	sdelay $0x3  }
0x95: {  	_ =	strace s16  }
0x96: {  	s2 =	sld [smem:$0x3FFC];
	_ =	sdelay $0x3  }
0x97: {  	_ =	strace s2  }
0x98: {  	s2 =	sld [smem:$0x3FFD];
	_ =	sdelay $0x3  }
0x99: {  	_ =	strace s2  }
0x9a: {  	_ =	strace $0x8FFFFFFF  }
0x9b: {  	s17 =	sld [smem:$0x3FDB];
	_ =	sdelay $0x1  }
0x9c: {  	s3 =	simm.s32 $_scs_section_size  }
0x9d: {  	s4 =	simm.s32 $_size__tile_overlayer_lowered;
	s5 =	simm.s32 $_tile_overlayer_lowered  }
0x9e: {  	s20 =	simm.s32 $0x1BFF;
	s19 =	sshll.u32 s5, $0x1;
	s2 =	sadd.s32 s3, s17  }
0x9f: {  	s6 =	simm.s32 $0x0;
	s18 =	sshll.u32 s4, $0x1;
	s4 =	sadd.s32 s19, s2  }
0xa0: {  	[timem:s6], [sflag:s20] =	dma.local [hbm:s4], s18  }
0xa1: {  	_ =	swait.ge [sflag:s20], s18  }
0xa2: {  	s3 =	ssub.s32 $0x0, s18;
	[sflag:s20] =	ssyncset.done $0x0  }
0xa3: {  	[sflag:s20] =	ssyncadd.s32 s3;
	_ =	sdelay $0x1  }
0xa4: {  	s21 =	simm.s32 $0x1B8B  }
0xa5: {  	_ =	swait.ge [sflag:s21], $0x1  }
0xa6: {  	[sflag:s21] =	ssyncset.done $0x0  }
0xa7: {  	s23 =	simm.s32 $0x1B8E;
	s22 =	sld [smem:$0x3FFE];
	[sflag:s21] =	ssyncadd.s32 $0xFFFFFFFF  }
0xa8: {  	s24 =	simm.s32 $execute0_lowered;
	[smem:$0x3FD2] =	sst s23  }
0xa9: {  	s4 =	sshll.u32 s24, $0x1;
	_ =	strace $0x80000046;
	[dreg:$0x1] =	wrdreg $0xFFFFFFFF  }
0xaa: {  	s25 =	simm.s32 $_size_execute0_lowered;
	s2 =	sadd.s32 s2, s4;
	[dreg:$0x0] =	wrdreg $0x0  }
0xab: {  	s4 =	sshll.u32 s25, $0x1;
	[dreg:$0x2] =	wrdreg s2  }
0xac: {  	[dreg:$0x3] =	wrdreg s4  }
0xad: {  	[dreg:$0x4] =	wrdreg $0xC0  }
0xae: {  	_ =	task [dreg:s6], $0x5FFFF  }
0xaf: {  	[dreg:$0x1] =	wrdreg $0xFFFFFFFF  }
0xb0: {  	[dreg:$0x0] =	wrdreg $0x60  }
0xb1: {  	[dreg:$0x2] =	wrdreg s15  }
0xb2: {  	[dreg:$0x3] =	wrdreg s22  }
0xb3: {  	[dreg:$0x4] =	wrdreg s14  }
0xb4: {  	[dreg:$0x5] =	wrdreg $0x2A800  }
0xb5: {  	[dreg:$0x6] =	wrdreg $0x26800  }
0xb6: {  	[dreg:$0x7] =	wrdreg $0x9  }
0xb7: {  	_ =	task.clear_ibuf [dreg:s6], $0x8FFFF;
	_ =	strace $0x90000046  }
0xb8: {  	s26 =	simm.s32 $0x9;
	_ =	strace $0x80000048  }
0xb9: {  	_ =	swait.ge [sflag:s26], $0x1  }
0xba: {  	[sflag:s26] =	ssyncadd.s32 $0xFFFFFFFF  }
0xbb: {  	_ =	strace $0x90000048  }
0xbc: {  	_ =	sfence  }
0xbd: {  	s28 =	sld [smem:$0x0];
	_ =	sdelay $0x1  }
0xbe: {  	s29 =	srdreg.scid  }
0xbf: {  	s30 =	sshll.u32 s29, $0xD;
	s31 =	sshrl.u32 s29, $0x2  }
0xc0: {  	s1 =	sand.u32 $0x1, s29;
	s2 =	sand.u32 $0x4000, s30;
	s0 =	sadd.s32 s31, s28  }
0xc1: {  	s1 =	sor.u32 s2, s1;
	s0 =	sshll.u32 s0, $0x11  }
0xc2: {  	s0 =	sor.u32 s0, s1  }
0xc3: {  	s0 =	sadd.s32 $0x8F2B, s0  }
0xc4: {  	[sflag:s0] =	ssyncadd.remote.s32 $0x1  }
0xc5: {  	_ =	sfence.sel $0xFFFF  }
0xc6: {  	[dreg:$0x0] =	wrdreg $0xFFFFFFFF;
	(pc) =	sbr.abs _section_cstart, $3  }
0xc7: {  	[dreg:$0x1] =	wrdreg $0xFFFFFFFF  }
0xc8: {  	_ =	task.clear_ibuf [dreg:s6], $0x2FFFF;
	_ =	strace $0x9FFFFFFF  }
0xc9: {  	(tm) =	ssettm $0x7FFFFFFF  }
tec
execute0_lowered:
.L_overlay_start_1:
0x0: {  	(tag) =	ssettag $0x1  }
0x1: {  	s0 =	rddreg [dreg:$0x0]  }
0x2: {  	s1 =	rddreg [dreg:$0x1];
	s2 =	simm.s32 $0x0;
	s4 =	stileid.u32  }
0x3: {  	[smem:$0x7FF] =	sst s2;
	s5 =	sshll.u32 s4, $0x7  }
0x4: {  	s31 =	simm.s32 $0x1;
	_ =	strace $0x80000047;
	s0 =	sadd.s32 s0, s5  }
0x5: {  	[tilespmem:s2], [sflag:$0x1] =	stream.linear.gather [hbm4b:s0+s2], $0x400, $0x38;
	[tilespmem:$0x2A90] =	vst v63  }
0x6: {  	_ =	swait.ge [sflag:s31], $0x400  }
0x7: {  	s1 =	sadd.s32 s5, s1;
	[sflag:s31] =	ssyncset.done $0x0  }
0x8: {  	s3 =	simm.s32 $0x400;
	s1 =	sadd.s32 $0xE00, s1;
	[sflag:s31] =	ssyncadd.s32 $0xFFFFFC00  }
0x9: {  	[tilespmem:s3], [sflag:$0x1] =	stream.linear.gather [hbm4b:s1+s2], $0x400, $0x38;
	[tilespmem:$0x2A90] =	vst v63  }
0xa: {  	_ =	swait.ge [sflag:s31], $0x400  }
0xb: {  	[sflag:s31] =	ssyncset.done $0x0  }
0xc: {  	v0 =	vimm.s32 $0x0;
	[sflag:s31] =	ssyncadd.s32 $0xFFFFFC00  }
0xd: {  	[tilespmem:$0xC00] =	vst v0  }
0xe: {  	[tilespmem:$0xC10] =	vst v0  }
0xf: {  	[tilespmem:$0xC20] =	vst v0  }
0x10: {  	[tilespmem:$0xC30] =	vst v0  }
0x11: {  	[tilespmem:$0xC40] =	vst v0  }
0x12: {  	[tilespmem:$0xC50] =	vst v0  }
0x13: {  	[tilespmem:$0xC60] =	vst v0  }
0x14: {  	[tilespmem:$0xC70] =	vst v0  }
0x15: {  	[tilespmem:$0xC80] =	vst v0  }
0x16: {  	[tilespmem:$0xC90] =	vst v0  }
0x17: {  	[tilespmem:$0xCA0] =	vst v0  }
0x18: {  	[tilespmem:$0xCB0] =	vst v0  }
0x19: {  	[tilespmem:$0xCC0] =	vst v0  }
0x1a: {  	[tilespmem:$0xCD0] =	vst v0  }
0x1b: {  	[tilespmem:$0xCE0] =	vst v0  }
0x1c: {  	s0 =	simm.s32 $0xC00;
	s2 =	simm.s32 $0x0;
	s1 =	simm.s32 $0x40;
	[tilespmem:$0xCF0] =	vst v0;
	v0 =	vimm.s32 $0x1  }
.LBB2_1:
0x1d: {  	p0 =	sne.s32 s1, $0xFC0;
	v1 =	vld [tilespmem:s2+$0x0];
	_ =	sdelay $0x4  }
0x1e: {  	vm0 =	vlt.u32 v1, $0x40000000;
	v1 =	vshrl.u32 v1, $0x16  }
0x1f: {  	v1 =	vand.u32 $0xFF, v1  }
.Ltmp0:
0x20: {  	(pc) =	sbr.rel @p0 .LBB2_1-.Ltmp0, $2  }
0x21: {  	_ =	sdelay $0x2  }
0x22: {  	s2 =	sshra.s32 s1, $0x2;
	s1 =	sadd.s32 $0x40, s1;
	[tilespmem:v1+s0+$0x0] =	vst.idx.add.s32.msk vm0, v0  }
0x23: {  	v1 =	vld [tilespmem:s2+$0x0];
	_ =	sdelay $0x4  }
0x24: {  	vm0 =	vlt.u32 v1, $0x40000000;
	v1 =	vshrl.u32 v1, $0x16  }
0x25: {  	v1 =	vand.u32 $0xFF, v1;
	_ =	sdelay $0x1  }
0x26: {  	s1 =	sshll.u32 s4, $0x8;
	[dreg:$0x6] =	wrdreg s5;
	s20 =	sand.u32 $0x380, s5  }
0x27: {  	s21 =	rddreg [dreg:$0x4];
	s22 =	simm.s32 $0x80;
	s1 =	sand.u32 $0x800, s1  }
0x28: {  	s23 =	simm.s32 $0x400;
	s3 =	simm.s32 $0xC00;
	s2 =	sor.u32 s20, s1  }
0x29: {  	s24 =	simm.s32 $0x1;
	[dreg:$0x7] =	wrdreg s2;
	s1 =	sadd.s32 s2, s21;
	[tilespmem:v1+s0+$0x0] =	vst.idx.add.s32.msk vm0, v0  }
0x2a: {  	[spmem:s1] =	stream.strided.scatter [tilespmem:s3], [sflag:$0x1], $0x100, s23, s22, $0x38;
	[tilespmem:$0x2A90] =	vst v63  }
0x2b: {  	_ =	swait.ge [sflag:s24], $0x100  }
0x2c: {  	[sflag:s24] =	ssyncset.done $0x0  }
0x2d: {  	[sflag:s24] =	ssyncadd.s32 $0xFFFFFF00  }
0x2e: {  	s25 =	simm.s32 $0xD00;
	[bflag:$0x0] =	sbarrier.arrive $0xFFFF  }
0x2f: {  	[tilespmem:s25], [sflag:$0x1] =	stream.linear.gather [spmem:s21], $0x1000, $0x38;
	[tilespmem:$0x2A90] =	vst v63  }
0x30: {  	s8 =	simm.s32 $0x0;
	_ =	swait.ge [sflag:s24], $0x1000  }
0x31: {  	s26 =	sand.u32 $0x70, s8;
	s28 =	sand.u32 $0x400, s8;
	[sflag:s24] =	ssyncset.done $0x0  }
0x32: {  	s29 =	sor.u32 s26, s28;
	[sflag:s24] =	ssyncadd.s32 $0xFFFFF000  }
0x33: {  	v52 =	vld [tilespmem:s29+$0xD80]  }
0x34: {  	v53 =	vld [tilespmem:s29+$0xD00]  }
0x35: {  	v2 =	vld [tilespmem:s29+$0xE00]  }
0x36: {  	v3 =	vld [tilespmem:s29+$0xE80]  }
0x37: {  	v4 =	vld [tilespmem:s29+$0xF00]  }
0x38: {  	v5 =	vld [tilespmem:s29+$0xF80]  }
0x39: {  	v54 =	vld [tilespmem:s29+$0x1000];
	v0 =	vadd.s32 v53, v52  }
0x3a: {  	v55 =	vld [tilespmem:s29+$0x1080];
	v0 =	vadd.s32 v2, v0  }
0x3b: {  	v56 =	vld [tilespmem:s29+$0x1500];
	v0 =	vadd.s32 v3, v0  }
0x3c: {  	v57 =	vld [tilespmem:s29+$0x1580];
	v0 =	vadd.s32 v4, v0  }
0x3d: {  	v58 =	vld [tilespmem:s29+$0x1600];
	v0 =	vadd.s32 v5, v0  }
0x3e: {  	v59 =	vld [tilespmem:s29+$0x1680];
	v0 =	vadd.s32 v54, v0  }
0x3f: {  	v60 =	vld [tilespmem:s29+$0x1700];
	v0 =	vadd.s32 v55, v0  }
0x40: {  	v61 =	vld [tilespmem:s29+$0x1780];
	v0 =	vadd.s32 v56, v0  }
0x41: {  	v62 =	vld [tilespmem:s29+$0x1800];
	v0 =	vadd.s32 v57, v0  }
0x42: {  	v63 =	vld [tilespmem:s29+$0x1880];
	v0 =	vadd.s32 v58, v0  }
0x43: {  	v0 =	vadd.s32 v59, v0  }
0x44: {  	v0 =	vadd.s32 v60, v0  }
0x45: {  	v0 =	vadd.s32 v61, v0  }
0x46: {  	s30 =	simm.s32 $0x10;
	s3 =	simm.s32 $0x80;
	v0 =	vadd.s32 v62, v0  }
0x47: {  	s0 =	simm.s32 $0x1D00;
	s1 =	sand.u32 $0x70, s30;
	s31 =	sand.u32 $0x400, s3;
	v0 =	vadd.s32 v63, v0  }
0x48: {  	s4 =	simm.s32 $0x20;
	s2 =	sor.u32 s1, s31;
	s1 =	simm.s32 $0x1D00;
	[tilespmem:s0+$0x0] =	vst v0  }
.LBB2_3:
0x49: {  	p0 =	sne.s32 s4, $0xF0;
	v0 =	vld [tilespmem:s2+$0xD80]  }
0x4a: {  	v1 =	vld [tilespmem:s2+$0xD00]  }
0x4b: {  	v2 =	vld [tilespmem:s2+$0xE00]  }
0x4c: {  	v3 =	vld [tilespmem:s2+$0xE80]  }
0x4d: {  	v4 =	vld [tilespmem:s2+$0xF00]  }
0x4e: {  	v5 =	vld [tilespmem:s2+$0xF80]  }
0x4f: {  	v0 =	vadd.s32 v1, v0;
	v1 =	vld [tilespmem:s2+$0x1000]  }
0x50: {  	v0 =	vadd.s32 v2, v0;
	v2 =	vld [tilespmem:s2+$0x1080]  }
0x51: {  	v0 =	vadd.s32 v3, v0;
	v3 =	vld [tilespmem:s2+$0x1500]  }
0x52: {  	v0 =	vadd.s32 v4, v0;
	v4 =	vld [tilespmem:s2+$0x1580]  }
0x53: {  	v0 =	vadd.s32 v5, v0;
	v5 =	vld [tilespmem:s2+$0x1600]  }
0x54: {  	v0 =	vadd.s32 v1, v0;
	v1 =	vld [tilespmem:s2+$0x1680]  }
0x55: {  	v0 =	vadd.s32 v2, v0;
	v2 =	vld [tilespmem:s2+$0x1700]  }
0x56: {  	v0 =	vadd.s32 v3, v0;
	v3 =	vld [tilespmem:s2+$0x1780]  }
0x57: {  	v0 =	vadd.s32 v4, v0;
	v4 =	vld [tilespmem:s2+$0x1800]  }
0x58: {  	v0 =	vadd.s32 v5, v0;
	v5 =	vld [tilespmem:s2+$0x1880]  }
0x59: {  	v0 =	vadd.s32 v1, v0  }
.Ltmp1:
0x5a: {  	v0 =	vadd.s32 v2, v0;
	(pc) =	sbr.rel @p0 .LBB2_3-.Ltmp1, $4  }
0x5b: {  	v0 =	vadd.s32 v3, v0  }
0x5c: {  	s3 =	sadd.s32 $0x80, s3;
	v0 =	vadd.s32 v4, v0  }
0x5d: {  	s1 =	sadd.s32 $0x10, s1;
	s5 =	sand.u32 $0x400, s3;
	s2 =	sand.u32 $0x70, s4;
	v0 =	vadd.s32 v5, v0  }
0x5e: {  	s4 =	sadd.s32 $0x10, s4;
	s2 =	sor.u32 s2, s5;
	[tilespmem:s1+$0x0] =	vst v0  }
0x5f: {  	v0 =	vld [tilespmem:s2+$0xD80]  }
0x60: {  	v1 =	vld [tilespmem:s2+$0xD00]  }
0x61: {  	v2 =	vld [tilespmem:s2+$0xE00]  }
0x62: {  	v3 =	vld [tilespmem:s2+$0xE80]  }
0x63: {  	v4 =	vld [tilespmem:s2+$0xF00]  }
0x64: {  	v5 =	vld [tilespmem:s2+$0xF80]  }
0x65: {  	v0 =	vadd.s32 v1, v0;
	v1 =	vld [tilespmem:s2+$0x1000]  }
0x66: {  	v0 =	vadd.s32 v2, v0;
	v2 =	vld [tilespmem:s2+$0x1080]  }
0x67: {  	v0 =	vadd.s32 v3, v0;
	v3 =	vld [tilespmem:s2+$0x1500]  }
0x68: {  	v0 =	vadd.s32 v4, v0;
	v4 =	vld [tilespmem:s2+$0x1580]  }
0x69: {  	v0 =	vadd.s32 v5, v0;
	v5 =	vld [tilespmem:s2+$0x1600]  }
0x6a: {  	v0 =	vadd.s32 v1, v0;
	v1 =	vld [tilespmem:s2+$0x1680]  }
0x6b: {  	v0 =	vadd.s32 v2, v0;
	v2 =	vld [tilespmem:s2+$0x1700]  }
0x6c: {  	v0 =	vadd.s32 v3, v0;
	v3 =	vld [tilespmem:s2+$0x1780]  }
0x6d: {  	v0 =	vadd.s32 v4, v0;
	v4 =	vld [tilespmem:s2+$0x1800]  }
0x6e: {  	v0 =	vadd.s32 v5, v0;
	v5 =	vld [tilespmem:s2+$0x1880]  }
0x6f: {  	v0 =	vadd.s32 v1, v0  }
0x70: {  	v0 =	vadd.s32 v2, v0  }
0x71: {  	v0 =	vadd.s32 v3, v0  }
0x72: {  	v0 =	vadd.s32 v4, v0  }
0x73: {  	s1 =	sadd.s32 $0x10, s1;
	v0 =	vadd.s32 v5, v0  }
0x74: {  	[tilespmem:s1+$0x0] =	vst v0  }
0x75: {  	v2 =	vld [tilespmem:s0+$0x0];
	_ =	sdelay $0x4  }
0x76: {  	(xrf0) =	vadd.scan.msk.s32 $0xffff, v2;
	_ =	sdelay $0x3  }
0x77: {  	s11 =	simm.s32 $0x1D10  }
0x78: {  	v3 =	vld [tilespmem:s11+$0x0]  }
0x79: {  	v4, _, _ =	vpop (xrf0)  }
0x7a: {  	v0 =	vxor.u32 $0x80000000, v4  }
0x7b: {  	(xrf0) =	vmax.scan.msk.u32 $0xffff, v0;
	_ =	sdelay $0x1  }
0x7c: {  	(xrf0) =	vadd.scan.msk.s32 $0xffff, v3;
	_ =	sdelay $0x3  }
0x7d: {  	v0, _, _ =	vpop (xrf0)  }
0x7e: {  	(v2sf) =	vpush v0, $0xF  }
0x7f: {  	s12 =	simm.s32 $0x1D20;
	v7, _, _ =	vpop (xrf0)  }
0x80: {  	v6 =	vld [tilespmem:s12+$0x0];
	v0 =	vxor.u32 $0x80000000, v7  }
0x81: {  	(xrf0) =	vmax.scan.msk.u32 $0xffff, v0  }
0x82: {  	v0 =	vadd.s32 s8, v4  }
0x83: {  	v1 =	vimm.s32 $0x0;
	vm0 =	vgt.s32 v0, $0x1FFF  }
0x84: {  	v0 =	vsel vm0, $0x1, v1  }
0x85: {  	(xrf0) =	vadd.scan.msk.s32 $0xffff, v6;
	_ =	sdelay $0x1  }
0x86: {  	(xrf0) =	vadd.scan.msk.s32 $0xffff, v0;
	v0, _, _ =	vpop (xrf0)  }
0x87: {  	(v2sf) =	vpush v0, $0xF  }
0x88: {  	s13 =	simm.s32 $0x1D30  }
0x89: {  	v8 =	vld [tilespmem:s13+$0x0]  }
0x8a: {  	v9, _, _ =	vpop (xrf0)  }
0x8b: {  	v0 =	vxor.u32 $0x80000000, v9  }
0x8c: {  	s14 =	spop (v2sf)  }
0x8d: {  	(xrf0) =	vmax.scan.msk.u32 $0xffff, v0;
	s0 =	sadd.s32 $0x0, s14  }
0x8e: {  	(xrf0) =	vadd.scan.msk.s32 $0xffff, v8;
	v0, _, _ =	vpop (xrf0);
	s14 =	sadd.s32 $0x80000000, s0  }
0x8f: {  	(v2sf) =	vpush v0, $0xF;
	v0 =	vadd.s32 s14, v7  }
0x90: {  	vm9 =	vgt.s32 v0, $0x1FFF  }
0x91: {  	v0 =	vsel vm9, $0x1, v1  }
0x92: {  	(xrf0) =	vadd.scan.msk.s32 $0xffff, v0  }
0x93: {  	v5, _, _ =	vpop (xrf0)  }
0x94: {  	s15 =	simm.s32 $0x1D40;
	v11, _, _ =	vpop (xrf0)  }
0x95: {  	v10 =	vld [tilespmem:s15+$0x0];
	v0 =	vxor.u32 $0x80000000, v11  }
0x96: {  	(xrf0) =	vmax.scan.msk.u32 $0xffff, v0;
	s16 =	spop (v2sf)  }
0x97: {  	s0 =	sadd.s32 s16, s14  }
0x98: {  	(v2sf) =	vpush v5, $0xF;
	s12 =	sadd.s32 $0x80000000, s0;
	v0, _, _ =	vpop (xrf0)  }
0x99: {  	(v2sf) =	vpush v0, $0xF;
	v0 =	vadd.s32 s12, v9  }
0x9a: {  	(xrf0) =	vadd.scan.msk.s32 $0xffff, v10;
	_ =	sdelay $0x1  }
0x9b: {  	vm10 =	vgt.s32 v0, $0x1FFF;
	v0, _, _ =	vpop (xrf0)  }
0x9c: {  	(v2sf) =	vpush v0, $0xF  }
0x9d: {  	s17 =	spop (v2sf)  }
0x9e: {  	v5 =	vsel vm10, $0x1, v1;
	s19 =	ssub.s32 $0x10, s17  }
0x9f: {  	s20 =	simm.s32 $0x1D50;
	(xrf0) =	vadd.scan.msk.s32 $0xffff, v5;
	v5 =	vmov s19;
	v0 =	vlaneseq.u32;
	v12, _, _ =	vpop (xrf0)  }
0xa0: {  	v13 =	vld [tilespmem:s20+$0x0];
	v2 =	vsub.s32 v4, v2;
	vm11 =	veq.s32 v5, v0;
	v4 =	vxor.u32 $0x80000000, v12  }
0xa1: {  	v2 =	vnsel vm11, $0x0, v2;
	(xrf0) =	vmax.scan.msk.u32 $0xffff, v4  }
0xa2: {  	(xrf0) =	vadd.scan.msk.s32 $0xffff, v2;
	_ =	sdelay $0x2  }
0xa3: {  	(xrf0) =	vadd.scan.msk.s32 $0xffff, v13  }
0xa4: {  	s21 =	spop (v2sf);
	v2, _, _ =	vpop (xrf0)  }
0xa5: {  	s1 =	sadd.s32 s21, s12;
	(v2sf) =	vpush v2, $0xF;
	v2, _, _ =	vpop (xrf0)  }
0xa6: {  	s16 =	sadd.s32 $0x80000000, s1;
	(v2sf) =	vpush v2, $0xF;
	v2, _, _ =	vpop (xrf0)  }
0xa7: {  	(v2sf) =	vpush v2, $0xF;
	v2 =	vadd.s32 s16, v11;
	s22 =	spop (v2sf)  }
0xa8: {  	vm12 =	vgt.s32 v2, $0x1FFF;
	s3 =	ssub.s32 $0x10, s22  }
0xa9: {  	v5, _, _ =	vpop (xrf0);
	v4 =	vsel vm12, $0x1, v1;
	v14 =	vmov s3;
	s24 =	spop (v2sf)  }
0xaa: {  	s23 =	simm.s32 $0x1D60;
	v3 =	vsub.s32 v7, v3;
	(xrf0) =	vadd.scan.msk.s32 $0xffff, v4;
	v4 =	vxor.u32 $0x80000000, v5;
	vm13 =	veq.s32 v14, v0;
	s2 =	sadd.s32 s24, s16  }
0xab: {  	p2 =	sgt.s32 s17, $0x0;
	s0 =	ssub.s32 $0x10, s17;
	v2 =	vld [tilespmem:s23+$0x0];
	(xrf0) =	vmax.scan.msk.u32 $0xffff, v4;
	v3 =	vnsel vm13, $0x0, v3;
	s17 =	sadd.s32 $0x80000000, s2  }
0xac: {  	(xrf0) =	vadd.scan.msk.s32 $0xffff, v3;
	v3 =	vadd.s32 s17, v12  }
0xad: {  	vm14 =	vgt.s32 v3, $0x1FFF  }
0xae: {  	p0 =	por $0x0, $0x0;
	s18 =	simm.s32 $0x60;
	s10 =	simm.s32 $0x90;
	v3 =	vsel vm14, $0x1, v1  }
0xaf: {  	s7 =	simm.s32 $0x0;
	s9 =	simm.s32 $0xB0;
	p1 =	por !p0, !p0  }
0xb0: {  	s15 =	simm.s32 $0x70;
	s13 =	simm.s32 $0x80;
	p1 =	por !p2, !p1;
	(xrf0) =	vadd.scan.msk.s32 $0xffff, v2  }
0xb1: {  	s11 =	simm.s32 $0xA0;
	p0 =	por p0, p2;
	p1 =	por !p1, !p1;
	(xrf0) =	vadd.scan.msk.s32 $0xffff, v3;
	v3, _, _ =	vpop (xrf0)  }
0xb2: {  	s19 =	simm.s32 $0x50;
	p2 =	por !p0, !p0;
	s7 =	smov.u32 @p1 s0;
	(v2sf) =	vpush v3, $0xF  }
0xb3: {  	p4 =	por p1, p1;
	s21 =	simm.s32 $0x40;
	p3 =	sgt.s32 s22, $0x0  }
0xb4: {  	s1 =	simm.s32 $0xC0;
	p2 =	por !p3, !p2;
	p5 =	por p0, p3  }
0xb5: {  	s0 =	ssub.s32 $0x20, s22;
	p0 =	por !p2, !p2;
	p3 =	por !p5, !p5;
	v4, _, _ =	vpop (xrf0)  }
0xb6: {  	p2 =	por p4, p4;
	s7 =	smov.u32 @p0 s0;
	s25 =	spop (v2sf);
	v63, _, _ =	vpop (xrf0)  }
0xb7: {  	v7 =	vsub.s32 v11, v8;
	v9 =	vsub.s32 v9, v6;
	p0 =	por p0, p0;
	s26 =	ssub.s32 $0x10, s25;
	p6 =	sgt.s32 s25, $0x0;
	(v2sf) =	vpush v4, $0xF;
	v8, _, _ =	vpop (xrf0)  }
0xb8: {  	v6 =	vsub.s32 v12, v10;
	s0 =	simm.s32 $0x1D70;
	p1 =	por p5, p6;
	v3 =	vmov s26;
	s29 =	spop (v2sf);
	(v2sf) =	vpush v63, $0xF;
	v10, _, _ =	vpop (xrf0)  }
0xb9: {  	s2 =	ssub.s32 $0x30, s25;
	p3 =	por !p6, !p3;
	p4 =	por !p1, !p1;
	vm15 =	veq.s32 v3, v0;
	v4 =	vld [tilespmem:s0+$0x0];
	v3 =	vxor.u32 $0x80000000, v8;
	(v2sf) =	vpush v10, $0xF  }
0xba: {  	p3 =	por !p3, !p3;
	s30 =	sadd.s32 s29, s17;
	s31 =	spop (v2sf);
	v9 =	vnsel vm15, $0x0, v9;
	(xrf0) =	vmax.scan.msk.u32 $0xffff, v3  }
0xbb: {  	s7 =	smov.u32 @p3 s2;
	s20 =	sadd.s32 $0x80000000, s30;
	s28 =	sadd.s32 $0x0, s31;
	v2 =	vsub.s32 v8, v2;
	v3 =	vsub.s32 v5, v13;
	(xrf0) =	vadd.scan.msk.s32 $0xffff, v9  }
.LBB2_5:
0xbc: {  	p5 =	sne.s32 s1, $0x100;
	s8 =	smov.u32 @p2 s28  }
0xbd: {  	s2 =	smov.u32 s10;
	s10 =	smov.u32 s11;
	s11 =	smov.u32 s9  }
0xbe: {  	(xrf0) =	vadd.scan.msk.s32 $0xffff, v4;
	v9 =	vadd.s32 s20, v5;
	v10 =	vmov v4;
	v5 =	vmov v8;
	s9 =	smov.u32 s1;
	p2 =	por p0, p0;
	p0 =	por p3, p3  }
0xbf: {  	s3 =	smov.u32 s14;
	s14 =	smov.u32 s12;
	s12 =	smov.u32 s16;
	vm0 =	vgt.s32 v9, $0x1FFF  }
0xc0: {  	s16 =	smov.u32 s17;
	s17 =	smov.u32 s20;
	v9 =	vsel vm0, $0x1, v1  }
0xc1: {  	v8, _, _ =	vpop (xrf0);
	(xrf0) =	vadd.scan.msk.s32 $0xffff, v9;
	s4 =	spop (v2sf)  }
0xc2: {  	(v2sf) =	vpush v8, $0xF;
	s5 =	ssub.s32 $0x10, s4;
	p3 =	sgt.s32 s4, $0x0;
	s4 =	ssub.s32 s21, s4;
	v4, _, _ =	vpop (xrf0)  }
0xc3: {  	s0 =	sadd.s32 $0x10, s0;
	p6 =	por !p3, !p4;
	v9 =	vmov s5;
	p1 =	por p1, p3;
	(v2sf) =	vpush v4, $0xF  }
.Ltmp2:
0xc4: {  	v4 =	vld [tilespmem:s0+$0x0];
	v8, _, _ =	vpop (xrf0);
	p4 =	por !p1, !p1;
	p3 =	por !p6, !p6;
	vm0 =	veq.s32 v9, v0;
	(pc) =	sbr.rel @p5 .LBB2_5-.Ltmp2, $4  }
0xc5: {  	s21 =	smov.u32 s19;
	s19 =	smov.u32 s18;
	v12 =	vxor.u32 $0x80000000, v8;
	v10 =	vsub.s32 v8, v10;
	v11 =	vnsel vm0, $0x0, v7;
	s7 =	smov.u32 @p3 s4;
	v7 =	vmovc v6;
	v6 =	vmovc v3  }
0xc6: {  	s18 =	smov.u32 s15;
	s15 =	smov.u32 s13;
	v3 =	vmov v2;
	(xrf0) =	vmax.scan.msk.u32 $0xffff, v12;
	s4 =	spop (v2sf);
	v2 =	vmov v10  }
0xc7: {  	s13 =	smov.u32 s2;
	s4 =	sadd.s32 s4, s20;
	v9, _, _ =	vpop (xrf0);
	(xrf0) =	vadd.scan.msk.s32 $0xffff, v11;
	s5 =	spop (v2sf)  }
0xc8: {  	s1 =	sadd.s32 $0x10, s1;
	s20 =	sadd.s32 $0x80000000, s4;
	(v2sf) =	vpush v9, $0xF;
	s28 =	sadd.s32 s3, s5  }
0xc9: {  	(xrf0) =	vadd.scan.msk.s32 $0xffff, v4;
	_ =	sdelay $0x3  }
0xca: {  	v5 =	vadd.s32 s20, v5;
	s29 =	spop (v2sf);
	s0 =	sadd.s32 $0x10, s0;
	v9, _, _ =	vpop (xrf0)  }
0xcb: {  	vm0 =	vgt.s32 v5, $0x1FFF;
	s1 =	ssub.s32 $0x10, s29;
	v36 =	vld [tilespmem:s0+$0x0];
	(v2sf) =	vpush v9, $0xF;
	v35, _, _ =	vpop (xrf0)  }
0xcc: {  	v10 =	vsel vm0, $0x1, v1;
	v11 =	vmov s1;
	v12, _, _ =	vpop (xrf0)  }
0xcd: {  	vm15 =	veq.s32 v11, v0;
	(xrf0) =	vadd.scan.msk.s32 $0xffff, v10;
	v37 =	vxor.u32 $0x80000000, v12  }
0xce: {  	v7 =	vnsel vm15, $0x0, v7;
	(xrf0) =	vmax.scan.msk.u32 $0xffff, v37  }
0xcf: {  	(xrf0) =	vadd.scan.msk.s32 $0xffff, v7  }
0xd0: {  	(xrf0) =	vadd.scan.msk.s32 $0xffff, v36  }
0xd1: {  	s22 =	spop (v2sf)  }
0xd2: {  	s1 =	sadd.s32 s22, s20  }
0xd3: {  	s5 =	spop (v2sf);
	s22 =	sadd.s32 $0x80000000, s1;
	v38, _, _ =	vpop (xrf0)  }
0xd4: {  	s0 =	sadd.s32 $0x10, s0;
	v39 =	vadd.s32 s22, v8;
	v40, _, _ =	vpop (xrf0);
	s2 =	spop (v2sf)  }
0xd5: {  	v42 =	vld [tilespmem:s0+$0x0];
	vm4 =	vgt.s32 v39, $0x1FFF;
	s23 =	ssub.s32 $0x10, s2;
	v41, _, _ =	vpop (xrf0)  }
0xd6: {  	v13 =	vsel vm4, $0x1, v1;
	v14 =	vmov s23;
	v15, _, _ =	vpop (xrf0)  }
0xd7: {  	(xrf0) =	vadd.scan.msk.s32 $0xffff, v13;
	vm5 =	veq.s32 v14, v0;
	v43 =	vxor.u32 $0x80000000, v15  }
0xd8: {  	v6 =	vnsel vm5, $0x0, v6;
	(xrf0) =	vmax.scan.msk.u32 $0xffff, v43  }
0xd9: {  	(xrf0) =	vadd.scan.msk.s32 $0xffff, v6  }
0xda: {  	s24 =	spop (v2sf);
	(xrf0) =	vadd.scan.msk.s32 $0xffff, v42  }
0xdb: {  	s1 =	sadd.s32 s24, s22  }
0xdc: {  	s23 =	sadd.s32 $0x80000000, s1  }
0xdd: {  	(v2sf) =	vpush v35, $0xF;
	v44, _, _ =	vpop (xrf0);
	v45 =	vadd.s32 s23, v12  }
0xde: {  	(v2sf) =	vpush v38, $0xF;
	vm6 =	vgt.s32 v45, $0x1FFF;
	v46, _, _ =	vpop (xrf0)  }
0xdf: {  	v47 =	vsel vm6, $0x1, v1;
	v48, _, _ =	vpop (xrf0)  }
0xe0: {  	(xrf0) =	vadd.scan.msk.s32 $0xffff, v47;
	v49, _, _ =	vpop (xrf0)  }
0xe1: {  	v50 =	vxor.u32 $0x80000000, v49  }
0xe2: {  	(v2sf) =	vpush v40, $0xF;
	(xrf0) =	vmax.scan.msk.u32 $0xffff, v50  }
0xe3: {  	(v2sf) =	vpush v41, $0xF  }
0xe4: {  	(v2sf) =	vpush v44, $0xF  }
0xe5: {  	(v2sf) =	vpush v46, $0xF  }
0xe6: {  	(v2sf) =	vpush v48, $0xF;
	v51, _, _ =	vpop (xrf0)  }
0xe7: {  	(v2sf) =	vpush v51, $0xF  }
0xe8: {  	v52, _, _ =	vpop (xrf0)  }
0xe9: {  	(v2sf) =	vpush v52, $0xF;
	_ =	sdelay $0x2  }
0xea: {  	s30 =	spop (v2sf)  }
0xeb: {  	s0 =	sadd.s32 $0x10, s0;
	s1 =	spop (v2sf)  }
0xec: {  	v53 =	vld [tilespmem:s0+$0x0];
	s3 =	ssub.s32 $0x10, s1  }
0xed: {  	v54 =	vmov s3  }
0xee: {  	vm7 =	veq.s32 v54, v0  }
0xef: {  	s25 =	spop (v2sf);
	v3 =	vnsel vm7, $0x0, v3  }
0xf0: {  	s3 =	spop (v2sf);
	(xrf0) =	vadd.scan.msk.s32 $0xffff, v3  }
0xf1: {  	s0 =	sadd.s32 s25, s23;
	(xrf0) =	vadd.scan.msk.s32 $0xffff, v53;
	s31 =	spop (v2sf)  }
0xf2: {  	s24 =	sadd.s32 $0x80000000, s0;
	s6 =	spop (v2sf)  }
0xf3: {  	v3 =	vadd.s32 s24, v15;
	s4 =	spop (v2sf)  }
0xf4: {  	s0 =	spop (v2sf)  }
0xf5: {  	s25 =	ssub.s32 $0x10, s31;
	s6 =	sadd.s32 s6, s24;
	s26 =	ssub.s32 $0x10, s0  }
0xf6: {  	vm8 =	vgt.s32 v3, $0x1FFF;
	v55 =	vmov s25;
	v3, _, _ =	vpop (xrf0);
	s25 =	sadd.s32 $0x80000000, s6;
	v56 =	vmov s26;
	s26 =	spop (v2sf)  }
0xf7: {  	v61 =	vsub.s32 v12, v4;
	v57 =	vsel vm8, $0x1, v1;
	v58, _, _ =	vpop (xrf0);
	s6 =	sadd.s32 s26, s25  }
0xf8: {  	(xrf0) =	vadd.scan.msk.s32 $0xffff, v57;
	vm9 =	veq.s32 v55, v0;
	v59 =	vxor.u32 $0x80000000, v58;
	v60 =	vadd.s32 s25, v49;
	s26 =	sadd.s32 $0x80000000, s6  }
0xf9: {  	v2 =	vnsel vm9, $0x0, v2;
	(xrf0) =	vmax.scan.msk.u32 $0xffff, v59;
	vm10 =	vgt.s32 v60, $0x1FFF;
	v62 =	vadd.s32 s26, v58  }
0xfa: {  	(xrf0) =	vadd.scan.msk.s32 $0xffff, v2;
	v2 =	vsel vm10, $0x1, v1;
	vm11 =	veq.s32 v56, v0;
	vm12 =	vgt.s32 v62, $0x1FFF  }
0xfb: {  	(xrf0) =	vadd.scan.msk.s32 $0xffff, v2;
	v2 =	vnsel vm11, $0x0, v61;
	v1 =	vsel vm12, $0x1, v1  }
0xfc: {  	(xrf0) =	vadd.scan.msk.s32 $0xffff, v2  }
0xfd: {  	(xrf0) =	vadd.scan.msk.s32 $0xffff, v1  }
0xfe: {  	(v2sf) =	vpush v3, $0xF;
	v1, _, _ =	vpop (xrf0)  }
0xff: {  	v2, _, _ =	vpop (xrf0);
	(v2sf) =	vpush v1, $0xF  }
0x100: {  	v1, _, _ =	vpop (xrf0);
	(v2sf) =	vpush v2, $0xF  }
0x101: {  	(v2sf) =	vpush v1, $0xF;
	v1, _, _ =	vpop (xrf0)  }
0x102: {  	(v2sf) =	vpush v1, $0xF;
	v1, _, _ =	vpop (xrf0)  }
0x103: {  	(v2sf) =	vpush v1, $0xF;
	v1, _, _ =	vpop (xrf0)  }
0x104: {  	(v2sf) =	vpush v1, $0xF;
	_ =	sdelay $0x7  }
0x105: {  	s8 =	smov.u32 @p2 s28;
	p0 =	por p0, p0  }
0x106: {  	p3 =	por p3, p3;
	p5 =	sgt.s32 s29, $0x0;
	s28 =	spop (v2sf)  }
0x107: {  	p6 =	por !p5, !p4;
	s6 =	ssub.s32 s21, s29;
	s21 =	spop (v2sf)  }
0x108: {  	p5 =	por p1, p5;
	s5 =	sadd.s32 s14, s5;
	s14 =	spop (v2sf)  }
0x109: {  	p2 =	por !p6, !p6;
	p1 =	por !p5, !p5;
	s14 =	spop (v2sf)  }
0x10a: {  	s8 =	smov.u32 @p0 s5;
	s7 =	smov.u32 @p2 s6;
	s6 =	spop (v2sf)  }
0x10b: {  	p4 =	sgt.s32 s2, $0x0;
	s29 =	ssub.s32 $0x10, s21;
	s5 =	spop (v2sf)  }
0x10c: {  	s19 =	ssub.s32 s19, s2;
	v63 =	vsub.s32 v49, v42;
	v1 =	vmov s29;
	s29 =	ssub.s32 $0x10, s6;
	s2 =	spop (v2sf)  }
0x10d: {  	p3 =	por p3, p3;
	p1 =	por !p4, !p1;
	v2 =	vsub.s32 v15, v36;
	vm13 =	veq.s32 v1, v0;
	v1 =	vmov s29;
	s29 =	ssub.s32 $0x10, s2  }
0x10e: {  	p0 =	por p5, p4;
	p1 =	por !p1, !p1;
	s12 =	sadd.s32 s12, s30;
	v2 =	vnsel vm13, $0x0, v2;
	vm14 =	veq.s32 v1, v0;
	v3 =	vmov s29  }
0x10f: {  	p4 =	por !p0, !p0;
	s8 =	smov.u32 @p3 s12;
	p6 =	sgt.s32 s1, $0x0;
	(xrf0) =	vadd.scan.msk.s32 $0xffff, v2;
	v1 =	vsub.s32 v58, v53;
	v2 =	vnsel vm14, $0x0, v63;
	vm15 =	veq.s32 v3, v0  }
0x110: {  	s1 =	ssub.s32 s18, s1;
	p4 =	por !p6, !p4;
	p2 =	por p2, p2;
	(xrf0) =	vadd.scan.msk.s32 $0xffff, v2;
	v0 =	vnsel vm15, $0x0, v1  }
0x111: {  	s3 =	sadd.s32 s16, s3;
	s7 =	smov.u32 @p1 s19;
	p5 =	por p2, p2;
	(xrf0) =	vadd.scan.msk.s32 $0xffff, v0  }
0x112: {  	p2 =	por p0, p6;
	p0 =	por !p4, !p4;
	p4 =	sgt.s32 s31, $0x0  }
0x113: {  	p6 =	por p1, p1;
	p3 =	por !p2, !p2;
	s7 =	smov.u32 @p0 s1  }
0x114: {  	s8 =	smov.u32 @p5 s3;
	s1 =	ssub.s32 s15, s31;
	p2 =	por p2, p4  }
0x115: {  	p5 =	sgt.s32 s0, $0x0;
	s0 =	ssub.s32 s13, s0;
	p0 =	por p0, p0;
	v0, _, _ =	vpop (xrf0)  }
0x116: {  	p3 =	por !p4, !p3;
	p4 =	por !p2, !p2;
	p0 =	por p0, p0;
	(v2sf) =	vpush v0, $0xF;
	v0, _, _ =	vpop (xrf0)  }
0x117: {  	p2 =	por p2, p5;
	p1 =	por !p3, !p3;
	p3 =	por p6, p6;
	(v2sf) =	vpush v0, $0xF;
	v0, _, _ =	vpop (xrf0)  }
0x118: {  	p4 =	por !p5, !p4;
	s7 =	smov.u32 @p1 s1;
	s1 =	sadd.s32 s17, s4;
	(v2sf) =	vpush v0, $0xF  }
0x119: {  	p6 =	por !p2, !p2;
	s8 =	smov.u32 @p3 s1;
	p3 =	por !p4, !p4;
	v0 =	vimm.s32 $0x0  }
0x11a: {  	p1 =	por p1, p1;
	s1 =	sadd.s32 s20, s28;
	s7 =	smov.u32 @p3 s0;
	[tilespmem:$0xC00] =	vst v0  }
0x11b: {  	s8 =	smov.u32 @p0 s1;
	p0 =	por p3, p3;
	p3 =	sgt.s32 s21, $0x0;
	[tilespmem:$0xC10] =	vst v0  }
0x11c: {  	p5 =	por p1, p1;
	p0 =	por p0, p0;
	p4 =	por !p3, !p6;
	[tilespmem:$0xC20] =	vst v0  }
0x11d: {  	s0 =	ssub.s32 s10, s21;
	p1 =	por p2, p3;
	p3 =	por !p4, !p4;
	[tilespmem:$0xC30] =	vst v0  }
0x11e: {  	p2 =	por !p1, !p1;
	s1 =	sadd.s32 s22, s14;
	s7 =	smov.u32 @p3 s0;
	[tilespmem:$0xC40] =	vst v0  }
0x11f: {  	s8 =	smov.u32 @p5 s1;
	p6 =	sgt.s32 s6, $0x0;
	p3 =	por p3, p3;
	[tilespmem:$0xC50] =	vst v0  }
0x120: {  	s0 =	ssub.s32 s11, s6;
	p2 =	por !p6, !p2;
	p1 =	por p1, p6;
	[tilespmem:$0xC60] =	vst v0  }
0x121: {  	p3 =	por p3, p3;
	p2 =	por !p2, !p2;
	p1 =	por !p1, !p1;
	[tilespmem:$0xC70] =	vst v0  }
0x122: {  	p5 =	sgt.s32 s2, $0x0;
	s7 =	smov.u32 @p2 s0;
	s0 =	sadd.s32 s23, s5;
	[tilespmem:$0xC80] =	vst v0  }
0x123: {  	s1 =	ssub.s32 s9, s2;
	s8 =	smov.u32 @p0 s0;
	p0 =	por !p5, !p1;
	[tilespmem:$0xC90] =	vst v0  }
0x124: {  	s2 =	simm.s32 $0x0;
	p2 =	por p2, p2;
	p0 =	por !p0, !p0;
	[tilespmem:$0xCA0] =	vst v0  }
0x125: {  	p1 =	por p2, p2;
	p6 =	por p0, p0;
	[tilespmem:$0xCB0] =	vst v0;
	s29 =	spop (v2sf)  }
0x126: {  	s7 =	smov.u32 @p0 s1;
	[tilespmem:$0xCC0] =	vst v0;
	s0 =	sadd.s32 s24, s29;
	s30 =	spop (v2sf)  }
0x127: {  	[tilespmem:$0xCD0] =	vst v0;
	s8 =	smov.u32 @p3 s0;
	s0 =	sadd.s32 s25, s30;
	s31 =	spop (v2sf)  }
0x128: {  	[tilespmem:$0xCE0] =	vst v0;
	s8 =	smov.u32 @p1 s0;
	p1 =	por p6, p6;
	s0 =	sadd.s32 s26, s31  }
0x129: {  	s1 =	simm.s32 $0x40;
	v1 =	vmov s7;
	[tilespmem:$0xCF0] =	vst v0;
	v0 =	vimm.s32 $0x1;
	s8 =	smov.u32 @p1 s0;
	s0 =	simm.s32 $0xC00  }
.LBB2_7:
0x12a: {  	p0 =	sne.s32 s1, $0xFC0;
	v2 =	vld [tilespmem:s2+$0x0];
	_ =	sdelay $0x4  }
0x12b: {  	v3 =	vshra.s32 v2, $0x16  }
0x12c: {  	v2 =	vshrl.u32 v2, $0xE;
	vm0 =	veq.s32 v3, v1  }
0x12d: {  	v2 =	vand.u32 $0xFF, v2  }
.Ltmp3:
0x12e: {  	(pc) =	sbr.rel @p0 .LBB2_7-.Ltmp3, $2  }
0x12f: {  	_ =	sdelay $0x2  }
0x130: {  	s2 =	sshra.s32 s1, $0x2;
	s1 =	sadd.s32 $0x40, s1;
	[tilespmem:v2+s0+$0x0] =	vst.idx.add.s32.msk vm0, v0  }
0x131: {  	v2 =	vld [tilespmem:s2+$0x0];
	_ =	sdelay $0x4  }
0x132: {  	v3 =	vshra.s32 v2, $0x16  }
0x133: {  	v49 =	vshrl.u32 v2, $0xE;
	vm0 =	veq.s32 v3, v1  }
0x134: {  	v1 =	vand.u32 $0xFF, v49;
	_ =	sdelay $0x1  }
0x135: {  	s1 =	rddreg [dreg:$0x4]  }
0x136: {  	s23 =	rddreg [dreg:$0x7]  }
0x137: {  	s24 =	simm.s32 $0x80;
	s3 =	simm.s32 $0x400;
	s1 =	sadd.s32 $0x1000, s1  }
0x138: {  	s4 =	simm.s32 $0xC00;
	s25 =	simm.s32 $0x1;
	s2 =	sadd.s32 s23, s1;
	[tilespmem:v1+s0+$0x0] =	vst.idx.add.s32.msk vm0, v0  }
0x139: {  	[spmem:s2] =	stream.strided.scatter [tilespmem:s4], [sflag:$0x1], $0x100, s3, s24, $0x38;
	[tilespmem:$0x2A90] =	vst v63  }
0x13a: {  	_ =	swait.ge [sflag:s25], $0x100  }
0x13b: {  	[sflag:s25] =	ssyncset.done $0x0  }
0x13c: {  	[sflag:s25] =	ssyncadd.s32 $0xFFFFFF00  }
0x13d: {  	s26 =	simm.s32 $0xD00;
	[bflag:$0x0] =	sbarrier.arrive $0xFFFF  }
0x13e: {  	[tilespmem:s26], [sflag:$0x1] =	stream.linear.gather [spmem:s1], $0x1000, $0x38;
	[tilespmem:$0x2A90] =	vst v63  }
0x13f: {  	s28 =	simm.s32 $0x0;
	_ =	swait.ge [sflag:s25], $0x1000  }
0x140: {  	s29 =	sand.u32 $0x70, s28;
	s0 =	sand.u32 $0x400, s28;
	[sflag:s25] =	ssyncset.done $0x0  }
0x141: {  	s0 =	sor.u32 s29, s0;
	[sflag:s25] =	ssyncadd.s32 $0xFFFFF000  }
0x142: {  	v50 =	vld [tilespmem:s0+$0xD80]  }
0x143: {  	v51 =	vld [tilespmem:s0+$0xD00]  }
0x144: {  	v52 =	vld [tilespmem:s0+$0xE00]  }
0x145: {  	v53 =	vld [tilespmem:s0+$0xE80]  }
0x146: {  	v4 =	vld [tilespmem:s0+$0xF00]  }
0x147: {  	v5 =	vld [tilespmem:s0+$0xF80]  }
0x148: {  	v54 =	vld [tilespmem:s0+$0x1000];
	v0 =	vadd.s32 v51, v50  }
0x149: {  	v55 =	vld [tilespmem:s0+$0x1080];
	v0 =	vadd.s32 v52, v0  }
0x14a: {  	v56 =	vld [tilespmem:s0+$0x1500];
	v0 =	vadd.s32 v53, v0  }
0x14b: {  	v57 =	vld [tilespmem:s0+$0x1580];
	v0 =	vadd.s32 v4, v0  }
0x14c: {  	v58 =	vld [tilespmem:s0+$0x1600];
	v0 =	vadd.s32 v5, v0  }
0x14d: {  	v59 =	vld [tilespmem:s0+$0x1680];
	v0 =	vadd.s32 v54, v0  }
0x14e: {  	v60 =	vld [tilespmem:s0+$0x1700];
	v0 =	vadd.s32 v55, v0  }
0x14f: {  	v61 =	vld [tilespmem:s0+$0x1780];
	v0 =	vadd.s32 v56, v0  }
0x150: {  	v62 =	vld [tilespmem:s0+$0x1800];
	v0 =	vadd.s32 v57, v0  }
0x151: {  	v63 =	vld [tilespmem:s0+$0x1880];
	v0 =	vadd.s32 v58, v0  }
0x152: {  	v0 =	vadd.s32 v59, v0  }
0x153: {  	v0 =	vadd.s32 v60, v0  }
0x154: {  	v0 =	vadd.s32 v61, v0  }
0x155: {  	s30 =	simm.s32 $0x10;
	s1 =	simm.s32 $0x80;
	v0 =	vadd.s32 v62, v0  }
0x156: {  	s9 =	simm.s32 $0x1D00;
	s31 =	sand.u32 $0x400, s1;
	s0 =	sand.u32 $0x70, s30;
	v0 =	vadd.s32 v63, v0  }
0x157: {  	s2 =	simm.s32 $0x20;
	s0 =	sor.u32 s0, s31;
	[tilespmem:s9+$0x0] =	vst v0  }
.LBB2_9:
0x158: {  	p0 =	seq.s32 s2, $0xF0;
	v0 =	vld [tilespmem:s0+$0xD80]  }
0x159: {  	v1 =	vld [tilespmem:s0+$0xD00]  }
0x15a: {  	v2 =	vld [tilespmem:s0+$0xE00]  }
0x15b: {  	v3 =	vld [tilespmem:s0+$0xE80]  }
0x15c: {  	v4 =	vld [tilespmem:s0+$0xF00]  }
0x15d: {  	v5 =	vld [tilespmem:s0+$0xF80]  }
0x15e: {  	v0 =	vadd.s32 v1, v0;
	v1 =	vld [tilespmem:s0+$0x1000]  }
0x15f: {  	v0 =	vadd.s32 v2, v0;
	v2 =	vld [tilespmem:s0+$0x1080]  }
0x160: {  	v0 =	vadd.s32 v3, v0;
	v3 =	vld [tilespmem:s0+$0x1500]  }
0x161: {  	v0 =	vadd.s32 v4, v0;
	v4 =	vld [tilespmem:s0+$0x1580]  }
0x162: {  	v0 =	vadd.s32 v5, v0;
	v5 =	vld [tilespmem:s0+$0x1600]  }
0x163: {  	v0 =	vadd.s32 v1, v0;
	v1 =	vld [tilespmem:s0+$0x1680]  }
0x164: {  	v0 =	vadd.s32 v2, v0;
	v2 =	vld [tilespmem:s0+$0x1700]  }
0x165: {  	v0 =	vadd.s32 v3, v0;
	v3 =	vld [tilespmem:s0+$0x1780]  }
0x166: {  	v0 =	vadd.s32 v4, v0;
	v4 =	vld [tilespmem:s0+$0x1800]  }
0x167: {  	v0 =	vadd.s32 v5, v0;
	v5 =	vld [tilespmem:s0+$0x1880]  }
0x168: {  	v0 =	vadd.s32 v1, v0  }
.Ltmp4:
0x169: {  	v0 =	vadd.s32 v2, v0;
	(pc) =	sbr.rel @!p0 .LBB2_9-.Ltmp4, $4  }
0x16a: {  	v0 =	vadd.s32 v3, v0  }
0x16b: {  	s1 =	sadd.s32 $0x80, s1;
	v0 =	vadd.s32 v4, v0  }
0x16c: {  	s9 =	sadd.s32 $0x10, s9;
	s3 =	sand.u32 $0x400, s1;
	s0 =	sand.u32 $0x70, s2;
	v0 =	vadd.s32 v5, v0  }
0x16d: {  	s2 =	sadd.s32 $0x10, s2;
	s0 =	sor.u32 s0, s3;
	[tilespmem:s9+$0x0] =	vst v0  }
0x16e: {  	v0 =	vld [tilespmem:s0+$0xD80]  }
0x16f: {  	v1 =	vld [tilespmem:s0+$0xD00]  }
0x170: {  	v2 =	vld [tilespmem:s0+$0xE00]  }
0x171: {  	v3 =	vld [tilespmem:s0+$0xE80]  }
0x172: {  	v4 =	vld [tilespmem:s0+$0xF00]  }
0x173: {  	v5 =	vld [tilespmem:s0+$0xF80]  }
0x174: {  	v0 =	vadd.s32 v1, v0;
	v1 =	vld [tilespmem:s0+$0x1000]  }
0x175: {  	v0 =	vadd.s32 v2, v0;
	v2 =	vld [tilespmem:s0+$0x1080]  }
0x176: {  	v0 =	vadd.s32 v3, v0;
	v3 =	vld [tilespmem:s0+$0x1500]  }
0x177: {  	v0 =	vadd.s32 v4, v0;
	v4 =	vld [tilespmem:s0+$0x1580]  }
0x178: {  	v0 =	vadd.s32 v5, v0;
	v5 =	vld [tilespmem:s0+$0x1600]  }
0x179: {  	v0 =	vadd.s32 v1, v0;
	v1 =	vld [tilespmem:s0+$0x1680]  }
0x17a: {  	v0 =	vadd.s32 v2, v0;
	v2 =	vld [tilespmem:s0+$0x1700]  }
0x17b: {  	v0 =	vadd.s32 v3, v0;
	v3 =	vld [tilespmem:s0+$0x1780]  }
0x17c: {  	v0 =	vadd.s32 v4, v0;
	v4 =	vld [tilespmem:s0+$0x1800]  }
0x17d: {  	v0 =	vadd.s32 v5, v0;
	v5 =	vld [tilespmem:s0+$0x1880]  }
0x17e: {  	v0 =	vadd.s32 v1, v0  }
0x17f: {  	v0 =	vadd.s32 v2, v0  }
0x180: {  	v0 =	vadd.s32 v3, v0  }
0x181: {  	v0 =	vadd.s32 v4, v0  }
0x182: {  	s10 =	sadd.s32 $0x10, s9;
	v0 =	vadd.s32 v5, v0  }
0x183: {  	s12 =	simm.s32 $0x1D00;
	[tilespmem:s10+$0x0] =	vst v0  }
0x184: {  	v3 =	vld [tilespmem:s12+$0x0];
	_ =	sdelay $0x4  }
0x185: {  	(xrf0) =	vadd.scan.msk.s32 $0xffff, v3;
	_ =	sdelay $0x3  }
0x186: {  	s13 =	simm.s32 $0x1D10  }
0x187: {  	v4 =	vld [tilespmem:s13+$0x0]  }
0x188: {  	v5, _, _ =	vpop (xrf0)  }
0x189: {  	v6 =	vxor.u32 $0x80000000, v5  }
0x18a: {  	(xrf0) =	vmax.scan.msk.u32 $0xffff, v6;
	_ =	sdelay $0x1  }
0x18b: {  	(xrf0) =	vadd.scan.msk.s32 $0xffff, v4;
	_ =	sdelay $0x3  }
0x18c: {  	v6, _, _ =	vpop (xrf0)  }
0x18d: {  	(v2sf) =	vpush v6, $0xF  }
0x18e: {  	s14 =	simm.s32 $0x1D20;
	v8, _, _ =	vpop (xrf0)  }
0x18f: {  	v7 =	vld [tilespmem:s14+$0x0];
	v6 =	vxor.u32 $0x80000000, v8  }
0x190: {  	s11 =	ssub.s32 $0x2000, s8;
	s9 =	simm.s32 $0x0;
	(xrf0) =	vmax.scan.msk.u32 $0xffff, v6  }
0x191: {  	v1 =	vmov s11;
	v6 =	vadd.s32 s9, v5  }
0x192: {  	v2 =	vimm.s32 $0x0;
	vm0 =	vge.s32 v6, v1  }
0x193: {  	v6 =	vsel vm0, $0x1, v2  }
0x194: {  	(xrf0) =	vadd.scan.msk.s32 $0xffff, v7;
	_ =	sdelay $0x1  }
0x195: {  	(xrf0) =	vadd.scan.msk.s32 $0xffff, v6;
	v6, _, _ =	vpop (xrf0)  }
0x196: {  	(v2sf) =	vpush v6, $0xF  }
0x197: {  	s15 =	simm.s32 $0x1D30  }
0x198: {  	v9 =	vld [tilespmem:s15+$0x0]  }
0x199: {  	v10, _, _ =	vpop (xrf0)  }
0x19a: {  	v6 =	vxor.u32 $0x80000000, v10  }
0x19b: {  	s16 =	spop (v2sf)  }
0x19c: {  	(xrf0) =	vmax.scan.msk.u32 $0xffff, v6;
	s0 =	sadd.s32 $0x0, s16  }
0x19d: {  	(xrf0) =	vadd.scan.msk.s32 $0xffff, v9;
	v6, _, _ =	vpop (xrf0);
	s16 =	sadd.s32 $0x80000000, s0  }
0x19e: {  	(v2sf) =	vpush v6, $0xF;
	v6 =	vadd.s32 s16, v8  }
0x19f: {  	vm9 =	vge.s32 v6, v1  }
0x1a0: {  	v6 =	vsel vm9, $0x1, v2  }
0x1a1: {  	(xrf0) =	vadd.scan.msk.s32 $0xffff, v6  }
0x1a2: {  	v11, _, _ =	vpop (xrf0)  }
0x1a3: {  	s17 =	simm.s32 $0x1D40;
	v13, _, _ =	vpop (xrf0)  }
0x1a4: {  	v12 =	vld [tilespmem:s17+$0x0];
	v6 =	vxor.u32 $0x80000000, v13  }
0x1a5: {  	(xrf0) =	vmax.scan.msk.u32 $0xffff, v6;
	s18 =	spop (v2sf)  }
0x1a6: {  	s0 =	sadd.s32 s18, s16  }
0x1a7: {  	(v2sf) =	vpush v11, $0xF;
	s14 =	sadd.s32 $0x80000000, s0;
	v6, _, _ =	vpop (xrf0)  }
0x1a8: {  	(v2sf) =	vpush v6, $0xF;
	v6 =	vadd.s32 s14, v10  }
0x1a9: {  	(xrf0) =	vadd.scan.msk.s32 $0xffff, v12;
	_ =	sdelay $0x1  }
0x1aa: {  	vm10 =	vge.s32 v6, v1;
	v6, _, _ =	vpop (xrf0)  }
0x1ab: {  	v11 =	vsel vm10, $0x1, v2;
	(v2sf) =	vpush v6, $0xF  }
0x1ac: {  	s19 =	spop (v2sf)  }
0x1ad: {  	s1 =	ssub.s32 $0x10, s19  }
0x1ae: {  	s20 =	simm.s32 $0x1D50;
	v0 =	vlaneseq.u32;
	(xrf0) =	vadd.scan.msk.s32 $0xffff, v11;
	v6 =	vmov s1;
	v11, _, _ =	vpop (xrf0)  }
0x1af: {  	v14 =	vld [tilespmem:s20+$0x0];
	v3 =	vsub.s32 v5, v3;
	vm11 =	veq.s32 v6, v0;
	v5 =	vxor.u32 $0x80000000, v11  }
0x1b0: {  	v3 =	vnsel vm11, $0x0, v3;
	(xrf0) =	vmax.scan.msk.u32 $0xffff, v5  }
0x1b1: {  	(xrf0) =	vadd.scan.msk.s32 $0xffff, v3;
	_ =	sdelay $0x2  }
0x1b2: {  	(xrf0) =	vadd.scan.msk.s32 $0xffff, v14  }
0x1b3: {  	s21 =	spop (v2sf);
	v3, _, _ =	vpop (xrf0)  }
0x1b4: {  	s1 =	sadd.s32 s21, s14;
	(v2sf) =	vpush v3, $0xF;
	v3, _, _ =	vpop (xrf0)  }
0x1b5: {  	s18 =	sadd.s32 $0x80000000, s1;
	(v2sf) =	vpush v3, $0xF;
	v3, _, _ =	vpop (xrf0)  }
0x1b6: {  	(v2sf) =	vpush v3, $0xF;
	v3 =	vadd.s32 s18, v13;
	s22 =	spop (v2sf)  }
0x1b7: {  	vm12 =	vge.s32 v3, v1;
	s3 =	ssub.s32 $0x10, s22  }
0x1b8: {  	s2 =	simm.s32 $0x1D60;
	v6, _, _ =	vpop (xrf0);
	v5 =	vsel vm12, $0x1, v2;
	v15 =	vmov s3;
	s24 =	spop (v2sf)  }
0x1b9: {  	v4 =	vsub.s32 v8, v4;
	v3 =	vld [tilespmem:s2+$0x0];
	(xrf0) =	vadd.scan.msk.s32 $0xffff, v5;
	vm13 =	veq.s32 v15, v0;
	v5 =	vxor.u32 $0x80000000, v6;
	s2 =	sadd.s32 s24, s18  }
0x1ba: {  	p2 =	sgt.s32 s19, $0x0;
	s0 =	ssub.s32 $0x10, s19;
	v4 =	vnsel vm13, $0x0, v4;
	(xrf0) =	vmax.scan.msk.u32 $0xffff, v5;
	s19 =	sadd.s32 $0x80000000, s2  }
0x1bb: {  	(xrf0) =	vadd.scan.msk.s32 $0xffff, v4;
	v4 =	vadd.s32 s19, v11  }
0x1bc: {  	p0 =	por $0x0, $0x0;
	vm14 =	vge.s32 v4, v1  }
0x1bd: {  	s23 =	simm.s32 $0x40;
	[dreg:$0x8] =	wrdreg s11;
	p1 =	por !p0, !p0;
	v4 =	vsel vm14, $0x1, v2  }
0x1be: {  	s11 =	simm.s32 $0x90;
	s10 =	simm.s32 $0x0;
	s20 =	simm.s32 $0x60  }
0x1bf: {  	s17 =	simm.s32 $0x70;
	s15 =	simm.s32 $0x80;
	p1 =	por !p2, !p1;
	(xrf0) =	vadd.scan.msk.s32 $0xffff, v3  }
0x1c0: {  	s13 =	simm.s32 $0xA0;
	p0 =	por p0, p2;
	p1 =	por !p1, !p1;
	(xrf0) =	vadd.scan.msk.s32 $0xffff, v4;
	v4, _, _ =	vpop (xrf0)  }
0x1c1: {  	s12 =	simm.s32 $0xB0;
	p2 =	por !p0, !p0;
	s10 =	smov.u32 @p1 s0;
	(v2sf) =	vpush v4, $0xF  }
0x1c2: {  	p4 =	por p1, p1;
	s21 =	simm.s32 $0x50;
	p3 =	sgt.s32 s22, $0x0  }
0x1c3: {  	s1 =	simm.s32 $0xC0;
	p2 =	por !p3, !p2;
	p5 =	por p0, p3  }
0x1c4: {  	s0 =	ssub.s32 $0x20, s22;
	p0 =	por !p2, !p2;
	p3 =	por !p5, !p5;
	v5, _, _ =	vpop (xrf0)  }
0x1c5: {  	p2 =	por p4, p4;
	s10 =	smov.u32 @p0 s0;
	s25 =	spop (v2sf);
	v63, _, _ =	vpop (xrf0)  }
0x1c6: {  	v8 =	vsub.s32 v13, v9;
	v10 =	vsub.s32 v10, v7;
	p0 =	por p0, p0;
	s26 =	ssub.s32 $0x10, s25;
	p6 =	sgt.s32 s25, $0x0;
	(v2sf) =	vpush v5, $0xF;
	v9, _, _ =	vpop (xrf0)  }
0x1c7: {  	v7 =	vsub.s32 v11, v12;
	s0 =	simm.s32 $0x1D70;
	p1 =	por p5, p6;
	v4 =	vmov s26;
	s28 =	spop (v2sf);
	(v2sf) =	vpush v63, $0xF;
	v11, _, _ =	vpop (xrf0)  }
0x1c8: {  	s2 =	ssub.s32 $0x30, s25;
	p3 =	por !p6, !p3;
	p4 =	por !p1, !p1;
	vm15 =	veq.s32 v4, v0;
	v5 =	vld [tilespmem:s0+$0x0];
	v4 =	vxor.u32 $0x80000000, v9;
	(v2sf) =	vpush v11, $0xF  }
0x1c9: {  	p3 =	por !p3, !p3;
	v10 =	vnsel vm15, $0x0, v10;
	s29 =	sadd.s32 s28, s19;
	s31 =	spop (v2sf);
	(xrf0) =	vmax.scan.msk.u32 $0xffff, v4  }
0x1ca: {  	s10 =	smov.u32 @p3 s2;
	v3 =	vsub.s32 v9, v3;
	s22 =	sadd.s32 $0x80000000, s29;
	s30 =	sadd.s32 $0x0, s31;
	v4 =	vsub.s32 v6, v14;
	(xrf0) =	vadd.scan.msk.s32 $0xffff, v10  }
.LBB2_11:
0x1cb: {  	p5 =	sne.s32 s1, $0x100;
	s9 =	smov.u32 @p2 s30  }
0x1cc: {  	s2 =	smov.u32 s11;
	s11 =	smov.u32 s13;
	s13 =	smov.u32 s12  }
0x1cd: {  	(xrf0) =	vadd.scan.msk.s32 $0xffff, v5;
	v10 =	vadd.s32 s22, v6;
	v11 =	vmov v5;
	v6 =	vmov v9;
	s12 =	smov.u32 s1;
	p2 =	por p0, p0;
	p0 =	por p3, p3  }
0x1ce: {  	s3 =	smov.u32 s16;
	s16 =	smov.u32 s14;
	s14 =	smov.u32 s18;
	vm0 =	vge.s32 v10, v1  }
0x1cf: {  	s18 =	smov.u32 s19;
	s19 =	smov.u32 s22;
	v10 =	vsel vm0, $0x1, v2  }
0x1d0: {  	v9, _, _ =	vpop (xrf0);
	(xrf0) =	vadd.scan.msk.s32 $0xffff, v10;
	s4 =	spop (v2sf)  }
0x1d1: {  	(v2sf) =	vpush v9, $0xF;
	s5 =	ssub.s32 $0x10, s4;
	p3 =	sgt.s32 s4, $0x0;
	s4 =	ssub.s32 s23, s4;
	v5, _, _ =	vpop (xrf0)  }
0x1d2: {  	s0 =	sadd.s32 $0x10, s0;
	p6 =	por !p3, !p4;
	v10 =	vmov s5;
	p1 =	por p1, p3;
	(v2sf) =	vpush v5, $0xF  }
.Ltmp5:
0x1d3: {  	v5 =	vld [tilespmem:s0+$0x0];
	v9, _, _ =	vpop (xrf0);
	p4 =	por !p1, !p1;
	p3 =	por !p6, !p6;
	vm0 =	veq.s32 v10, v0;
	(pc) =	sbr.rel @p5 .LBB2_11-.Ltmp5, $4  }
0x1d4: {  	s23 =	smov.u32 s21;
	s21 =	smov.u32 s20;
	v13 =	vxor.u32 $0x80000000, v9;
	v11 =	vsub.s32 v9, v11;
	v12 =	vnsel vm0, $0x0, v8;
	s10 =	smov.u32 @p3 s4;
	v8 =	vmovc v7;
	v7 =	vmovc v4  }
0x1d5: {  	s20 =	smov.u32 s17;
	s17 =	smov.u32 s15;
	v4 =	vmov v3;
	(xrf0) =	vmax.scan.msk.u32 $0xffff, v13;
	s4 =	spop (v2sf);
	v3 =	vmov v11  }
0x1d6: {  	s15 =	smov.u32 s2;
	s4 =	sadd.s32 s4, s22;
	v10, _, _ =	vpop (xrf0);
	(xrf0) =	vadd.scan.msk.s32 $0xffff, v12;
	s5 =	spop (v2sf)  }
0x1d7: {  	s1 =	sadd.s32 $0x10, s1;
	s22 =	sadd.s32 $0x80000000, s4;
	(v2sf) =	vpush v10, $0xF;
	s30 =	sadd.s32 s3, s5  }
0x1d8: {  	(xrf0) =	vadd.scan.msk.s32 $0xffff, v5;
	_ =	sdelay $0x3  }
0x1d9: {  	v6 =	vadd.s32 s22, v6;
	s31 =	spop (v2sf);
	s1 =	sadd.s32 $0x10, s0;
	v10, _, _ =	vpop (xrf0)  }
0x1da: {  	vm0 =	vge.s32 v6, v1;
	s25 =	ssub.s32 $0x10, s31;
	v37 =	vld [tilespmem:s1+$0x0];
	v36, _, _ =	vpop (xrf0)  }
0x1db: {  	v11 =	vsel vm0, $0x1, v2;
	v12 =	vmov s25;
	(v2sf) =	vpush v10, $0xF;
	v13, _, _ =	vpop (xrf0)  }
0x1dc: {  	vm15 =	veq.s32 v12, v0;
	(xrf0) =	vadd.scan.msk.s32 $0xffff, v11;
	v38 =	vxor.u32 $0x80000000, v13  }
0x1dd: {  	v8 =	vnsel vm15, $0x0, v8;
	(xrf0) =	vmax.scan.msk.u32 $0xffff, v38  }
0x1de: {  	(xrf0) =	vadd.scan.msk.s32 $0xffff, v8  }
0x1df: {  	(xrf0) =	vadd.scan.msk.s32 $0xffff, v37  }
0x1e0: {  	s26 =	spop (v2sf)  }
0x1e1: {  	s0 =	sadd.s32 s26, s22  }
0x1e2: {  	s5 =	spop (v2sf);
	s24 =	sadd.s32 $0x80000000, s0;
	v39, _, _ =	vpop (xrf0)  }
0x1e3: {  	s1 =	sadd.s32 $0x10, s1;
	v9 =	vadd.s32 s24, v9;
	v11, _, _ =	vpop (xrf0);
	s4 =	spop (v2sf)  }
0x1e4: {  	v41 =	vld [tilespmem:s1+$0x0];
	vm4 =	vge.s32 v9, v1;
	s2 =	ssub.s32 $0x10, s4;
	v40, _, _ =	vpop (xrf0)  }
0x1e5: {  	v14 =	vsel vm4, $0x1, v2;
	v15 =	vmov s2;
	v16, _, _ =	vpop (xrf0)  }
0x1e6: {  	(xrf0) =	vadd.scan.msk.s32 $0xffff, v14;
	vm5 =	veq.s32 v15, v0;
	v42 =	vxor.u32 $0x80000000, v16  }
0x1e7: {  	v7 =	vnsel vm5, $0x0, v7;
	(xrf0) =	vmax.scan.msk.u32 $0xffff, v42  }
0x1e8: {  	(xrf0) =	vadd.scan.msk.s32 $0xffff, v7  }
0x1e9: {  	(xrf0) =	vadd.scan.msk.s32 $0xffff, v41  }
0x1ea: {  	s28 =	spop (v2sf)  }
0x1eb: {  	s2 =	sadd.s32 s28, s24  }
0x1ec: {  	(v2sf) =	vpush v36, $0xF;
	v43, _, _ =	vpop (xrf0);
	s25 =	sadd.s32 $0x80000000, s2  }
0x1ed: {  	(v2sf) =	vpush v39, $0xF;
	v44 =	vadd.s32 s25, v13;
	v45, _, _ =	vpop (xrf0)  }
0x1ee: {  	vm6 =	vge.s32 v44, v1;
	v47, _, _ =	vpop (xrf0)  }
0x1ef: {  	v46 =	vsel vm6, $0x1, v2;
	v48, _, _ =	vpop (xrf0)  }
0x1f0: {  	(xrf0) =	vadd.scan.msk.s32 $0xffff, v46;
	v49 =	vxor.u32 $0x80000000, v48  }
0x1f1: {  	(xrf0) =	vmax.scan.msk.u32 $0xffff, v49  }
0x1f2: {  	(v2sf) =	vpush v11, $0xF  }
0x1f3: {  	(v2sf) =	vpush v40, $0xF  }
0x1f4: {  	(v2sf) =	vpush v43, $0xF  }
0x1f5: {  	(v2sf) =	vpush v45, $0xF  }
0x1f6: {  	(v2sf) =	vpush v47, $0xF;
	v50, _, _ =	vpop (xrf0)  }
0x1f7: {  	(v2sf) =	vpush v50, $0xF;
	v51, _, _ =	vpop (xrf0)  }
0x1f8: {  	(v2sf) =	vpush v51, $0xF;
	_ =	sdelay $0x2  }
0x1f9: {  	s8 =	spop (v2sf)  }
0x1fa: {  	s1 =	sadd.s32 $0x10, s1;
	s3 =	spop (v2sf)  }
0x1fb: {  	v52 =	vld [tilespmem:s1+$0x0];
	s29 =	ssub.s32 $0x10, s3  }
0x1fc: {  	v53 =	vmov s29  }
0x1fd: {  	vm7 =	veq.s32 v53, v0  }
0x1fe: {  	v4 =	vnsel vm7, $0x0, v4  }
0x1ff: {  	s0 =	spop (v2sf);
	(xrf0) =	vadd.scan.msk.s32 $0xffff, v4  }
0x200: {  	s6 =	spop (v2sf);
	(xrf0) =	vadd.scan.msk.s32 $0xffff, v52  }
0x201: {  	s1 =	spop (v2sf)  }
0x202: {  	s2 =	sadd.s32 s0, s25;
	s28 =	spop (v2sf)  }
0x203: {  	s26 =	sadd.s32 $0x80000000, s2;
	s29 =	ssub.s32 $0x10, s1;
	s2 =	spop (v2sf)  }
0x204: {  	v54 =	vadd.s32 s26, v16;
	s28 =	sadd.s32 s28, s26;
	[dreg:$0xb] =	wrdreg s2;
	s2 =	spop (v2sf)  }
0x205: {  	vm8 =	vge.s32 v54, v1;
	v56 =	vmov s29;
	v55, _, _ =	vpop (xrf0);
	s28 =	sadd.s32 $0x80000000, s28;
	s0 =	ssub.s32 $0x10, s2;
	s29 =	spop (v2sf)  }
0x206: {  	v62 =	vsub.s32 v13, v5;
	v58 =	vsel vm8, $0x1, v2;
	v59, _, _ =	vpop (xrf0);
	v57 =	vmov s0;
	s0 =	sadd.s32 s29, s28  }
0x207: {  	(xrf0) =	vadd.scan.msk.s32 $0xffff, v58;
	vm9 =	veq.s32 v56, v0;
	v60 =	vxor.u32 $0x80000000, v59;
	v61 =	vadd.s32 s28, v48;
	s29 =	sadd.s32 $0x80000000, s0  }
0x208: {  	v3 =	vnsel vm9, $0x0, v3;
	(xrf0) =	vmax.scan.msk.u32 $0xffff, v60;
	vm10 =	vge.s32 v61, v1;
	v63 =	vadd.s32 s29, v59  }
0x209: {  	(xrf0) =	vadd.scan.msk.s32 $0xffff, v3;
	v3 =	vsel vm10, $0x1, v2;
	vm11 =	veq.s32 v57, v0;
	vm12 =	vge.s32 v63, v1  }
0x20a: {  	(xrf0) =	vadd.scan.msk.s32 $0xffff, v3;
	v3 =	vnsel vm11, $0x0, v62;
	v1 =	vsel vm12, $0x1, v2  }
0x20b: {  	(xrf0) =	vadd.scan.msk.s32 $0xffff, v3  }
0x20c: {  	(xrf0) =	vadd.scan.msk.s32 $0xffff, v1  }
0x20d: {  	(v2sf) =	vpush v55, $0xF;
	v1, _, _ =	vpop (xrf0)  }
0x20e: {  	v2, _, _ =	vpop (xrf0);
	(v2sf) =	vpush v1, $0xF  }
0x20f: {  	v1, _, _ =	vpop (xrf0);
	(v2sf) =	vpush v2, $0xF  }
0x210: {  	(v2sf) =	vpush v1, $0xF;
	v1, _, _ =	vpop (xrf0)  }
0x211: {  	(v2sf) =	vpush v1, $0xF;
	v1, _, _ =	vpop (xrf0)  }
0x212: {  	(v2sf) =	vpush v1, $0xF;
	v1, _, _ =	vpop (xrf0)  }
0x213: {  	(v2sf) =	vpush v1, $0xF;
	_ =	sdelay $0x6  }
0x214: {  	s9 =	smov.u32 @p2 s30;
	p0 =	por p0, p0;
	p5 =	sgt.s32 s31, $0x0  }
0x215: {  	p3 =	por p3, p3;
	p6 =	por !p5, !p4;
	p4 =	por p1, p5  }
0x216: {  	p2 =	por !p6, !p6;
	s0 =	ssub.s32 s23, s31;
	s31 =	spop (v2sf)  }
0x217: {  	p1 =	por !p4, !p4;
	p5 =	sgt.s32 s4, $0x0;
	s23 =	spop (v2sf)  }
0x218: {  	s4 =	ssub.s32 s21, s4;
	p6 =	por !p5, !p1;
	s30 =	spop (v2sf)  }
0x219: {  	p1 =	por p4, p5;
	s10 =	smov.u32 @p2 s0;
	s30 =	spop (v2sf)  }
0x21a: {  	s0 =	sadd.s32 s16, s5;
	s5 =	ssub.s32 $0x10, s23;
	s16 =	spop (v2sf)  }
0x21b: {  	s9 =	smov.u32 @p0 s0;
	v1 =	vmov s5;
	s0 =	ssub.s32 $0x10, s16;
	s5 =	spop (v2sf)  }
0x21c: {  	p4 =	sgt.s32 s3, $0x0;
	s3 =	ssub.s32 s20, s3;
	v3 =	vsub.s32 v16, v37;
	vm13 =	veq.s32 v1, v0;
	v2 =	vmov s0;
	s0 =	spop (v2sf)  }
0x21d: {  	p2 =	por p2, p2;
	p0 =	por !p6, !p6;
	v3 =	vnsel vm13, $0x0, v3;
	s21 =	ssub.s32 $0x10, s0  }
0x21e: {  	p6 =	por !p1, !p1;
	p2 =	por p2, p2;
	p1 =	por p1, p4;
	v1 =	vsub.s32 v48, v41;
	(xrf0) =	vadd.scan.msk.s32 $0xffff, v3;
	vm14 =	veq.s32 v2, v0;
	v2 =	vmov s21  }
0x21f: {  	s10 =	smov.u32 @p0 s4;
	s4 =	sadd.s32 s14, s8;
	p5 =	por !p4, !p6;
	v3 =	vsub.s32 v59, v52;
	v1 =	vnsel vm14, $0x0, v1;
	vm15 =	veq.s32 v2, v0  }
0x220: {  	p6 =	por p3, p3;
	p0 =	por p0, p0;
	p3 =	por !p5, !p5;
	(xrf0) =	vadd.scan.msk.s32 $0xffff, v1;
	v0 =	vnsel vm15, $0x0, v3  }
0x221: {  	s9 =	smov.u32 @p6 s4;
	p5 =	por !p1, !p1;
	p6 =	sgt.s32 s1, $0x0;
	(xrf0) =	vadd.scan.msk.s32 $0xffff, v0  }
0x222: {  	s1 =	ssub.s32 s17, s1;
	s10 =	smov.u32 @p3 s3;
	s3 =	sadd.s32 s18, s6  }
0x223: {  	p1 =	por p1, p6;
	s9 =	smov.u32 @p2 s3;
	p2 =	por !p6, !p5  }
0x224: {  	p4 =	por p3, p3;
	p5 =	por p0, p0;
	p0 =	por !p2, !p2;
	v0, _, _ =	vpop (xrf0)  }
0x225: {  	p6 =	sgt.s32 s2, $0x0;
	p2 =	por p4, p4;
	s10 =	smov.u32 @p0 s1;
	(v2sf) =	vpush v0, $0xF  }
0x226: {  	s1 =	ssub.s32 s15, s2;
	p0 =	por p0, p0;
	s21 =	rddreg [dreg:$0xb];
	v0, _, _ =	vpop (xrf0)  }
0x227: {  	p0 =	por p0, p0;
	s2 =	sadd.s32 s24, s30;
	s3 =	sadd.s32 s19, s21;
	(v2sf) =	vpush v0, $0xF;
	v0, _, _ =	vpop (xrf0)  }
0x228: {  	s9 =	smov.u32 @p5 s3;
	p5 =	por !p1, !p1;
	p1 =	por p1, p6;
	(v2sf) =	vpush v0, $0xF  }
0x229: {  	p3 =	por !p6, !p5;
	p4 =	por !p1, !p1;
	p5 =	sgt.s32 s23, $0x0;
	v0 =	vimm.s32 $0x0  }
0x22a: {  	s30 =	sshll.u32 s7, $0x8;
	p3 =	por !p3, !p3;
	p4 =	por !p5, !p4;
	[tilespmem:$0xC00] =	vst v0  }
0x22b: {  	p1 =	por p1, p5;
	p5 =	sgt.s32 s16, $0x0;
	s10 =	smov.u32 @p3 s1;
	[tilespmem:$0xC10] =	vst v0  }
0x22c: {  	s1 =	sadd.s32 s22, s31;
	p3 =	por p3, p3;
	p6 =	por !p1, !p1;
	[tilespmem:$0xC20] =	vst v0  }
0x22d: {  	p1 =	por p1, p5;
	s9 =	smov.u32 @p2 s1;
	s1 =	ssub.s32 s11, s23;
	[tilespmem:$0xC30] =	vst v0  }
0x22e: {  	p2 =	por !p4, !p4;
	p3 =	por p3, p3;
	p4 =	por !p5, !p6;
	[tilespmem:$0xC40] =	vst v0  }
0x22f: {  	p1 =	por !p1, !p1;
	p6 =	sgt.s32 s0, $0x0;
	s0 =	ssub.s32 s12, s0;
	[tilespmem:$0xC50] =	vst v0  }
0x230: {  	s10 =	smov.u32 @p2 s1;
	s9 =	smov.u32 @p0 s2;
	p0 =	por p2, p2;
	[tilespmem:$0xC60] =	vst v0  }
0x231: {  	s1 =	ssub.s32 s13, s16;
	p2 =	por !p4, !p4;
	s2 =	sadd.s32 s25, s5;
	[tilespmem:$0xC70] =	vst v0  }
0x232: {  	p1 =	por !p6, !p1;
	s10 =	smov.u32 @p2 s1;
	s9 =	smov.u32 @p3 s2;
	[tilespmem:$0xC80] =	vst v0  }
0x233: {  	p0 =	por p0, p0;
	p2 =	por p2, p2;
	p1 =	por !p1, !p1;
	[tilespmem:$0xC90] =	vst v0  }
0x234: {  	s2 =	simm.s32 $0x0;
	s1 =	simm.s32 $0x40;
	[tilespmem:$0xCA0] =	vst v0;
	s25 =	spop (v2sf)  }
0x235: {  	s10 =	smov.u32 @p1 s0;
	p1 =	por p1, p1;
	[tilespmem:$0xCB0] =	vst v0;
	s0 =	sadd.s32 s26, s25  }
0x236: {  	s31 =	sor.u32 s30, s10;
	[tilespmem:$0xCC0] =	vst v0;
	s26 =	spop (v2sf);
	s9 =	smov.u32 @p0 s0  }
0x237: {  	[tilespmem:$0xCD0] =	vst v0;
	p0 =	por p2, p2;
	s0 =	sadd.s32 s28, s26;
	s28 =	spop (v2sf)  }
0x238: {  	[tilespmem:$0xCE0] =	vst v0;
	s9 =	smov.u32 @p0 s0;
	p0 =	por p1, p1;
	s0 =	sadd.s32 s29, s28  }
0x239: {  	[tilespmem:$0xCF0] =	vst v0;
	[dreg:$0x9] =	wrdreg s31;
	v1 =	vmov s31;
	v0 =	vimm.s32 $0x1;
	s9 =	smov.u32 @p0 s0;
	s0 =	simm.s32 $0xC00  }
.LBB2_13:
0x23a: {  	p0 =	sne.s32 s1, $0xFC0;
	v2 =	vld [tilespmem:s2+$0x0];
	_ =	sdelay $0x4  }
0x23b: {  	v3 =	vshra.s32 v2, $0xE  }
0x23c: {  	v2 =	vshrl.u32 v2, $0x6;
	vm0 =	veq.s32 v3, v1  }
0x23d: {  	v2 =	vand.u32 $0xFF, v2  }
.Ltmp6:
0x23e: {  	(pc) =	sbr.rel @p0 .LBB2_13-.Ltmp6, $2  }
0x23f: {  	_ =	sdelay $0x2  }
0x240: {  	s2 =	sshra.s32 s1, $0x2;
	s1 =	sadd.s32 $0x40, s1;
	[tilespmem:v2+s0+$0x0] =	vst.idx.add.s32.msk vm0, v0  }
0x241: {  	v2 =	vld [tilespmem:s2+$0x0];
	_ =	sdelay $0x4  }
0x242: {  	v3 =	vshra.s32 v2, $0xE  }
0x243: {  	v49 =	vshrl.u32 v2, $0x6;
	vm0 =	veq.s32 v3, v1  }
0x244: {  	v1 =	vand.u32 $0xFF, v49;
	_ =	sdelay $0x1  }
0x245: {  	s1 =	rddreg [dreg:$0x4]  }
0x246: {  	s23 =	rddreg [dreg:$0x7]  }
0x247: {  	s24 =	simm.s32 $0x80;
	s3 =	simm.s32 $0x400;
	s1 =	sadd.s32 $0x2000, s1  }
0x248: {  	s4 =	simm.s32 $0xC00;
	s25 =	simm.s32 $0x1;
	s2 =	sadd.s32 s23, s1;
	[tilespmem:v1+s0+$0x0] =	vst.idx.add.s32.msk vm0, v0  }
0x249: {  	[spmem:s2] =	stream.strided.scatter [tilespmem:s4], [sflag:$0x1], $0x100, s3, s24, $0x38;
	[tilespmem:$0x2A90] =	vst v63  }
0x24a: {  	_ =	swait.ge [sflag:s25], $0x100  }
0x24b: {  	[sflag:s25] =	ssyncset.done $0x0  }
0x24c: {  	[sflag:s25] =	ssyncadd.s32 $0xFFFFFF00  }
0x24d: {  	s26 =	simm.s32 $0xD00;
	[bflag:$0x0] =	sbarrier.arrive $0xFFFF  }
0x24e: {  	[tilespmem:s26], [sflag:$0x1] =	stream.linear.gather [spmem:s1], $0x1000, $0x38;
	[tilespmem:$0x2A90] =	vst v63  }
0x24f: {  	s28 =	simm.s32 $0x0;
	_ =	swait.ge [sflag:s25], $0x1000  }
0x250: {  	s29 =	sand.u32 $0x70, s28;
	s0 =	sand.u32 $0x400, s28;
	[sflag:s25] =	ssyncset.done $0x0  }
0x251: {  	s0 =	sor.u32 s29, s0;
	[sflag:s25] =	ssyncadd.s32 $0xFFFFF000  }
0x252: {  	v50 =	vld [tilespmem:s0+$0xD80]  }
0x253: {  	v51 =	vld [tilespmem:s0+$0xD00]  }
0x254: {  	v52 =	vld [tilespmem:s0+$0xE00]  }
0x255: {  	v53 =	vld [tilespmem:s0+$0xE80]  }
0x256: {  	v4 =	vld [tilespmem:s0+$0xF00]  }
0x257: {  	v5 =	vld [tilespmem:s0+$0xF80]  }
0x258: {  	v54 =	vld [tilespmem:s0+$0x1000];
	v0 =	vadd.s32 v51, v50  }
0x259: {  	v55 =	vld [tilespmem:s0+$0x1080];
	v0 =	vadd.s32 v52, v0  }
0x25a: {  	v56 =	vld [tilespmem:s0+$0x1500];
	v0 =	vadd.s32 v53, v0  }
0x25b: {  	v57 =	vld [tilespmem:s0+$0x1580];
	v0 =	vadd.s32 v4, v0  }
0x25c: {  	v58 =	vld [tilespmem:s0+$0x1600];
	v0 =	vadd.s32 v5, v0  }
0x25d: {  	v59 =	vld [tilespmem:s0+$0x1680];
	v0 =	vadd.s32 v54, v0  }
0x25e: {  	v60 =	vld [tilespmem:s0+$0x1700];
	v0 =	vadd.s32 v55, v0  }
0x25f: {  	v61 =	vld [tilespmem:s0+$0x1780];
	v0 =	vadd.s32 v56, v0  }
0x260: {  	v62 =	vld [tilespmem:s0+$0x1800];
	v0 =	vadd.s32 v57, v0  }
0x261: {  	v63 =	vld [tilespmem:s0+$0x1880];
	v0 =	vadd.s32 v58, v0  }
0x262: {  	v0 =	vadd.s32 v59, v0  }
0x263: {  	v0 =	vadd.s32 v60, v0  }
0x264: {  	v0 =	vadd.s32 v61, v0  }
0x265: {  	s30 =	simm.s32 $0x10;
	s1 =	simm.s32 $0x80;
	v0 =	vadd.s32 v62, v0  }
0x266: {  	s10 =	simm.s32 $0x1D00;
	s31 =	sand.u32 $0x400, s1;
	s0 =	sand.u32 $0x70, s30;
	v0 =	vadd.s32 v63, v0  }
0x267: {  	s2 =	simm.s32 $0x20;
	s0 =	sor.u32 s0, s31;
	[tilespmem:s10+$0x0] =	vst v0  }
.LBB2_15:
0x268: {  	p0 =	seq.s32 s2, $0xF0;
	v0 =	vld [tilespmem:s0+$0xD80]  }
0x269: {  	v1 =	vld [tilespmem:s0+$0xD00]  }
0x26a: {  	v2 =	vld [tilespmem:s0+$0xE00]  }
0x26b: {  	v3 =	vld [tilespmem:s0+$0xE80]  }
0x26c: {  	v4 =	vld [tilespmem:s0+$0xF00]  }
0x26d: {  	v5 =	vld [tilespmem:s0+$0xF80]  }
0x26e: {  	v0 =	vadd.s32 v1, v0;
	v1 =	vld [tilespmem:s0+$0x1000]  }
0x26f: {  	v0 =	vadd.s32 v2, v0;
	v2 =	vld [tilespmem:s0+$0x1080]  }
0x270: {  	v0 =	vadd.s32 v3, v0;
	v3 =	vld [tilespmem:s0+$0x1500]  }
0x271: {  	v0 =	vadd.s32 v4, v0;
	v4 =	vld [tilespmem:s0+$0x1580]  }
0x272: {  	v0 =	vadd.s32 v5, v0;
	v5 =	vld [tilespmem:s0+$0x1600]  }
0x273: {  	v0 =	vadd.s32 v1, v0;
	v1 =	vld [tilespmem:s0+$0x1680]  }
0x274: {  	v0 =	vadd.s32 v2, v0;
	v2 =	vld [tilespmem:s0+$0x1700]  }
0x275: {  	v0 =	vadd.s32 v3, v0;
	v3 =	vld [tilespmem:s0+$0x1780]  }
0x276: {  	v0 =	vadd.s32 v4, v0;
	v4 =	vld [tilespmem:s0+$0x1800]  }
0x277: {  	v0 =	vadd.s32 v5, v0;
	v5 =	vld [tilespmem:s0+$0x1880]  }
0x278: {  	v0 =	vadd.s32 v1, v0  }
.Ltmp7:
0x279: {  	v0 =	vadd.s32 v2, v0;
	(pc) =	sbr.rel @!p0 .LBB2_15-.Ltmp7, $4  }
0x27a: {  	v0 =	vadd.s32 v3, v0  }
0x27b: {  	s1 =	sadd.s32 $0x80, s1;
	v0 =	vadd.s32 v4, v0  }
0x27c: {  	s10 =	sadd.s32 $0x10, s10;
	s3 =	sand.u32 $0x400, s1;
	s0 =	sand.u32 $0x70, s2;
	v0 =	vadd.s32 v5, v0  }
0x27d: {  	s2 =	sadd.s32 $0x10, s2;
	s0 =	sor.u32 s0, s3;
	[tilespmem:s10+$0x0] =	vst v0  }
0x27e: {  	v0 =	vld [tilespmem:s0+$0xD80]  }
0x27f: {  	v1 =	vld [tilespmem:s0+$0xD00]  }
0x280: {  	v2 =	vld [tilespmem:s0+$0xE00]  }
0x281: {  	v3 =	vld [tilespmem:s0+$0xE80]  }
0x282: {  	v4 =	vld [tilespmem:s0+$0xF00]  }
0x283: {  	v5 =	vld [tilespmem:s0+$0xF80]  }
0x284: {  	v0 =	vadd.s32 v1, v0;
	v1 =	vld [tilespmem:s0+$0x1000]  }
0x285: {  	v0 =	vadd.s32 v2, v0;
	v2 =	vld [tilespmem:s0+$0x1080]  }
0x286: {  	v0 =	vadd.s32 v3, v0;
	v3 =	vld [tilespmem:s0+$0x1500]  }
0x287: {  	v0 =	vadd.s32 v4, v0;
	v4 =	vld [tilespmem:s0+$0x1580]  }
0x288: {  	v0 =	vadd.s32 v5, v0;
	v5 =	vld [tilespmem:s0+$0x1600]  }
0x289: {  	v0 =	vadd.s32 v1, v0;
	v1 =	vld [tilespmem:s0+$0x1680]  }
0x28a: {  	v0 =	vadd.s32 v2, v0;
	v2 =	vld [tilespmem:s0+$0x1700]  }
0x28b: {  	v0 =	vadd.s32 v3, v0;
	v3 =	vld [tilespmem:s0+$0x1780]  }
0x28c: {  	v0 =	vadd.s32 v4, v0;
	v4 =	vld [tilespmem:s0+$0x1800]  }
0x28d: {  	v0 =	vadd.s32 v5, v0;
	v5 =	vld [tilespmem:s0+$0x1880]  }
0x28e: {  	v0 =	vadd.s32 v1, v0  }
0x28f: {  	v0 =	vadd.s32 v2, v0  }
0x290: {  	v0 =	vadd.s32 v3, v0  }
0x291: {  	v0 =	vadd.s32 v4, v0  }
0x292: {  	s10 =	sadd.s32 $0x10, s10;
	v0 =	vadd.s32 v5, v0  }
0x293: {  	s12 =	simm.s32 $0x1D00;
	[tilespmem:s10+$0x0] =	vst v0  }
0x294: {  	v3 =	vld [tilespmem:s12+$0x0];
	_ =	sdelay $0x4  }
0x295: {  	(xrf0) =	vadd.scan.msk.s32 $0xffff, v3;
	_ =	sdelay $0x3  }
0x296: {  	s13 =	simm.s32 $0x1D10  }
0x297: {  	v4 =	vld [tilespmem:s13+$0x0]  }
0x298: {  	v5, _, _ =	vpop (xrf0)  }
0x299: {  	v6 =	vxor.u32 $0x80000000, v5  }
0x29a: {  	(xrf0) =	vmax.scan.msk.u32 $0xffff, v6;
	_ =	sdelay $0x1  }
0x29b: {  	(xrf0) =	vadd.scan.msk.s32 $0xffff, v4;
	_ =	sdelay $0x3  }
0x29c: {  	v6, _, _ =	vpop (xrf0)  }
0x29d: {  	(v2sf) =	vpush v6, $0xF  }
0x29e: {  	s14 =	simm.s32 $0x1D20;
	v8, _, _ =	vpop (xrf0)  }
0x29f: {  	s11 =	rddreg [dreg:$0x8];
	v7 =	vld [tilespmem:s14+$0x0];
	v6 =	vxor.u32 $0x80000000, v8  }
0x2a0: {  	s0 =	ssub.s32 s11, s9;
	s9 =	simm.s32 $0x0;
	(xrf0) =	vmax.scan.msk.u32 $0xffff, v6  }
0x2a1: {  	v1 =	vmov s0;
	v6 =	vadd.s32 s9, v5  }
0x2a2: {  	v2 =	vimm.s32 $0x0;
	vm0 =	vge.s32 v6, v1  }
0x2a3: {  	v6 =	vsel vm0, $0x1, v2  }
0x2a4: {  	(xrf0) =	vadd.scan.msk.s32 $0xffff, v7;
	_ =	sdelay $0x1  }
0x2a5: {  	(xrf0) =	vadd.scan.msk.s32 $0xffff, v6;
	v6, _, _ =	vpop (xrf0)  }
0x2a6: {  	(v2sf) =	vpush v6, $0xF  }
0x2a7: {  	s15 =	simm.s32 $0x1D30  }
0x2a8: {  	v9 =	vld [tilespmem:s15+$0x0]  }
0x2a9: {  	v10, _, _ =	vpop (xrf0)  }
0x2aa: {  	v6 =	vxor.u32 $0x80000000, v10  }
0x2ab: {  	s16 =	spop (v2sf)  }
0x2ac: {  	[dreg:$0xa] =	wrdreg s0;
	(xrf0) =	vmax.scan.msk.u32 $0xffff, v6;
	s0 =	sadd.s32 $0x0, s16  }
0x2ad: {  	(xrf0) =	vadd.scan.msk.s32 $0xffff, v9;
	v6, _, _ =	vpop (xrf0);
	s16 =	sadd.s32 $0x80000000, s0  }
0x2ae: {  	(v2sf) =	vpush v6, $0xF;
	v6 =	vadd.s32 s16, v8  }
0x2af: {  	vm9 =	vge.s32 v6, v1  }
0x2b0: {  	v6 =	vsel vm9, $0x1, v2  }
0x2b1: {  	(xrf0) =	vadd.scan.msk.s32 $0xffff, v6  }
0x2b2: {  	v11, _, _ =	vpop (xrf0)  }
0x2b3: {  	s17 =	simm.s32 $0x1D40;
	v13, _, _ =	vpop (xrf0)  }
0x2b4: {  	v12 =	vld [tilespmem:s17+$0x0];
	v6 =	vxor.u32 $0x80000000, v13  }
0x2b5: {  	(xrf0) =	vmax.scan.msk.u32 $0xffff, v6;
	s18 =	spop (v2sf)  }
0x2b6: {  	s0 =	sadd.s32 s18, s16  }
0x2b7: {  	(v2sf) =	vpush v11, $0xF;
	s12 =	sadd.s32 $0x80000000, s0;
	v6, _, _ =	vpop (xrf0)  }
0x2b8: {  	(v2sf) =	vpush v6, $0xF;
	v6 =	vadd.s32 s12, v10  }
0x2b9: {  	(xrf0) =	vadd.scan.msk.s32 $0xffff, v12;
	_ =	sdelay $0x1  }
0x2ba: {  	vm10 =	vge.s32 v6, v1;
	v6, _, _ =	vpop (xrf0)  }
0x2bb: {  	v11 =	vsel vm10, $0x1, v2;
	(v2sf) =	vpush v6, $0xF  }
0x2bc: {  	s19 =	spop (v2sf)  }
0x2bd: {  	s1 =	ssub.s32 $0x10, s19  }
0x2be: {  	s20 =	simm.s32 $0x1D50;
	v0 =	vlaneseq.u32;
	(xrf0) =	vadd.scan.msk.s32 $0xffff, v11;
	v6 =	vmov s1;
	v11, _, _ =	vpop (xrf0)  }
0x2bf: {  	v14 =	vld [tilespmem:s20+$0x0];
	v3 =	vsub.s32 v5, v3;
	vm11 =	veq.s32 v6, v0;
	v5 =	vxor.u32 $0x80000000, v11  }
0x2c0: {  	v3 =	vnsel vm11, $0x0, v3;
	(xrf0) =	vmax.scan.msk.u32 $0xffff, v5  }
0x2c1: {  	(xrf0) =	vadd.scan.msk.s32 $0xffff, v3;
	_ =	sdelay $0x2  }
0x2c2: {  	(xrf0) =	vadd.scan.msk.s32 $0xffff, v14  }
0x2c3: {  	s21 =	spop (v2sf);
	v3, _, _ =	vpop (xrf0)  }
0x2c4: {  	s1 =	sadd.s32 s21, s12;
	(v2sf) =	vpush v3, $0xF;
	v3, _, _ =	vpop (xrf0)  }
0x2c5: {  	s18 =	sadd.s32 $0x80000000, s1;
	(v2sf) =	vpush v3, $0xF;
	v3, _, _ =	vpop (xrf0)  }
0x2c6: {  	(v2sf) =	vpush v3, $0xF;
	v3 =	vadd.s32 s18, v13;
	s22 =	spop (v2sf)  }
0x2c7: {  	vm12 =	vge.s32 v3, v1;
	s3 =	ssub.s32 $0x10, s22  }
0x2c8: {  	s2 =	simm.s32 $0x1D60;
	v6, _, _ =	vpop (xrf0);
	v5 =	vsel vm12, $0x1, v2;
	v15 =	vmov s3;
	s24 =	spop (v2sf)  }
0x2c9: {  	v4 =	vsub.s32 v8, v4;
	v3 =	vld [tilespmem:s2+$0x0];
	(xrf0) =	vadd.scan.msk.s32 $0xffff, v5;
	vm13 =	veq.s32 v15, v0;
	v5 =	vxor.u32 $0x80000000, v6;
	s2 =	sadd.s32 s24, s18  }
0x2ca: {  	p2 =	sgt.s32 s19, $0x0;
	s0 =	ssub.s32 $0x10, s19;
	v4 =	vnsel vm13, $0x0, v4;
	(xrf0) =	vmax.scan.msk.u32 $0xffff, v5;
	s19 =	sadd.s32 $0x80000000, s2  }
0x2cb: {  	(xrf0) =	vadd.scan.msk.s32 $0xffff, v4;
	v4 =	vadd.s32 s19, v11  }
0x2cc: {  	p0 =	por $0x0, $0x0;
	vm14 =	vge.s32 v4, v1  }
0x2cd: {  	s23 =	simm.s32 $0x40;
	p1 =	por !p0, !p0;
	v4 =	vsel vm14, $0x1, v2  }
0x2ce: {  	s11 =	simm.s32 $0x90;
	s10 =	simm.s32 $0x0;
	s20 =	simm.s32 $0x60  }
0x2cf: {  	s17 =	simm.s32 $0x70;
	s15 =	simm.s32 $0x80;
	p1 =	por !p2, !p1;
	(xrf0) =	vadd.scan.msk.s32 $0xffff, v3  }
0x2d0: {  	s14 =	simm.s32 $0xA0;
	p0 =	por p0, p2;
	p1 =	por !p1, !p1;
	(xrf0) =	vadd.scan.msk.s32 $0xffff, v4;
	v4, _, _ =	vpop (xrf0)  }
0x2d1: {  	s13 =	simm.s32 $0xB0;
	p2 =	por !p0, !p0;
	s10 =	smov.u32 @p1 s0;
	(v2sf) =	vpush v4, $0xF  }
0x2d2: {  	p4 =	por p1, p1;
	s21 =	simm.s32 $0x50;
	p3 =	sgt.s32 s22, $0x0  }
0x2d3: {  	s1 =	simm.s32 $0xC0;
	p2 =	por !p3, !p2;
	p5 =	por p0, p3  }
0x2d4: {  	s0 =	ssub.s32 $0x20, s22;
	p0 =	por !p2, !p2;
	p3 =	por !p5, !p5;
	v5, _, _ =	vpop (xrf0)  }
0x2d5: {  	p2 =	por p4, p4;
	s10 =	smov.u32 @p0 s0;
	s25 =	spop (v2sf);
	v63, _, _ =	vpop (xrf0)  }
0x2d6: {  	v8 =	vsub.s32 v13, v9;
	v10 =	vsub.s32 v10, v7;
	p0 =	por p0, p0;
	s26 =	ssub.s32 $0x10, s25;
	p6 =	sgt.s32 s25, $0x0;
	(v2sf) =	vpush v5, $0xF;
	v9, _, _ =	vpop (xrf0)  }
0x2d7: {  	v7 =	vsub.s32 v11, v12;
	s0 =	simm.s32 $0x1D70;
	p1 =	por p5, p6;
	v4 =	vmov s26;
	s28 =	spop (v2sf);
	(v2sf) =	vpush v63, $0xF;
	v11, _, _ =	vpop (xrf0)  }
0x2d8: {  	s2 =	ssub.s32 $0x30, s25;
	p3 =	por !p6, !p3;
	p4 =	por !p1, !p1;
	vm15 =	veq.s32 v4, v0;
	v5 =	vld [tilespmem:s0+$0x0];
	v4 =	vxor.u32 $0x80000000, v9;
	(v2sf) =	vpush v11, $0xF  }
0x2d9: {  	p3 =	por !p3, !p3;
	v10 =	vnsel vm15, $0x0, v10;
	s29 =	sadd.s32 s28, s19;
	s31 =	spop (v2sf);
	(xrf0) =	vmax.scan.msk.u32 $0xffff, v4  }
0x2da: {  	s10 =	smov.u32 @p3 s2;
	v3 =	vsub.s32 v9, v3;
	s22 =	sadd.s32 $0x80000000, s29;
	s30 =	sadd.s32 $0x0, s31;
	v4 =	vsub.s32 v6, v14;
	(xrf0) =	vadd.scan.msk.s32 $0xffff, v10  }
.LBB2_17:
0x2db: {  	p5 =	sne.s32 s1, $0x100;
	s9 =	smov.u32 @p2 s30  }
0x2dc: {  	s2 =	smov.u32 s11;
	s11 =	smov.u32 s14;
	s14 =	smov.u32 s13  }
0x2dd: {  	(xrf0) =	vadd.scan.msk.s32 $0xffff, v5;
	v10 =	vadd.s32 s22, v6;
	v11 =	vmov v5;
	v6 =	vmov v9;
	s13 =	smov.u32 s1;
	p2 =	por p0, p0;
	p0 =	por p3, p3  }
0x2de: {  	s3 =	smov.u32 s16;
	s16 =	smov.u32 s12;
	s12 =	smov.u32 s18;
	vm0 =	vge.s32 v10, v1  }
0x2df: {  	s18 =	smov.u32 s19;
	s19 =	smov.u32 s22;
	v10 =	vsel vm0, $0x1, v2  }
0x2e0: {  	v9, _, _ =	vpop (xrf0);
	(xrf0) =	vadd.scan.msk.s32 $0xffff, v10;
	s4 =	spop (v2sf)  }
0x2e1: {  	(v2sf) =	vpush v9, $0xF;
	s5 =	ssub.s32 $0x10, s4;
	p3 =	sgt.s32 s4, $0x0;
	s4 =	ssub.s32 s23, s4;
	v5, _, _ =	vpop (xrf0)  }
0x2e2: {  	s0 =	sadd.s32 $0x10, s0;
	p6 =	por !p3, !p4;
	v10 =	vmov s5;
	p1 =	por p1, p3;
	(v2sf) =	vpush v5, $0xF  }
.Ltmp8:
0x2e3: {  	v5 =	vld [tilespmem:s0+$0x0];
	v9, _, _ =	vpop (xrf0);
	p4 =	por !p1, !p1;
	p3 =	por !p6, !p6;
	vm0 =	veq.s32 v10, v0;
	(pc) =	sbr.rel @p5 .LBB2_17-.Ltmp8, $4  }
0x2e4: {  	s23 =	smov.u32 s21;
	s21 =	smov.u32 s20;
	v13 =	vxor.u32 $0x80000000, v9;
	v11 =	vsub.s32 v9, v11;
	v12 =	vnsel vm0, $0x0, v8;
	s10 =	smov.u32 @p3 s4;
	v8 =	vmovc v7;
	v7 =	vmovc v4  }
0x2e5: {  	s20 =	smov.u32 s17;
	s17 =	smov.u32 s15;
	v4 =	vmov v3;
	(xrf0) =	vmax.scan.msk.u32 $0xffff, v13;
	s4 =	spop (v2sf);
	v3 =	vmov v11  }
0x2e6: {  	s15 =	smov.u32 s2;
	s4 =	sadd.s32 s4, s22;
	v10, _, _ =	vpop (xrf0);
	(xrf0) =	vadd.scan.msk.s32 $0xffff, v12;
	s5 =	spop (v2sf)  }
0x2e7: {  	s1 =	sadd.s32 $0x10, s1;
	s22 =	sadd.s32 $0x80000000, s4;
	(v2sf) =	vpush v10, $0xF;
	s30 =	sadd.s32 s3, s5  }
0x2e8: {  	(xrf0) =	vadd.scan.msk.s32 $0xffff, v5;
	_ =	sdelay $0x3  }
0x2e9: {  	v6 =	vadd.s32 s22, v6;
	s31 =	spop (v2sf);
	s1 =	sadd.s32 $0x10, s0;
	v10, _, _ =	vpop (xrf0)  }
0x2ea: {  	vm0 =	vge.s32 v6, v1;
	s8 =	ssub.s32 $0x10, s31;
	v37 =	vld [tilespmem:s1+$0x0];
	v36, _, _ =	vpop (xrf0)  }
0x2eb: {  	v11 =	vsel vm0, $0x1, v2;
	v12 =	vmov s8;
	(v2sf) =	vpush v10, $0xF;
	v13, _, _ =	vpop (xrf0)  }
0x2ec: {  	vm15 =	veq.s32 v12, v0;
	(xrf0) =	vadd.scan.msk.s32 $0xffff, v11;
	v38 =	vxor.u32 $0x80000000, v13  }
0x2ed: {  	v8 =	vnsel vm15, $0x0, v8;
	(xrf0) =	vmax.scan.msk.u32 $0xffff, v38  }
0x2ee: {  	(xrf0) =	vadd.scan.msk.s32 $0xffff, v8  }
0x2ef: {  	(xrf0) =	vadd.scan.msk.s32 $0xffff, v37  }
0x2f0: {  	s24 =	spop (v2sf)  }
0x2f1: {  	s0 =	sadd.s32 s24, s22  }
0x2f2: {  	s4 =	spop (v2sf);
	s24 =	sadd.s32 $0x80000000, s0;
	v39, _, _ =	vpop (xrf0)  }
0x2f3: {  	s1 =	sadd.s32 $0x10, s1;
	v9 =	vadd.s32 s24, v9;
	v11, _, _ =	vpop (xrf0);
	s0 =	spop (v2sf)  }
0x2f4: {  	v41 =	vld [tilespmem:s1+$0x0];
	vm4 =	vge.s32 v9, v1;
	s2 =	ssub.s32 $0x10, s0;
	v40, _, _ =	vpop (xrf0)  }
0x2f5: {  	v14 =	vsel vm4, $0x1, v2;
	v15 =	vmov s2;
	v16, _, _ =	vpop (xrf0)  }
0x2f6: {  	(xrf0) =	vadd.scan.msk.s32 $0xffff, v14;
	vm5 =	veq.s32 v15, v0;
	v42 =	vxor.u32 $0x80000000, v16  }
0x2f7: {  	v7 =	vnsel vm5, $0x0, v7;
	(xrf0) =	vmax.scan.msk.u32 $0xffff, v42  }
0x2f8: {  	(xrf0) =	vadd.scan.msk.s32 $0xffff, v7  }
0x2f9: {  	(xrf0) =	vadd.scan.msk.s32 $0xffff, v41  }
0x2fa: {  	s25 =	spop (v2sf)  }
0x2fb: {  	s2 =	sadd.s32 s25, s24  }
0x2fc: {  	(v2sf) =	vpush v36, $0xF;
	v43, _, _ =	vpop (xrf0);
	s25 =	sadd.s32 $0x80000000, s2  }
0x2fd: {  	(v2sf) =	vpush v39, $0xF;
	v44 =	vadd.s32 s25, v13;
	v45, _, _ =	vpop (xrf0)  }
0x2fe: {  	vm6 =	vge.s32 v44, v1;
	v47, _, _ =	vpop (xrf0)  }
0x2ff: {  	v46 =	vsel vm6, $0x1, v2;
	v48, _, _ =	vpop (xrf0)  }
0x300: {  	(xrf0) =	vadd.scan.msk.s32 $0xffff, v46;
	v49 =	vxor.u32 $0x80000000, v48  }
0x301: {  	(xrf0) =	vmax.scan.msk.u32 $0xffff, v49  }
0x302: {  	(v2sf) =	vpush v11, $0xF  }
0x303: {  	(v2sf) =	vpush v40, $0xF  }
0x304: {  	(v2sf) =	vpush v43, $0xF  }
0x305: {  	(v2sf) =	vpush v45, $0xF  }
0x306: {  	(v2sf) =	vpush v47, $0xF;
	v50, _, _ =	vpop (xrf0)  }
0x307: {  	(v2sf) =	vpush v50, $0xF;
	v51, _, _ =	vpop (xrf0)  }
0x308: {  	(v2sf) =	vpush v51, $0xF;
	_ =	sdelay $0x2  }
0x309: {  	s7 =	spop (v2sf)  }
0x30a: {  	s1 =	sadd.s32 $0x10, s1;
	s3 =	spop (v2sf)  }
0x30b: {  	v52 =	vld [tilespmem:s1+$0x0];
	s26 =	ssub.s32 $0x10, s3  }
0x30c: {  	v53 =	vmov s26  }
0x30d: {  	vm7 =	veq.s32 v53, v0  }
0x30e: {  	v4 =	vnsel vm7, $0x0, v4  }
0x30f: {  	s28 =	spop (v2sf);
	(xrf0) =	vadd.scan.msk.s32 $0xffff, v4  }
0x310: {  	s6 =	spop (v2sf);
	(xrf0) =	vadd.scan.msk.s32 $0xffff, v52  }
0x311: {  	s1 =	spop (v2sf)  }
0x312: {  	s2 =	sadd.s32 s28, s25;
	s28 =	spop (v2sf)  }
0x313: {  	s26 =	sadd.s32 $0x80000000, s2;
	s5 =	spop (v2sf)  }
0x314: {  	v54 =	vadd.s32 s26, v16;
	s29 =	ssub.s32 $0x10, s1;
	s28 =	sadd.s32 s28, s26;
	s2 =	spop (v2sf)  }
0x315: {  	vm8 =	vge.s32 v54, v1;
	v56 =	vmov s29;
	v55, _, _ =	vpop (xrf0);
	s28 =	sadd.s32 $0x80000000, s28;
	s8 =	ssub.s32 $0x10, s2;
	s29 =	spop (v2sf)  }
0x316: {  	v62 =	vsub.s32 v13, v5;
	v58 =	vsel vm8, $0x1, v2;
	v59, _, _ =	vpop (xrf0);
	v57 =	vmov s8;
	s8 =	sadd.s32 s29, s28  }
0x317: {  	(xrf0) =	vadd.scan.msk.s32 $0xffff, v58;
	vm9 =	veq.s32 v56, v0;
	v60 =	vxor.u32 $0x80000000, v59;
	v61 =	vadd.s32 s28, v48;
	s29 =	sadd.s32 $0x80000000, s8  }
0x318: {  	v3 =	vnsel vm9, $0x0, v3;
	(xrf0) =	vmax.scan.msk.u32 $0xffff, v60;
	vm10 =	vge.s32 v61, v1;
	v63 =	vadd.s32 s29, v59  }
0x319: {  	(xrf0) =	vadd.scan.msk.s32 $0xffff, v3;
	v3 =	vsel vm10, $0x1, v2;
	vm11 =	veq.s32 v57, v0;
	vm12 =	vge.s32 v63, v1  }
0x31a: {  	(xrf0) =	vadd.scan.msk.s32 $0xffff, v3;
	v3 =	vnsel vm11, $0x0, v62;
	v1 =	vsel vm12, $0x1, v2  }
0x31b: {  	(xrf0) =	vadd.scan.msk.s32 $0xffff, v3  }
0x31c: {  	(xrf0) =	vadd.scan.msk.s32 $0xffff, v1  }
0x31d: {  	(v2sf) =	vpush v55, $0xF;
	v1, _, _ =	vpop (xrf0)  }
0x31e: {  	v2, _, _ =	vpop (xrf0);
	(v2sf) =	vpush v1, $0xF  }
0x31f: {  	v1, _, _ =	vpop (xrf0);
	(v2sf) =	vpush v2, $0xF  }
0x320: {  	(v2sf) =	vpush v1, $0xF;
	v1, _, _ =	vpop (xrf0)  }
0x321: {  	(v2sf) =	vpush v1, $0xF;
	v1, _, _ =	vpop (xrf0)  }
0x322: {  	(v2sf) =	vpush v1, $0xF;
	v1, _, _ =	vpop (xrf0)  }
0x323: {  	(v2sf) =	vpush v1, $0xF;
	_ =	sdelay $0x6  }
0x324: {  	s9 =	smov.u32 @p2 s30;
	p5 =	sgt.s32 s31, $0x0  }
0x325: {  	p0 =	por p0, p0;
	p3 =	por p3, p3;
	p6 =	por !p5, !p4  }
0x326: {  	p4 =	por p1, p5;
	s8 =	ssub.s32 s23, s31;
	s31 =	spop (v2sf)  }
0x327: {  	p2 =	por !p6, !p6;
	s4 =	sadd.s32 s16, s4;
	s23 =	spop (v2sf)  }
0x328: {  	p1 =	por !p4, !p4;
	s9 =	smov.u32 @p0 s4;
	s30 =	spop (v2sf)  }
0x329: {  	p5 =	sgt.s32 s0, $0x0;
	s21 =	ssub.s32 s21, s0;
	s30 =	spop (v2sf)  }
0x32a: {  	p6 =	por !p5, !p1;
	p1 =	por p4, p5;
	s16 =	spop (v2sf)  }
0x32b: {  	s10 =	smov.u32 @p2 s8;
	s8 =	ssub.s32 $0x10, s23;
	s4 =	spop (v2sf)  }
0x32c: {  	p0 =	por !p6, !p6;
	v3 =	vsub.s32 v16, v37;
	v1 =	vmov s8;
	s8 =	ssub.s32 $0x10, s16;
	s0 =	spop (v2sf)  }
0x32d: {  	p6 =	por !p1, !p1;
	p4 =	sgt.s32 s3, $0x0;
	vm13 =	veq.s32 v1, v0;
	v1 =	vsub.s32 v48, v41;
	v2 =	vmov s8;
	s8 =	ssub.s32 $0x10, s0  }
0x32e: {  	s7 =	sadd.s32 s12, s7;
	s3 =	ssub.s32 s20, s3;
	p5 =	por !p4, !p6;
	v3 =	vnsel vm13, $0x0, v3;
	vm14 =	veq.s32 v2, v0;
	v2 =	vmov s8  }
0x32f: {  	p6 =	por p3, p3;
	p1 =	por p1, p4;
	p3 =	por !p5, !p5;
	(xrf0) =	vadd.scan.msk.s32 $0xffff, v3;
	v3 =	vsub.s32 v59, v52;
	v1 =	vnsel vm14, $0x0, v1;
	vm15 =	veq.s32 v2, v0  }
0x330: {  	s9 =	smov.u32 @p6 s7;
	p5 =	por !p1, !p1;
	p4 =	por p3, p3;
	(xrf0) =	vadd.scan.msk.s32 $0xffff, v1;
	v0 =	vnsel vm15, $0x0, v3  }
0x331: {  	p6 =	sgt.s32 s1, $0x0;
	s1 =	ssub.s32 s17, s1;
	p2 =	por p2, p2;
	(xrf0) =	vadd.scan.msk.s32 $0xffff, v0  }
0x332: {  	p1 =	por p1, p6;
	s10 =	smov.u32 @p0 s21;
	p2 =	por p2, p2  }
0x333: {  	p0 =	por p0, p0;
	s10 =	smov.u32 @p3 s3;
	s3 =	sadd.s32 s18, s6  }
0x334: {  	s9 =	smov.u32 @p2 s3;
	p2 =	por !p6, !p5;
	s3 =	sadd.s32 s19, s5  }
0x335: {  	p5 =	por p0, p0;
	p6 =	sgt.s32 s2, $0x0;
	p0 =	por !p2, !p2;
	v0, _, _ =	vpop (xrf0)  }
0x336: {  	s9 =	smov.u32 @p5 s3;
	p5 =	por !p1, !p1;
	p2 =	por p4, p4;
	(v2sf) =	vpush v0, $0xF;
	v0, _, _ =	vpop (xrf0)  }
0x337: {  	p1 =	por p1, p6;
	s10 =	smov.u32 @p0 s1;
	p3 =	por !p6, !p5;
	(v2sf) =	vpush v0, $0xF;
	v0, _, _ =	vpop (xrf0)  }
0x338: {  	s1 =	ssub.s32 s15, s2;
	p0 =	por p0, p0;
	p3 =	por !p3, !p3;
	(v2sf) =	vpush v0, $0xF  }
0x339: {  	p4 =	por !p1, !p1;
	p0 =	por p0, p0;
	s10 =	smov.u32 @p3 s1  }
0x33a: {  	s1 =	sadd.s32 s22, s31;
	p3 =	por p3, p3;
	p5 =	sgt.s32 s23, $0x0  }
0x33b: {  	s31 =	rddreg [dreg:$0x9];
	s9 =	smov.u32 @p2 s1;
	p4 =	por !p5, !p4  }
0x33c: {  	s1 =	ssub.s32 s11, s23;
	p1 =	por p1, p5;
	p2 =	por !p4, !p4  }
0x33d: {  	s2 =	sadd.s32 s24, s30;
	p6 =	por !p1, !p1;
	s10 =	smov.u32 @p2 s1  }
0x33e: {  	s9 =	smov.u32 @p0 s2;
	p0 =	por p3, p3;
	p5 =	sgt.s32 s16, $0x0  }
0x33f: {  	p2 =	por p2, p2;
	s1 =	ssub.s32 s14, s16;
	p4 =	por !p5, !p6  }
0x340: {  	p1 =	por p1, p5;
	s2 =	sadd.s32 s25, s4;
	p2 =	por p2, p2  }
0x341: {  	p1 =	por !p1, !p1;
	p3 =	por !p4, !p4;
	s9 =	smov.u32 @p0 s2  }
0x342: {  	p6 =	sgt.s32 s0, $0x0;
	s0 =	ssub.s32 s13, s0;
	s2 =	simm.s32 $0x0  }
0x343: {  	s10 =	smov.u32 @p3 s1;
	p3 =	por p3, p3;
	p0 =	por !p6, !p1  }
0x344: {  	s1 =	sshll.u32 s31, $0x8;
	p0 =	por !p0, !p0;
	p1 =	por p3, p3  }
0x345: {  	s10 =	smov.u32 @p0 s0;
	p0 =	por p0, p0;
	v0 =	vimm.s32 $0x0;
	s25 =	spop (v2sf)  }
0x346: {  	p0 =	por p0, p0;
	[tilespmem:$0xC00] =	vst v0;
	s0 =	sadd.s32 s26, s25;
	s26 =	spop (v2sf)  }
0x347: {  	[tilespmem:$0xC10] =	vst v0;
	s9 =	smov.u32 @p2 s0;
	s0 =	sadd.s32 s28, s26;
	s30 =	spop (v2sf)  }
0x348: {  	s7 =	sor.u32 s1, s10;
	[tilespmem:$0xC20] =	vst v0;
	s9 =	smov.u32 @p1 s0;
	s0 =	sadd.s32 s29, s30  }
0x349: {  	s1 =	simm.s32 $0x40;
	v1 =	vmov s7;
	[tilespmem:$0xC30] =	vst v0;
	v0 =	vimm.s32 $0x1;
	s9 =	smov.u32 @p0 s0;
	s0 =	simm.s32 $0xC00  }
.LBB2_19:
0x34a: {  	p0 =	sne.s32 s1, $0xFC0;
	v2 =	vld [tilespmem:s2+$0x0];
	_ =	sdelay $0x4  }
0x34b: {  	v3 =	vshra.s32 v2, $0x6  }
0x34c: {  	vm0 =	veq.s32 v3, v1  }
0x34d: {  	v2 =	vand.u32 $0x3F, v2  }
.Ltmp9:
0x34e: {  	(pc) =	sbr.rel @p0 .LBB2_19-.Ltmp9, $2  }
0x34f: {  	_ =	sdelay $0x2  }
0x350: {  	s2 =	sshra.s32 s1, $0x2;
	s1 =	sadd.s32 $0x40, s1;
	[tilespmem:v2+s0+$0x0] =	vst.idx.add.s32.msk vm0, v0  }
0x351: {  	v2 =	vld [tilespmem:s2+$0x0];
	_ =	sdelay $0x4  }
0x352: {  	v3 =	vshra.s32 v2, $0x6  }
0x353: {  	vm0 =	veq.s32 v3, v1  }
0x354: {  	v1 =	vand.u32 $0x3F, v2;
	_ =	sdelay $0x2  }
0x355: {  	s1 =	rddreg [dreg:$0x4]  }
0x356: {  	s23 =	rddreg [dreg:$0x7];
	s1 =	sadd.s32 $0x3000, s1  }
0x357: {  	s24 =	simm.s32 $0xC00;
	s25 =	simm.s32 $0x1;
	[tilespmem:v1+s0+$0x0] =	vst.idx.add.s32.msk vm0, v0;
	s0 =	sadd.s32 s23, s1  }
0x358: {  	[spmem:s0] =	stream.linear.scatter [tilespmem:s24], [sflag:$0x1], $0x40, $0x38;
	[tilespmem:$0x2A90] =	vst v63  }
0x359: {  	_ =	swait.ge [sflag:s25], $0x40  }
0x35a: {  	[sflag:s25] =	ssyncset.done $0x0  }
0x35b: {  	[sflag:s25] =	ssyncadd.s32 $0xFFFFFFC0  }
0x35c: {  	s26 =	simm.s32 $0xD00;
	[bflag:$0x0] =	sbarrier.arrive $0xFFFF  }
0x35d: {  	[tilespmem:s26], [sflag:$0x1] =	stream.linear.gather [spmem:s1], $0x1000, $0x38;
	[tilespmem:$0x2A90] =	vst v63  }
0x35e: {  	_ =	swait.ge [sflag:s25], $0x1000  }
0x35f: {  	[sflag:s25] =	ssyncset.done $0x0  }
0x360: {  	[sflag:s25] =	ssyncadd.s32 $0xFFFFF000  }
0x361: {  	v0 =	vld [tilespmem:$0xD00]  }
0x362: {  	v1 =	vld [tilespmem:$0xD80]  }
0x363: {  	v2 =	vld [tilespmem:$0xE00]  }
0x364: {  	v3 =	vld [tilespmem:$0xE80]  }
0x365: {  	v4 =	vld [tilespmem:$0xF00]  }
0x366: {  	v5 =	vld [tilespmem:$0xF80]  }
0x367: {  	v6 =	vld [tilespmem:$0x1000]  }
0x368: {  	v7 =	vld [tilespmem:$0x1080]  }
0x369: {  	v8 =	vld [tilespmem:$0x1500]  }
0x36a: {  	v9 =	vld [tilespmem:$0x1580]  }
0x36b: {  	v10 =	vld [tilespmem:$0x1600]  }
0x36c: {  	v11 =	vld [tilespmem:$0x1680]  }
0x36d: {  	v12 =	vld [tilespmem:$0x1700]  }
0x36e: {  	v13 =	vld [tilespmem:$0x1780]  }
0x36f: {  	v14 =	vld [tilespmem:$0x1800]  }
0x370: {  	v15 =	vld [tilespmem:$0x1880]  }
0x371: {  	v16 =	vld [tilespmem:$0xD10]  }
0x372: {  	v17 =	vld [tilespmem:$0xD90]  }
0x373: {  	v18 =	vld [tilespmem:$0xE10]  }
0x374: {  	v19 =	vld [tilespmem:$0xE90]  }
0x375: {  	v20 =	vld [tilespmem:$0xF10]  }
0x376: {  	v21 =	vld [tilespmem:$0xF90]  }
0x377: {  	v22 =	vld [tilespmem:$0x1010]  }
0x378: {  	v23 =	vld [tilespmem:$0x1090]  }
0x379: {  	v24 =	vld [tilespmem:$0x1510]  }
0x37a: {  	v25 =	vld [tilespmem:$0x1590]  }
0x37b: {  	v26 =	vld [tilespmem:$0x1610]  }
0x37c: {  	v27 =	vld [tilespmem:$0x1690]  }
0x37d: {  	v28 =	vld [tilespmem:$0x1710]  }
0x37e: {  	v29 =	vld [tilespmem:$0x1790]  }
0x37f: {  	v30 =	vld [tilespmem:$0x1810]  }
0x380: {  	v31 =	vld [tilespmem:$0x1890]  }
0x381: {  	v32 =	vld [tilespmem:$0xD20]  }
0x382: {  	v33 =	vld [tilespmem:$0xDA0]  }
0x383: {  	v34 =	vld [tilespmem:$0xE20]  }
0x384: {  	v35 =	vld [tilespmem:$0xEA0]  }
0x385: {  	v36 =	vld [tilespmem:$0xF20]  }
0x386: {  	v37 =	vld [tilespmem:$0xFA0]  }
0x387: {  	v38 =	vld [tilespmem:$0x1020]  }
0x388: {  	v41 =	vld [tilespmem:$0x1720]  }
0x389: {  	v42 =	vld [tilespmem:$0x17A0];
	v0 =	vadd.s32 v0, v1  }
0x38a: {  	v43 =	vld [tilespmem:$0x1820];
	v0 =	vadd.s32 v2, v0  }
0x38b: {  	v44 =	vld [tilespmem:$0x18A0];
	v0 =	vadd.s32 v3, v0  }
0x38c: {  	v45 =	vld [tilespmem:$0xD30];
	v0 =	vadd.s32 v4, v0  }
0x38d: {  	v46 =	vld [tilespmem:$0xDB0];
	v0 =	vadd.s32 v5, v0  }
0x38e: {  	v47 =	vld [tilespmem:$0xE30];
	v0 =	vadd.s32 v6, v0  }
0x38f: {  	v48 =	vld [tilespmem:$0xEB0];
	v0 =	vadd.s32 v7, v0  }
0x390: {  	v50 =	vld [tilespmem:$0xF30];
	v0 =	vadd.s32 v8, v0  }
0x391: {  	v52 =	vld [tilespmem:$0xFB0];
	v0 =	vadd.s32 v9, v0  }
0x392: {  	v53 =	vld [tilespmem:$0x1030];
	v0 =	vadd.s32 v10, v0  }
0x393: {  	v54 =	vld [tilespmem:$0x10B0];
	v0 =	vadd.s32 v11, v0  }
0x394: {  	v55 =	vld [tilespmem:$0x1530];
	v0 =	vadd.s32 v12, v0  }
0x395: {  	v56 =	vld [tilespmem:$0x15B0];
	v49 =	vadd.s32 v16, v17;
	v51 =	vadd.s32 v32, v33;
	v0 =	vadd.s32 v13, v0  }
0x396: {  	v57 =	vld [tilespmem:$0x1630];
	v10 =	vadd.s32 v45, v46;
	v0 =	vadd.s32 v14, v0;
	v14 =	vadd.s32 v18, v49  }
0x397: {  	v1 =	vld [tilespmem:$0x10A0];
	v0 =	vadd.s32 v15, v0;
	v14 =	vadd.s32 v19, v14;
	v15 =	vadd.s32 v34, v51  }
0x398: {  	v2 =	vld [tilespmem:$0x1520];
	v10 =	vadd.s32 v47, v10;
	v14 =	vadd.s32 v20, v14;
	v15 =	vadd.s32 v35, v15  }
0x399: {  	v3 =	vld [tilespmem:$0x15A0];
	v10 =	vadd.s32 v48, v10;
	v14 =	vadd.s32 v21, v14;
	v15 =	vadd.s32 v36, v15  }
0x39a: {  	v4 =	vld [tilespmem:$0x1620];
	v10 =	vadd.s32 v50, v10;
	v14 =	vadd.s32 v22, v14;
	v15 =	vadd.s32 v37, v15  }
0x39b: {  	v5 =	vld [tilespmem:$0x16A0];
	v10 =	vadd.s32 v52, v10;
	v14 =	vadd.s32 v23, v14;
	v15 =	vadd.s32 v38, v15  }
0x39c: {  	v58 =	vld [tilespmem:$0x16B0];
	v10 =	vadd.s32 v53, v10;
	v14 =	vadd.s32 v24, v14;
	v1 =	vadd.s32 v1, v15  }
0x39d: {  	v59 =	vld [tilespmem:$0x1730];
	v14 =	vadd.s32 v25, v14;
	v1 =	vadd.s32 v2, v1;
	v2 =	vadd.s32 v54, v10  }
0x39e: {  	v60 =	vadd.s32 v26, v14;
	v1 =	vadd.s32 v3, v1;
	v2 =	vadd.s32 v55, v2;
	v3 =	vld [tilespmem:$0x17B0]  }
0x39f: {  	v12 =	vadd.s32 v27, v60;
	v1 =	vadd.s32 v4, v1;
	v2 =	vadd.s32 v56, v2;
	v4 =	vld [tilespmem:$0x1830]  }
0x3a0: {  	v12 =	vadd.s32 v28, v12;
	v1 =	vadd.s32 v5, v1;
	v2 =	vadd.s32 v57, v2;
	v5 =	vld [tilespmem:$0x18B0]  }
0x3a1: {  	v12 =	vadd.s32 v29, v12;
	v1 =	vadd.s32 v41, v1;
	v2 =	vadd.s32 v58, v2  }
0x3a2: {  	v61 =	vadd.s32 v30, v12;
	v1 =	vadd.s32 v42, v1;
	v2 =	vadd.s32 v59, v2  }
0x3a3: {  	[tilespmem:$0x1D00] =	vst v0;
	v0 =	vadd.s32 v31, v61;
	v1 =	vadd.s32 v43, v1;
	v2 =	vadd.s32 v3, v2  }
0x3a4: {  	[tilespmem:$0x1D10] =	vst v0;
	v0 =	vadd.s32 v44, v1;
	v1 =	vadd.s32 v4, v2  }
0x3a5: {  	[tilespmem:$0x1D20] =	vst v0;
	v0 =	vadd.s32 v5, v1  }
0x3a6: {  	s28 =	simm.s32 $0x1D00;
	[tilespmem:$0x1D30] =	vst v0  }
0x3a7: {  	v3 =	vld [tilespmem:s28+$0x0];
	_ =	sdelay $0x4  }
0x3a8: {  	(xrf0) =	vadd.scan.msk.s32 $0xffff, v3;
	_ =	sdelay $0x4  }
0x3a9: {  	s29 =	rddreg [dreg:$0xa]  }
0x3aa: {  	s8 =	simm.s32 $0x0;
	s5 =	ssub.s32 s29, s9;
	v4, _, _ =	vpop (xrf0)  }
0x3ab: {  	v0 =	vmov s5;
	v2 =	vadd.s32 s8, v4  }
0x3ac: {  	v1 =	vimm.s32 $0x0;
	v5 =	vxor.u32 $0x80000000, v4;
	vm13 =	vge.s32 v2, v0  }
0x3ad: {  	(xrf0) =	vmax.scan.msk.u32 $0xffff, v5;
	v2 =	vsel vm13, $0x1, v1  }
0x3ae: {  	(xrf0) =	vadd.scan.msk.s32 $0xffff, v2;
	_ =	sdelay $0x4  }
0x3af: {  	v2, _, _ =	vpop (xrf0)  }
0x3b0: {  	(v2sf) =	vpush v2, $0xF;
	v2, _, _ =	vpop (xrf0)  }
0x3b1: {  	(v2sf) =	vpush v2, $0xF;
	_ =	sdelay $0xc  }
0x3b2: {  	s0 =	simm.s32 $0x1D10  }
0x3b3: {  	v5 =	vld [tilespmem:s0+$0x0];
	s30 =	spop (v2sf)  }
0x3b4: {  	s3 =	spop (v2sf)  }
0x3b5: {  	s31 =	ssub.s32 $0x10, s3  }
0x3b6: {  	v2 =	vlaneseq.u32;
	v62 =	vmov s31  }
0x3b7: {  	v3 =	vsub.s32 v4, v3;
	vm14 =	veq.s32 v62, v2  }
0x3b8: {  	(xrf0) =	vadd.scan.msk.s32 $0xffff, v5;
	v3 =	vnsel vm14, $0x0, v3  }
0x3b9: {  	(xrf0) =	vadd.scan.msk.s32 $0xffff, v3;
	_ =	sdelay $0x4  }
0x3ba: {  	v3, _, _ =	vpop (xrf0)  }
0x3bb: {  	v4, _, _ =	vpop (xrf0)  }
0x3bc: {  	(v2sf) =	vpush v4, $0xF;
	_ =	sdelay $0x2  }
0x3bd: {  	s1 =	sadd.s32 $0x0, s30  }
0x3be: {  	s9 =	sadd.s32 $0x80000000, s1  }
0x3bf: {  	v63 =	vxor.u32 $0x80000000, v3;
	v4 =	vadd.s32 s9, v3  }
0x3c0: {  	(xrf0) =	vmax.scan.msk.u32 $0xffff, v63;
	vm15 =	vge.s32 v4, v0  }
0x3c1: {  	v4 =	vsel vm15, $0x1, v1  }
0x3c2: {  	(xrf0) =	vadd.scan.msk.s32 $0xffff, v4;
	_ =	sdelay $0x3  }
0x3c3: {  	v4, _, _ =	vpop (xrf0)  }
0x3c4: {  	(v2sf) =	vpush v4, $0xF  }
0x3c5: {  	v4, _, _ =	vpop (xrf0)  }
0x3c6: {  	s4 =	spop (v2sf);
	(v2sf) =	vpush v4, $0xF;
	_ =	sdelay $0x4  }
0x3c7: {  	p0 =	por $0x0, $0x0;
	s2 =	simm.s32 $0x30  }
0x3c8: {  	s6 =	simm.s32 $0x0;
	p1 =	por !p0, !p0;
	p2 =	sgt.s32 s3, $0x0  }
0x3c9: {  	s1 =	simm.s32 $0x20;
	s10 =	ssub.s32 $0x10, s3;
	p1 =	por !p2, !p1  }
0x3ca: {  	p0 =	por p0, p2;
	p2 =	por !p1, !p1;
	v3 =	vsub.s32 v3, v5;
	s3 =	sadd.s32 $0x0, s4  }
.LBB2_21:
0x3cb: {  	p1 =	sne.s32 s2, $0x40;
	s8 =	smov.u32 @p2 s10;
	s6 =	smov.u32 @p2 s3  }
0x3cc: {  	s3 =	smov.u32 s1;
	s1 =	smov.u32 s2;
	s4 =	smov.u32 s9  }
0x3cd: {  	s2 =	sadd.s32 $0x10, s2;
	s0 =	sadd.s32 $0x10, s0  }
0x3ce: {  	v4 =	vld [tilespmem:s0+$0x0]  }
0x3cf: {  	s10 =	spop (v2sf)  }
0x3d0: {  	s9 =	sadd.s32 s10, s9  }
0x3d1: {  	s9 =	sadd.s32 $0x80000000, s9;
	s10 =	spop (v2sf)  }
0x3d2: {  	p2 =	por !p0, !p0;
	s11 =	ssub.s32 $0x10, s10;
	p3 =	sgt.s32 s10, $0x0  }
0x3d3: {  	(xrf0) =	vadd.scan.msk.s32 $0xffff, v4;
	p2 =	por !p3, !p2;
	v5 =	vmov s11;
	p0 =	por p0, p3  }
0x3d4: {  	vm0 =	veq.s32 v5, v2  }
0x3d5: {  	v3 =	vnsel vm0, $0x0, v3  }
0x3d6: {  	(xrf0) =	vadd.scan.msk.s32 $0xffff, v3;
	_ =	sdelay $0x2  }
0x3d7: {  	v3, _, _ =	vpop (xrf0)  }
0x3d8: {  	v7 =	vxor.u32 $0x80000000, v3;
	v6 =	vadd.s32 s9, v3;
	v3 =	vsub.s32 v3, v4  }
0x3d9: {  	vm0 =	vge.s32 v6, v0;
	(xrf0) =	vmax.scan.msk.u32 $0xffff, v7  }
0x3da: {  	v4 =	vsel vm0, $0x1, v1;
	v5, _, _ =	vpop (xrf0)  }
0x3db: {  	(xrf0) =	vadd.scan.msk.s32 $0xffff, v4;
	(v2sf) =	vpush v5, $0xF;
	_ =	sdelay $0x3  }
0x3dc: {  	v4, _, _ =	vpop (xrf0)  }
0x3dd: {  	(v2sf) =	vpush v4, $0xF  }
0x3de: {  	v4, _, _ =	vpop (xrf0)  }
0x3df: {  	(v2sf) =	vpush v4, $0xF;
	_ =	sdelay $0x4  }
.Ltmp10:
0x3e0: {  	(pc) =	sbr.rel @p1 .LBB2_21-.Ltmp10, $3  }
0x3e1: {  	_ =	sdelay $0x1  }
0x3e2: {  	s11 =	spop (v2sf)  }
0x3e3: {  	s10 =	ssub.s32 s3, s10;
	p2 =	por !p2, !p2;
	s3 =	sadd.s32 s4, s11  }
0x3e4: {  	_ =	sdelay $0x3  }
0x3e5: {  	s0 =	spop (v2sf)  }
0x3e6: {  	s0 =	spop (v2sf)  }
0x3e7: {  	s2 =	ssub.s32 $0x10, s0  }
0x3e8: {  	v0 =	vmov s2  }
0x3e9: {  	vm0 =	veq.s32 v0, v2  }
0x3ea: {  	v0 =	vnsel vm0, $0x0, v3  }
0x3eb: {  	(xrf0) =	vadd.scan.msk.s32 $0xffff, v0;
	_ =	sdelay $0x3  }
0x3ec: {  	p0 =	por !p0, !p0;
	s24 =	simm.s32 $0x0;
	p1 =	sgt.s32 s0, $0x0  }
0x3ed: {  	s8 =	smov.u32 @p2 s10;
	p0 =	por !p1, !p0;
	v2 =	vld [tilespmem:s24+$0x0]  }
0x3ee: {  	s25 =	simm.s32 $0x10;
	s0 =	ssub.s32 s1, s0;
	p0 =	por !p0, !p0;
	v0, _, _ =	vpop (xrf0)  }
0x3ef: {  	s26 =	simm.s32 $0x20;
	s28 =	sshll.u32 s7, $0x6;
	v3 =	vld [tilespmem:s25+$0x0];
	s8 =	smov.u32 @p0 s0;
	(v2sf) =	vpush v0, $0xF  }
0x3f0: {  	v4 =	vld [tilespmem:s26+$0x0];
	s0 =	sor.u32 s28, s8  }
0x3f1: {  	v0 =	vmov s0  }
0x3f2: {  	v1 =	vimm.s32 $0x0;
	vm12 =	veq.s32 v2, v0  }
0x3f3: {  	v2 =	vsel vm12, $0x1, v1  }
0x3f4: {  	vm13 =	veq.s32 v3, v0;
	(xrf0) =	vadd.scan.msk.s32 $0xffff, v2  }
0x3f5: {  	vm14 =	veq.s32 v4, v0;
	v2 =	vsel vm13, $0x1, v1  }
0x3f6: {  	(xrf0) =	vadd.scan.msk.s32 $0xffff, v2;
	v2 =	vsel vm14, $0x1, v1  }
0x3f7: {  	s29 =	simm.s32 $0x30;
	(xrf0) =	vadd.scan.msk.s32 $0xffff, v2  }
0x3f8: {  	v3 =	vld [tilespmem:s29+$0x0];
	_ =	sdelay $0x1  }
0x3f9: {  	v2, _, _ =	vpop (xrf0)  }
0x3fa: {  	(v2sf) =	vpush v2, $0xF  }
0x3fb: {  	v2, _, _ =	vpop (xrf0)  }
0x3fc: {  	vm15 =	veq.s32 v3, v0;
	(v2sf) =	vpush v2, $0xF;
	v3, _, _ =	vpop (xrf0)  }
0x3fd: {  	s30 =	spop (v2sf);
	(v2sf) =	vpush v3, $0xF;
	_ =	sdelay $0x5  }
0x3fe: {  	s31 =	simm.s32 $0x40;
	v2 =	vsel vm15, $0x1, v1  }
0x3ff: {  	(xrf0) =	vadd.scan.msk.s32 $0xffff, v2;
	v2 =	vld [tilespmem:s31+$0x0]  }
0x400: {  	s6 =	smov.u32 @p2 s3;
	s0 =	sadd.s32 s9, s30  }
0x401: {  	s1 =	simm.s32 $0x140;
	s6 =	smov.u32 @p0 s0;
	s0 =	simm.s32 $0x0  }
.LBB2_23:
0x402: {  	p0 =	sne.s32 s1, $0xFC0  }
.Ltmp11:
0x403: {  	s2 =	sshra.s32 s1, $0x2;
	(pc) =	sbr.rel @p0 .LBB2_23-.Ltmp11, $4  }
0x404: {  	s1 =	sadd.s32 $0x40, s1;
	s3 =	spop (v2sf);
	vm0 =	veq.s32 v2, v0  }
0x405: {  	s0 =	sadd.s32 s0, s3;
	v2 =	vld [tilespmem:s2+$0x0];
	v4 =	vsel vm0, $0x1, v1  }
0x406: {  	(xrf0) =	vadd.scan.msk.s32 $0xffff, v4;
	v3, _, _ =	vpop (xrf0)  }
0x407: {  	(v2sf) =	vpush v3, $0xF  }
0x408: {  	_ =	sdelay $0x1  }
0x409: {  	vm0 =	veq.s32 v2, v0  }
0x40a: {  	v1 =	vsel vm0, $0x1, v1  }
0x40b: {  	(xrf0) =	vadd.scan.msk.s32 $0xffff, v1;
	_ =	sdelay $0x4  }
0x40c: {  	v1, _, _ =	vpop (xrf0)  }
0x40d: {  	(v2sf) =	vpush v1, $0xF;
	v1, _, _ =	vpop (xrf0)  }
0x40e: {  	(v2sf) =	vpush v1, $0xF;
	_ =	sdelay $0xa  }
0x40f: {  	s1 =	spop (v2sf)  }
0x410: {  	s2 =	spop (v2sf);
	s0 =	sadd.s32 s0, s1  }
0x411: {  	s0 =	sadd.s32 s0, s2;
	s22 =	spop (v2sf)  }
0x412: {  	s0 =	sadd.s32 s0, s22;
	s23 =	spop (v2sf)  }
0x413: {  	s3 =	stileid.u32;
	s0 =	sadd.s32 s0, s23;
	s24 =	spop (v2sf)  }
0x414: {  	v2 =	vlaneseq.u32;
	v1 =	vmov s3;
	s0 =	sadd.s32 s0, s24  }
0x415: {  	s10 =	rddreg [dreg:$0x6];
	vm0 =	veq.s32 v1, v2;
	v3 =	vmov s0  }
0x416: {  	s25 =	rddreg [dreg:$0x3];
	v3 =	vnsel vm0, $0x0, v3  }
0x417: {  	s28 =	simm.s32 $0x1E00;
	s29 =	simm.s32 $0x1;
	s26 =	sadd.s32 s10, s25;
	[tilespmem:$0x1E00] =	vst v3  }
0x418: {  	[spmem:s26] =	stream.linear.scatter [tilespmem:s28], [sflag:$0x1], $0x80, $0x38;
	[tilespmem:$0x2A90] =	vst v63  }
0x419: {  	_ =	swait.ge [sflag:s29], $0x80  }
0x41a: {  	[sflag:s29] =	ssyncset.done $0x0  }
0x41b: {  	[sflag:s29] =	ssyncadd.s32 $0xFFFFFF80  }
0x41c: {  	s30 =	simm.s32 $0x1E80;
	[bflag:$0x0] =	sbarrier.arrive $0xFFFF  }
0x41d: {  	[tilespmem:s30], [sflag:$0x1] =	stream.linear.gather [spmem:s25], $0x800, $0x38;
	[tilespmem:$0x2A90] =	vst v63  }
0x41e: {  	_ =	swait.ge [sflag:s29], $0x800  }
0x41f: {  	[sflag:s29] =	ssyncset.done $0x0  }
0x420: {  	[sflag:s29] =	ssyncadd.s32 $0xFFFFF800  }
0x421: {  	v3 =	vld [tilespmem:$0x1E80]  }
0x422: {  	v4 =	vld [tilespmem:$0x1F00]  }
0x423: {  	v5 =	vld [tilespmem:$0x1F80]  }
0x424: {  	v6 =	vld [tilespmem:$0x2000]  }
0x425: {  	v7 =	vld [tilespmem:$0x2080]  }
0x426: {  	v8 =	vld [tilespmem:$0x2100]  }
0x427: {  	v3 =	vadd.s32 v3, v4;
	v4 =	vld [tilespmem:$0x2180]  }
0x428: {  	v3 =	vadd.s32 v5, v3;
	v5 =	vld [tilespmem:$0x2200]  }
0x429: {  	v3 =	vadd.s32 v6, v3;
	v6 =	vld [tilespmem:$0x2280]  }
0x42a: {  	v3 =	vadd.s32 v7, v3;
	v7 =	vld [tilespmem:$0x2300]  }
0x42b: {  	v3 =	vadd.s32 v8, v3;
	v8 =	vld [tilespmem:$0x2380]  }
0x42c: {  	v3 =	vadd.s32 v4, v3;
	v4 =	vld [tilespmem:$0x2400]  }
0x42d: {  	v3 =	vadd.s32 v5, v3;
	v5 =	vld [tilespmem:$0x2480]  }
0x42e: {  	v3 =	vadd.s32 v6, v3  }
0x42f: {  	v6 =	vld [tilespmem:$0x2500];
	v3 =	vadd.s32 v7, v3  }
0x430: {  	v7 =	vld [tilespmem:$0x2580];
	v3 =	vadd.s32 v8, v3  }
0x431: {  	s7 =	simm.s32 $0x0;
	v8 =	vld [tilespmem:$0x2600];
	v3 =	vadd.s32 v4, v3  }
0x432: {  	v3 =	vadd.s32 v5, v3;
	v5 =	vld [tilespmem:s7+$0x0];
	_ =	sdelay $0x1  }
0x433: {  	s4 =	simm.s32 $0x10;
	v3 =	vadd.s32 v6, v3  }
0x434: {  	vm0 =	vgt.u32 v1, v2;
	v2 =	vld [tilespmem:s4+$0x0];
	v3 =	vadd.s32 v7, v3  }
0x435: {  	v1 =	vadd.s32 v8, v3  }
0x436: {  	v4 =	vimm.s32 $0x0;
	v1 =	vnsel vm0, $0x0, v1;
	vm0 =	veq.s32 v5, v0  }
0x437: {  	(xrf0) =	vadd.scan.msk.s32 $0xffff, v1;
	v1 =	vsel vm0, $0x1, v4  }
0x438: {  	(xrf0) =	vadd.scan.msk.s32 $0xffff, v1  }
0x439: {  	vm1 =	veq.s32 v2, v0  }
0x43a: {  	v1 =	vsel vm1, $0x1, v4  }
0x43b: {  	s8 =	simm.s32 $0x20  }
0x43c: {  	v6 =	vld [tilespmem:s8+$0x0];
	(xrf0) =	vadd.scan.msk.s32 $0xffff, v1  }
0x43d: {  	v1, _, _ =	vpop (xrf0)  }
0x43e: {  	v7, _, _ =	vpop (xrf0)  }
0x43f: {  	(v2sf) =	vpush v1, $0xF;
	v1 =	vxor.u32 $0x80000000, v7  }
0x440: {  	s9 =	simm.s32 $0x30;
	(xrf0) =	vmax.scan.msk.u32 $0xffff, v1  }
0x441: {  	v8 =	vld [tilespmem:s9+$0x0];
	vm2 =	veq.s32 v6, v0  }
0x442: {  	v3, _, _ =	vpop (xrf0);
	v1 =	vsel vm2, $0x1, v4  }
0x443: {  	v9 =	vxor.u32 $0x80000000, v3;
	(xrf0) =	vadd.scan.msk.s32 $0xffff, v1  }
0x444: {  	(xrf0) =	vmax.scan.msk.u32 $0xffff, v9;
	_ =	sdelay $0x1  }
0x445: {  	vm4 =	vlt.s32 v2, v0;
	vm8 =	veq.s32 v8, v0;
	v2, _, _ =	vpop (xrf0)  }
0x446: {  	(v2sf) =	vpush v2, $0xF;
	v2 =	vsel vm8, $0x1, v4  }
0x447: {  	vm4 =	vmmov vm4  }
0x448: {  	vm4 =	vmmov vm4;
	vm3 =	vlt.s32 v5, v0;
	v5, _, _ =	vpop (xrf0)  }
0x449: {  	vm4 =	vmmov vm4;
	(xrf0) =	vadd.scan.msk.s32 $0xffff, v2;
	v2, _, _ =	vpop (xrf0)  }
0x44a: {  	vm0 =	vmmov vm0;
	vm3 =	vmmov vm3;
	(v2sf) =	vpush v2, $0xF  }
0x44b: {  	s31 =	ssub.s32 s5, s6;
	s5 =	simm.s32 $0x40;
	v10 =	vld [tilespmem:s7+$0x400];
	vm5 =	vlt.s32 v6, v0;
	vm0 =	vmmov vm0;
	vm1 =	vmmov vm1  }
0x44c: {  	vm3 =	vmmov vm3;
	vm5 =	vmmov vm5;
	v9 =	vld [tilespmem:s5+$0x0];
	v11 =	vxor.u32 $0x80000000, v5  }
0x44d: {  	v6 =	vld [tilespmem:s8+$0x400];
	vm0 =	vmmov vm0;
	vm1 =	vmmov vm1;
	vm9 =	vmmov vm3;
	(xrf0) =	vmax.scan.msk.u32 $0xffff, v11  }
0x44e: {  	vm10 =	vlt.s32 v8, v0;
	v8 =	vld [tilespmem:s4+$0x400];
	vm3 =	vmmov vm0;
	vm6 =	vmmov vm1  }
0x44f: {  	vm1 =	vmmov vm8;
	vm9 =	vmmov vm9;
	vm0 =	vmmov vm5;
	v2 =	vld [tilespmem:s9+$0x400];
	s0 =	spop (v2sf)  }
0x450: {  	vm2 =	vmmov vm2;
	v1 =	vmov s31;
	v12 =	vadd.s32 s0, v7;
	v7 =	vld [tilespmem:s5+$0x400]  }
0x451: {  	vm7 =	vmmov vm2;
	vm2 =	vmmov vm10;
	vm8 =	veq.s32 v9, v0  }
0x452: {  	s6 =	simm.s32 $0x50;
	s1 =	simm.s32 $0x180;
	vm5 =	vlt.s32 v9, v0;
	v11 =	vsel vm8, $0x1, v4;
	v9, _, _ =	vpop (xrf0);
	vm11 =	vle.s32 v12, v1  }
.LBB2_25:
0x453: {  	p0 =	sne.s32 s1, $0xFC0;
	v12 =	vld [tilespmem:s6+$0x0];
	(xrf0) =	vadd.scan.msk.s32 $0xffff, v11;
	v11 =	vxor.u32 $0x80000000, v9;
	v13, _, _ =	vpop (xrf0);
	vm10 =	vmand vm3, vm11;
	vm3 =	vmmov vm6  }
0x454: {  	vm6 =	vmmov vm7;
	v14 =	vld [tilespmem:s6+$0x400];
	(xrf0) =	vmax.scan.msk.u32 $0xffff, v11;
	(v2sf) =	vpush v13, $0xF;
	vm9 =	vmor vm9, vm10  }
.Ltmp12:
0x455: {  	v11 =	vnsel vm9, $0x0, v10;
	s2 =	spop (v2sf);
	v10 =	vmovc v8;
	v8 =	vmovc v6;
	v6 =	vmov v2;
	v2 =	vmov v7;
	(pc) =	sbr.rel @p0 .LBB2_25-.Ltmp12, $4  }
0x456: {  	vm7 =	vmmov vm1;
	vm1 =	vmmov vm8;
	vm9 =	vmmov vm4;
	[tilespmem:s7+$0x800] =	vst v11;
	s0 =	sadd.s32 s2, s0;
	s7 =	smov.u32 s4;
	s4 =	smov.u32 s8  }
0x457: {  	vm4 =	vmmov vm0;
	vm0 =	vmmov vm2;
	vm2 =	vmmov vm5;
	s8 =	smov.u32 s9;
	s9 =	smov.u32 s5;
	s0 =	sadd.s32 $0x80000000, s0  }
0x458: {  	s5 =	smov.u32 s6;
	vm8 =	veq.s32 v12, v0;
	vm5 =	vlt.s32 v12, v0;
	v12 =	vadd.s32 s0, v3;
	v3 =	vmovc v5;
	v5 =	vmovc v9  }
0x459: {  	s6 =	sshra.s32 s1, $0x2;
	s1 =	sadd.s32 $0x40, s1;
	v11 =	vsel vm8, $0x1, v4;
	v9, _, _ =	vpop (xrf0);
	vm11 =	vle.s32 v12, v1;
	v7 =	vmov v14  }
0x45a: {  	v12 =	vld [tilespmem:s6+$0x0];
	(xrf0) =	vadd.scan.msk.s32 $0xffff, v11;
	_ =	sdelay $0x4  }
0x45b: {  	v48 =	vxor.u32 $0x80000000, v9;
	v13, _, _ =	vpop (xrf0);
	vm10 =	veq.s32 v12, v0  }
0x45c: {  	(xrf0) =	vmax.scan.msk.u32 $0xffff, v48;
	v4 =	vsel vm10, $0x1, v4;
	v49, _, _ =	vpop (xrf0)  }
0x45d: {  	(xrf0) =	vadd.scan.msk.s32 $0xffff, v4;
	v50 =	vxor.u32 $0x80000000, v49  }
0x45e: {  	(xrf0) =	vmax.scan.msk.u32 $0xffff, v50;
	_ =	sdelay $0x2  }
0x45f: {  	(v2sf) =	vpush v13, $0xF  }
0x460: {  	v51, _, _ =	vpop (xrf0)  }
0x461: {  	(v2sf) =	vpush v51, $0xF;
	v52, _, _ =	vpop (xrf0)  }
0x462: {  	v53, _, _ =	vpop (xrf0)  }
0x463: {  	(v2sf) =	vpush v53, $0xF;
	_ =	sdelay $0x1  }
0x464: {  	vm3 =	vmand vm3, vm11;
	v54 =	vxor.u32 $0x80000000, v52  }
0x465: {  	vm6 =	vmmov vm6;
	vm7 =	vmmov vm7;
	vm1 =	vmmov vm1;
	(xrf0) =	vmax.scan.msk.u32 $0xffff, v54  }
0x466: {  	vm13 =	vmmov vm8;
	vm4 =	vmmov vm4;
	vm0 =	vmmov vm0  }
0x467: {  	s1 =	spop (v2sf);
	vm2 =	vmmov vm2;
	vm5 =	vmmov vm5;
	vm3 =	vmor vm9, vm3  }
0x468: {  	s0 =	sadd.s32 s1, s0;
	vm12 =	vmmov vm7;
	vm1 =	vmmov vm1;
	vm0 =	vmmov vm0  }
0x469: {  	vm2 =	vmmov vm2;
	vm5 =	vmmov vm5;
	s0 =	sadd.s32 $0x80000000, s0;
	v10 =	vnsel vm3, $0x0, v10  }
0x46a: {  	vm3 =	vmmov vm13;
	vm1 =	vmmov vm1;
	v3 =	vadd.s32 s0, v3  }
0x46b: {  	vm2 =	vmmov vm2;
	vm5 =	vmmov vm5;
	vm14 =	vle.s32 v3, v1;
	s23 =	spop (v2sf);
	v57, _, _ =	vpop (xrf0)  }
0x46c: {  	vm3 =	vmmov vm3;
	vm6 =	vmand vm6, vm14;
	s0 =	sadd.s32 s23, s0;
	(v2sf) =	vpush v57, $0xF  }
0x46d: {  	vm3 =	vmmov vm3;
	vm15 =	vlt.s32 v12, v0;
	vm4 =	vmor vm4, vm6;
	s0 =	sadd.s32 $0x80000000, s0;
	s24 =	spop (v2sf)  }
0x46e: {  	vm13 =	vmmov vm10;
	vm15 =	vmmov vm15;
	v56 =	vadd.s32 s0, v5;
	s0 =	sadd.s32 s24, s0  }
0x46f: {  	v55 =	vnsel vm4, $0x0, v8;
	vm9 =	vmmov vm13;
	vm14 =	vle.s32 v56, v1;
	s0 =	sadd.s32 $0x80000000, s0;
	s25 =	spop (v2sf)  }
0x470: {  	vm11 =	vmmov vm15;
	vm6 =	vmand vm12, vm14;
	v59 =	vadd.s32 s0, v9;
	s0 =	sadd.s32 s25, s0  }
0x471: {  	vm13 =	vmmov vm11;
	vm12 =	vmmov vm5;
	vm0 =	vmor vm0, vm6;
	s0 =	sadd.s32 $0x80000000, s0;
	s26 =	spop (v2sf)  }
0x472: {  	v58 =	vnsel vm0, $0x0, v6;
	vm0 =	vmmov vm9;
	vm10 =	vle.s32 v59, v1;
	s1 =	sadd.s32 s26, s0  }
0x473: {  	v60 =	vld [tilespmem:s6+$0x400];
	vm0 =	vmmov vm0;
	vm1 =	vmand vm1, vm10;
	v61 =	vadd.s32 s0, v49;
	s28 =	sadd.s32 $0x80000000, s1  }
0x474: {  	[tilespmem:s7+$0x800] =	vst v10;
	vm1 =	vmor vm2, vm1;
	vm14 =	vle.s32 v61, v1;
	v4 =	vadd.s32 s28, v52  }
0x475: {  	[tilespmem:s4+$0x800] =	vst v55;
	vm2 =	vmmov vm13;
	vm3 =	vmand vm3, vm14;
	vm15 =	vle.s32 v4, v1  }
0x476: {  	[tilespmem:s8+$0x800] =	vst v58;
	v2 =	vnsel vm1, $0x0, v2;
	vm1 =	vmor vm12, vm3;
	vm0 =	vmand vm0, vm15  }
0x477: {  	[tilespmem:s9+$0x800] =	vst v2;
	v62 =	vnsel vm1, $0x0, v7;
	vm0 =	vmor vm2, vm0  }
0x478: {  	s29 =	rddreg [dreg:$0x2];
	[tilespmem:s5+$0x800] =	vst v62;
	v63 =	vnsel vm0, $0x0, v60  }
0x479: {  	s30 =	simm.s32 $0x0;
	s2 =	simm.s32 $0x800;
	s0 =	sadd.s32 s29, s10;
	[tilespmem:s6+$0x800] =	vst v63  }
0x47a: {  	[hbm4b:s0+s30] =	stream.linear.scatter [tilespmem:s2], [sflag:$0x1], $0x400, $0x38;
	[tilespmem:$0x2A90] =	vst v63  }
0x47b: {  	s31 =	spop (v2sf);
	s0 =	simm.s32 $0x1  }
0x47c: {  	_ =	swait.ge [sflag:s0], $0x400  }
0x47d: {  	[sflag:s0] =	ssyncset.done $0x0  }
0x47e: {  	[sflag:s0] =	ssyncadd.s32 $0xFFFFFC00  }
0x47f: {  	_ =	sfence.sel $0x180000  }
0x480: {  	[bflag:$0x0] =	sbarrier.arrive $0xFFFF  }
0x481: {  	_ =	strace $0x90000047  }
0x482: {  	[bflag:$0x2] =	sbarrier.arrive $0xFFFF  }
0x483: {  	p0 =	sne.s32 s3, $0x0;
	s0 =	rddreg [dreg:$0x5]  }
0x484: {  	s0 =	sadd.s32 @!p0 $0x100000, s0  }
0x485: {  	[sflag:s0] =	ssyncadd.tile.s32 @!p0 $0x1;
	_ =	shalt  }
.Lfunc_end2:
_tile_overlayer_lowered:
.L_overlay_start_2:
0x486: {  	(tag) =	ssettag $0x2  }
0x487: {  	s0 =	rddreg [dreg:$0x0];
	s2 =	stileid.u32  }
0x488: {  	s1 =	rddreg [dreg:$0x1];
	p0 =	sne.s32 s2, $0x0  }
0x489: {  	s3 =	rddreg [dreg:$0x2];
	[bflag:$0x3] =	sbarrier.arrive $0xFFFF;
	s2 =	simm.s32 @!p0 $0x1C01  }
0x48a: {  	[timem:s3], [sflag:s2] =	dma.local @!p0 [hbm:s0], s1  }
0x48b: {  	s0 =	simm.s32 @!p0 $0x1  }
0x48c: {  	_ =	swait.ge @!p0 [sflag:s0], s1  }
0x48d: {  	s1 =	ssub.s32 @!p0 $0x0, s1;
	[sflag:s0] =	ssyncset.done @!p0 $0x0  }
0x48e: {  	[sflag:s0] =	ssyncadd.s32 @!p0 s1  }
0x48f: {  	[bflag:$0x3] =	sbarrier.arrive $0xFFFF  }
0x490: {  	_ =	shalt  }

</sc_bundles>
